<compile_context>
chip_gen: v7x
topology: tpu7x:2x2x1
jax: 0.10.2.dev20260603
libtpu: 0.0.44.dev20260713+nightly
codegen_flags: <defaults>
</compile_context>

<pallas_src>
import functools

import jax
import jax.numpy as jnp
from jax import lax
from jax.experimental import pallas as pl
from jax.experimental.pallas import tpu as pltpu
from jax.experimental.pallas import tpu_sc as plsc

N = 10000
E = 320000
D = 128
H = 16
G = 128
NC = 2
NS = 16
N_PAD = 10240
IW = 256
ROWS = E // IW
CH = 5
CHUNKS = ROWS // CH
C0_CHUNKS = 125
C1_CHUNKS = CHUNKS - C0_CHUNKS
_Q0, _R0 = divmod(C0_CHUNKS, NS)
_Q1, _R1 = divmod(C1_CHUNKS, NS)
R_MAX = (max(_Q0 + (1 if _R0 else 0), _Q1 + (1 if _R1 else 0))) * CH
CHE = CH * IW
RPT = N_PAD // NS
NP8 = N // 8
PADP = N_PAD * H // 128


def _worker_span(c, s):
    on0 = (c == 0)
    nch = jnp.where(on0, _Q0 + (s < _R0), _Q1 + (s < _R1)).astype(jnp.int32)
    cb = jnp.where(on0, s * _Q0 + jnp.minimum(s, _R0),
                   C0_CHUNKS + s * _Q1 + jnp.minimum(s, _R1)).astype(jnp.int32)
    return cb * CH, nch


def _deg_body(adj_hbm, out_hbm, idx_v, ones_v, zero_v, deg_sh, sem_s):
    c = lax.axis_index("c")
    s = lax.axis_index("s")
    for i in range(IW // 16):
        ones_v[pl.ds(i * 16, 16)] = jnp.ones((16,), jnp.float32)

    def zinit(i, carry):
        zero_v[pl.ds(i * 16, 16)] = jnp.zeros((16,), jnp.float32)
        return carry

    lax.fori_loop(0, RPT // 16, zinit, 0)
    pltpu.sync_copy(zero_v, deg_sh.at[pl.ds(s * RPT, RPT)])
    plsc.subcore_barrier()

    base, nch = _worker_span(c, s)
    pstart = jnp.minimum(base, ROWS - R_MAX)
    d = base - pstart
    pltpu.sync_copy(adj_hbm.at[1, pl.ds(pstart, R_MAX)], idx_v)
    drain = pltpu.make_async_copy(
        adj_hbm.at[1, pl.ds(0, CH)], idx_v.at[pl.ds(0, CH)], sem_s)

    def step(j, carry):
        @pl.when(j >= 1)
        def _():
            drain.wait()

        for k in range(CH):
            pltpu.async_copy(ones_v, deg_sh.at[idx_v.at[d + j * CH + k]],
                             sem_s, add=True)
        return carry

    lax.fori_loop(0, nch, step, 0)
    drain.wait()
    plsc.subcore_barrier()
    pltpu.sync_copy(deg_sh.at[pl.ds(s * RPT, RPT)],
                    out_hbm.at[c, pl.ds(s * RPT, RPT)])


def _scat_body(tab_hbm, adj_hbm, out_hbm,
               idx_v, rows_v, zrow_v, acc_sh, sem_g, sem_s):
    c = lax.axis_index("c")
    s = lax.axis_index("s")

    def zinit(i, carry):
        zrow_v[i, :] = jnp.zeros((16,), jnp.float32)
        return carry

    lax.fori_loop(0, RPT, zinit, 0)
    pltpu.sync_copy(zrow_v, acc_sh.at[pl.ds(s * RPT, RPT)])
    plsc.subcore_barrier()

    base, nch = _worker_span(c, s)
    pstart = jnp.minimum(base, ROWS - R_MAX)
    d = base - pstart
    pltpu.sync_copy(adj_hbm.at[0, pl.ds(pstart, R_MAX)], idx_v.at[0])
    pltpu.sync_copy(adj_hbm.at[1, pl.ds(pstart, R_MAX)], idx_v.at[1])

    dummy = tab_hbm.at[pl.ds(0, CHE)]

    def fire_gathers(j, b):
        for k in range(CH):
            pltpu.async_copy(tab_hbm.at[idx_v.at[0, d + j * CH + k]],
                             rows_v.at[b, pl.ds(k * IW, IW)], sem_g)

    def fire_scatters(j, b):
        for k in range(CH):
            pltpu.async_copy(rows_v.at[b, pl.ds(k * IW, IW)],
                             acc_sh.at[idx_v.at[1, d + j * CH + k]],
                             sem_s, add=True)

    fire_gathers(0, 0)

    def step(j, carry):
        b = lax.rem(j, 2)

        @pl.when(j >= 1)
        def _():
            pltpu.make_async_copy(dummy, rows_v.at[1 - b], sem_s).wait()

        @pl.when(j < nch - 1)
        def _():
            fire_gathers(j + 1, 1 - b)

        pltpu.make_async_copy(dummy, rows_v.at[b], sem_g).wait()
        fire_scatters(j, b)
        return carry

    lax.fori_loop(0, nch, step, 0)
    pltpu.make_async_copy(dummy, rows_v.at[lax.rem(nch - 1, 2)], sem_s).wait()
    plsc.subcore_barrier()
    pltpu.sync_copy(acc_sh.at[pl.ds(s * RPT, RPT)],
                    out_hbm.at[c, pl.ds(s * RPT, RPT)])


@functools.cache
def _sc_calls():
    mesh = plsc.VectorSubcoreMesh(core_axis_name="c", subcore_axis_name="s")
    params = pltpu.CompilerParams(use_tc_tiling_on_sc=False)
    deg_call = pl.kernel(
        _deg_body,
        out_type=jax.ShapeDtypeStruct((NC, N_PAD), jnp.float32),
        mesh=mesh,
        scratch_types=[
            pltpu.VMEM((R_MAX, IW), jnp.int32),
            pltpu.VMEM((IW,), jnp.float32),
            pltpu.VMEM((RPT,), jnp.float32),
            pltpu.VMEM_SHARED((N_PAD,), jnp.float32),
            pltpu.SemaphoreType.DMA,
        ],
        compiler_params=params,
    )
    scat_call = pl.kernel(
        _scat_body,
        out_type=jax.ShapeDtypeStruct((NC, N_PAD, H), jnp.float32),
        mesh=mesh,
        scratch_types=[
            pltpu.VMEM((2, R_MAX, IW), jnp.int32),
            pltpu.VMEM((2, CHE, H), jnp.float32),
            pltpu.VMEM((RPT, H), jnp.float32),
            pltpu.VMEM_SHARED((N_PAD, H), jnp.float32),
            pltpu.SemaphoreType.DMA,
            pltpu.SemaphoreType.DMA,
        ],
        compiler_params=params,
    )
    return deg_call, scat_call


def _tc1_body(x_ref, w1_ref, degp_ref, hp_ref, dinvb_ref):
    deg = degp_ref[0] + degp_ref[1] + 1.0
    dinv = lax.rsqrt(deg)[:N].reshape(N, 1)
    h = jnp.dot(x_ref[...], w1_ref[...], preferred_element_type=jnp.float32)
    hp_ref[...] = h * dinv
    dinvb_ref[...] = jnp.broadcast_to(dinv, (N, H))


_tc1_call = pl.pallas_call(
    _tc1_body,
    out_shape=[
        jax.ShapeDtypeStruct((N, H), jnp.float32),
        jax.ShapeDtypeStruct((N, H), jnp.float32),
    ],
)


def _tc2_body(acc_ref, hp_ref, dinvp_ref, b1t_ref, w2b_ref, hp2_ref):
    a = acc_ref[...]
    accp = a[:NP8] + a[PADP:PADP + NP8]
    dinvp = dinvp_ref[...]
    x1 = jnp.maximum(dinvp * (accp + hp_ref[...]) + b1t_ref[...], 0.0)
    h2 = jnp.dot(x1, w2b_ref[...], preferred_element_type=jnp.float32)
    hp2_ref[...] = h2 * dinvp


_tc2_call = pl.pallas_call(
    _tc2_body,
    out_shape=jax.ShapeDtypeStruct((NP8, 128), jnp.float32),
)


def _tc3_body(acc_ref, hp2_ref, dinvp_ref, b2t_ref, batch_ref,
              wfc_ref, bfc_ref, wout_ref, bout_ref, out_ref):
    a = acc_ref[...]
    accp = a[:NP8] + a[PADP:PADP + NP8]
    x2p = jnp.maximum(dinvp_ref[...] * (accp + hp2_ref[...]) + b2t_ref[...],
                      0.0)
    bt = batch_ref[...]
    gi = lax.broadcasted_iota(jnp.int32, (NP8, G), 1)
    ones_col = jnp.ones((NP8, 1), jnp.float32)
    dn = (((0,), (0,)), ((), ()))
    seg = jnp.zeros((G, H), jnp.float32)
    cnt = jnp.zeros((G, 1), jnp.float32)
    for j in range(8):
        mj = jnp.where(bt[:, j:j + 1] == gi, 1.0, 0.0)
        xs = x2p[:, H * j:H * (j + 1)]
        seg = seg + lax.dot_general(mj, xs, dn,
                                    preferred_element_type=jnp.float32)
        cnt = cnt + lax.dot_general(mj, ones_col, dn,
                                    preferred_element_type=jnp.float32)
    pooled = seg / jnp.maximum(cnt, 1.0)
    hfc = jnp.maximum(
        jnp.dot(pooled, wfc_ref[...], preferred_element_type=jnp.float32)
        + bfc_ref[...], 0.0)
    out_ref[...] = (jnp.dot(hfc, wout_ref[...],
                            preferred_element_type=jnp.float32) + bout_ref[...])


_tc3_call = pl.pallas_call(
    _tc3_body,
    out_shape=jax.ShapeDtypeStruct((G, 2), jnp.float32),
)


def kernel(features, adj, batch, W1, b1, W2, b2, Wfc, bfc, Wout, bout):
    adjr = adj.reshape(2, ROWS, IW)
    w2big = (jnp.eye(8, dtype=jnp.float32)[:, None, :, None]
             * W2[None, :, None, :]).reshape(8 * H, 8 * H)
    b1t = jnp.tile(b1, 8).reshape(1, 128)
    b2t = jnp.tile(b2, 8).reshape(1, 128)

    deg_call, scat_call = _sc_calls()
    degp = deg_call(adjr)
    hp1, dinvb = _tc1_call(features, W1, degp)
    dinvp = dinvb.reshape(NP8, 128)
    acc1 = scat_call(hp1, adjr)
    hp2p = _tc2_call(acc1.reshape(2 * PADP, 128), hp1.reshape(NP8, 128),
                     dinvp, b1t, w2big)
    acc2 = scat_call(hp2p.reshape(N, H), adjr)
    out = _tc3_call(acc2.reshape(2 * PADP, 128), hp2p, dinvp, b2t,
                    batch.reshape(NP8, 8),
                    Wfc, bfc.reshape(1, 16), Wout, bout.reshape(1, 2))
    return out

# --- scband reference (transcript-rebuilt; emitter-appended) ---
"""Pipeline reference for scband-gcn4-19808389169217 (READ-ONLY COPY).

The authoritative reference and input builder live on the scoring server;
editing this copy changes nothing except your own understanding.
"""

import jax, jax.numpy as jnp
import numpy as np

N_NODES = 10000
N_EDGES = 320000
D_FEAT = 128
HIDDEN = 16
NUM_GRAPHS = 128


def setup_inputs(seed: int = 0) -> dict:
    key = jax.random.key(seed)
    ks = jax.random.split(key, 12)
    features = jax.random.normal(ks[0], (N_NODES, D_FEAT), dtype=jnp.float32)
    adj = jax.random.randint(ks[1], (2, N_EDGES), 0, N_NODES, dtype=jnp.int32)
    batch = jnp.sort(jax.random.randint(ks[2], (N_NODES,), 0, NUM_GRAPHS, dtype=jnp.int32))
    W1 = jax.random.normal(ks[3], (D_FEAT, HIDDEN), dtype=jnp.float32) * (1.0 / np.sqrt(D_FEAT))
    b1 = jnp.zeros((HIDDEN,), dtype=jnp.float32)
    W2 = jax.random.normal(ks[4], (HIDDEN, HIDDEN), dtype=jnp.float32) * (1.0 / np.sqrt(HIDDEN))
    b2 = jnp.zeros((HIDDEN,), dtype=jnp.float32)
    Wfc = jax.random.normal(ks[5], (HIDDEN, 16), dtype=jnp.float32) * (1.0 / np.sqrt(HIDDEN))
    bfc = jnp.zeros((16,), dtype=jnp.float32)
    Wout = jax.random.normal(ks[6], (16, 2), dtype=jnp.float32) * 0.25
    bout = jnp.zeros((2,), dtype=jnp.float32)
    return {"features": features, "adj": adj, "batch": batch, "W1": W1, "b1": b1,
            "W2": W2, "b2": b2, "Wfc": Wfc, "bfc": bfc, "Wout": Wout, "bout": bout}


def _gcn_conv(x, edge_index, W, b):
    # PyG GCNConv: add self-loops, symmetric deg^-1/2 normalization, then scatter-add
    num_nodes = x.shape[0]
    loop = jnp.arange(num_nodes, dtype=edge_index.dtype)
    src = jnp.concatenate([edge_index[0], loop])
    dst = jnp.concatenate([edge_index[1], loop])
    deg = jnp.zeros((num_nodes,), dtype=x.dtype).at[dst].add(1.0)
    dinv = jax.lax.rsqrt(jnp.maximum(deg, 1.0))
    norm = dinv[src] * dinv[dst]
    h = x @ W
    msg = h[src] * norm[:, None]
    out = jnp.zeros_like(h).at[dst].add(msg)
    return out + b


def reference(features, adj, batch, W1, b1, W2, b2, Wfc, bfc, Wout, bout):
    # dropout is identity in eval mode
    x = jax.nn.relu(_gcn_conv(features, adj, W1, b1))
    x = jax.nn.relu(_gcn_conv(x, adj, W2, b2))
    # global_mean_pool over graph ids
    s = jax.ops.segment_sum(x, batch, num_segments=NUM_GRAPHS)
    cnt = jax.ops.segment_sum(jnp.ones((x.shape[0], 1), dtype=x.dtype), batch, num_segments=NUM_GRAPHS)
    pooled = s / jnp.maximum(cnt, 1.0)
    h = jax.nn.relu(pooled @ Wfc + bfc)
    return h @ Wout + bout

if __name__ == "__main__":
    import jax
    _d = setup_inputs()
    print(jax.jit(kernel)(*tuple(_d.values())))

</pallas_src>

<mosaic_0001>
#map = affine_map<(d0, d1) -> (0, 0)>
#map1 = affine_map<(d0, d1) -> (0, 0, 0)>
module attributes {stable_mosaic.version = 14 : i64} {
  func.func @_scat_body(%arg0: i32, %arg1: i32, %arg2: memref<10000x16xf32, #tpu.memory_space<hbm>>, %arg3: memref<2x1250x256xi32, #tpu.memory_space<hbm>>, %arg4: memref<2x10240x16xf32, #tpu.memory_space<hbm>>, %arg5: memref<2x40x256xi32, #tpu.memory_space<vmem>>, %arg6: memref<2x1280x16xf32, #tpu.memory_space<vmem>>, %arg7: memref<640x16xf32, #tpu.memory_space<vmem>>, %arg8: memref<10240x16xf32, #tpu.memory_space<vmem_shared>>, %arg9: memref<!tpu.dma_semaphore, #tpu.memory_space<semaphore_mem>>, %arg10: memref<!tpu.dma_semaphore, #tpu.memory_space<semaphore_mem>>) attributes {dimension_semantics = [#tpu.dimension_semantics<core_parallel>, #tpu.dimension_semantics<subcore_parallel>], iteration_bounds = array<i64: 2, 16>, scalar_prefetch = 0 : i64, scratch_operands = 6 : i64, tpu.core_type = #tpu.core_type<sc_vector_subcore>, window_params = [{transform_indices = #map}, {transform_indices = #map1}, {transform_indices = #map1}]} {
    %scan3A = arith.constant 0 : i32
    %scan3A_0 = arith.constant 0 : i32
    %scan3A_1 = arith.constant 640 : i32
    %scan3A_2 = arith.addi %scan3A_0, %scan3A_1 : i32
    %scan3A_3 = arith.constant 1 : i32
    scf.for %scan3A_142 = %scan3A_0 to %scan3A_2 step %scan3A_3  : i32 {
      %broadcast_in_dim3A = arith.constant 0.000000e+00 : f32
      %broadcast_in_dim3A_143 = vector.broadcast %broadcast_in_dim3A : f32 to vector<16xf32>
      %swap3A = arith.index_cast %scan3A_142 : i32 to index
      %swap3A_144 = arith.constant 0 : index
      %swap3A_145 = tpu.vector_load %arg7[%swap3A, %swap3A_144] {strides = array<i32>} : memref<640x16xf32, #tpu.memory_space<vmem>>, vector<1x16xf32>,
      %swap3A_146 = vector.shape_cast %swap3A_145 : vector<1x16xf32> to vector<16xf32>
      %swap3A_147 = vector.shape_cast %broadcast_in_dim3A_143 : vector<16xf32> to vector<1x16xf32>
      tpu.vector_store %arg7[%swap3A, %swap3A_144], %swap3A_147 {strides = array<i32>} : memref<640x16xf32, #tpu.memory_space<vmem>>, vector<1x16xf32>,
    }
    %scan3A_4 = arith.constant 640 : i32
    %mul3A = arith.constant 640 : i32
    %mul3A_5 = arith.muli %arg1, %mul3A : i32
    "tpu.region"() ({
      %run_scoped3A_142 = tpu.sem_alloc : memref<!tpu.dma_semaphore, #tpu.memory_space<semaphore_mem>>
      %dma_start3A_143 = arith.constant 0 : i32
      %dma_start3A_144 = tpu.memref_slice %arg8[%mul3A_5, %dma_start3A_143] : memref<10240x16xf32, #tpu.memory_space<vmem_shared>> -> memref<640x16xf32, #tpu.memory_space<vmem_shared>>
      %dma_start3A_145 = arith.constant 0 : i32
      %dma_start3A_146 = tpu.memref_slice %arg8[%mul3A_5, %dma_start3A_145] : memref<10240x16xf32, #tpu.memory_space<vmem_shared>> -> memref<640x16xf32, #tpu.memory_space<vmem_shared>>
      tpu.enqueue_dma source(%arg7 : memref<640x16xf32, #tpu.memory_space<vmem>>) target(%dma_start3A_146 : memref<640x16xf32, #tpu.memory_space<vmem_shared>>) target_semaphore(%run_scoped3A_142 : memref<!tpu.dma_semaphore, #tpu.memory_space<semaphore_mem>>)
      %dma_wait3A_147 = arith.constant 0 : i32
      %dma_wait3A_148 = tpu.memref_slice %arg8[%mul3A_5, %dma_wait3A_147] : memref<10240x16xf32, #tpu.memory_space<vmem_shared>> -> memref<640x16xf32, #tpu.memory_space<vmem_shared>>
      %dma_wait3A_149 = arith.constant 0 : i32
      %dma_wait3A_150 = tpu.memref_slice %arg8[%mul3A_5, %dma_wait3A_149] : memref<10240x16xf32, #tpu.memory_space<vmem_shared>> -> memref<640x16xf32, #tpu.memory_space<vmem_shared>>
      tpu.wait_dma2 semaphore(%run_scoped3A_142 : memref<!tpu.dma_semaphore, #tpu.memory_space<semaphore_mem>>) src(%arg7 : memref<640x16xf32, #tpu.memory_space<vmem>>) dst(%dma_wait3A_150 : memref<640x16xf32, #tpu.memory_space<vmem_shared>>)
      tpu.yield
    }) : () -> ()
    %barrier3A = arith.constant 0 : index
    tpu.barrier barrier_id(%barrier3A)
    %eq3A = arith.constant 0 : i32
    %eq3A_6 = arith.cmpi eq, %arg0, %eq3A : i32
    %lt3A = arith.constant 13 : i32
    %lt3A_7 = arith.cmpi slt, %arg1, %lt3A : i32
    %convert_element_type3A = arith.extui %lt3A_7 : i1 to i32
    %add3A = arith.constant 7 : i32
    %add3A_8 = arith.addi %add3A, %convert_element_type3A : i32
    %lt3A_9 = arith.constant 13 : i32
    %lt3A_10 = arith.cmpi slt, %arg1, %lt3A_9 : i32
    %convert_element_type3A_11 = arith.extui %lt3A_10 : i1 to i32
    %add3A_12 = arith.constant 7 : i32
    %add3A_13 = arith.addi %add3A_12, %convert_element_type3A_11 : i32
    %select_n3A = arith.select %eq3A_6, %add3A_8, %add3A_13 : i32
    %mul3A_14 = arith.constant 7 : i32
    %mul3A_15 = arith.muli %arg1, %mul3A_14 : i32
    %min3A = arith.constant 13 : i32
    %min3A_16 = arith.minsi %arg1, %min3A : i32
    %add3A_17 = arith.addi %mul3A_15, %min3A_16 : i32
    %mul3A_18 = arith.constant 7 : i32
    %mul3A_19 = arith.muli %arg1, %mul3A_18 : i32
    %add3A_20 = arith.constant 125 : i32
    %add3A_21 = arith.addi %add3A_20, %mul3A_19 : i32
    %min3A_22 = arith.constant 13 : i32
    %min3A_23 = arith.minsi %arg1, %min3A_22 : i32
    %add3A_24 = arith.addi %add3A_21, %min3A_23 : i32
    %select_n3A_25 = arith.select %eq3A_6, %add3A_17, %add3A_24 : i32
    %mul3A_26 = arith.constant 5 : i32
    %mul3A_27 = arith.muli %select_n3A_25, %mul3A_26 : i32
    %min3A_28 = arith.constant 1210 : i32
    %min3A_29 = arith.minsi %mul3A_27, %min3A_28 : i32
    %sub3A = arith.subi %mul3A_27, %min3A_29 : i32
    %run_scoped3A = arith.constant 0 : i32
    %run_scoped3A_30 = arith.constant 0 : i32
    "tpu.region"() ({
      %run_scoped3A_142 = tpu.sem_alloc : memref<!tpu.dma_semaphore, #tpu.memory_space<semaphore_mem>>
      %dma_start3A_143 = arith.constant 0 : i32
      %dma_start3A_144 = arith.constant 0 : i32
      %dma_start3A_145 = tpu.memref_slice %arg5[%run_scoped3A_30, %dma_start3A_143, %dma_start3A_144] : memref<2x40x256xi32, #tpu.memory_space<vmem>> -> memref<1x40x256xi32, #tpu.memory_space<vmem>>
      %dma_start3A_146 = tpu.memref_squeeze %dma_start3A_145 : memref<1x40x256xi32, #tpu.memory_space<vmem>> -> memref<40x256xi32, #tpu.memory_space<vmem>>
      %dma_start3A_147 = arith.constant 0 : i32
      %dma_start3A_148 = tpu.memref_slice %arg3[%run_scoped3A, %min3A_29, %dma_start3A_147] : memref<2x1250x256xi32, #tpu.memory_space<hbm>> -> memref<1x40x256xi32, #tpu.memory_space<hbm>>
      %dma_start3A_149 = tpu.memref_squeeze %dma_start3A_148 : memref<1x40x256xi32, #tpu.memory_space<hbm>> -> memref<40x256xi32, #tpu.memory_space<hbm>>
      %dma_start3A_150 = arith.constant 0 : i32
      %dma_start3A_151 = arith.constant 0 : i32
      %dma_start3A_152 = tpu.memref_slice %arg5[%run_scoped3A_30, %dma_start3A_150, %dma_start3A_151] : memref<2x40x256xi32, #tpu.memory_space<vmem>> -> memref<1x40x256xi32, #tpu.memory_space<vmem>>
      %dma_start3A_153 = tpu.memref_squeeze %dma_start3A_152 : memref<1x40x256xi32, #tpu.memory_space<vmem>> -> memref<40x256xi32, #tpu.memory_space<vmem>>
      %dma_start3A_154 = arith.constant 0 : i32
      %dma_start3A_155 = tpu.memref_slice %arg3[%run_scoped3A, %min3A_29, %dma_start3A_154] : memref<2x1250x256xi32, #tpu.memory_space<hbm>> -> memref<1x40x256xi32, #tpu.memory_space<hbm>>
      %dma_start3A_156 = tpu.memref_squeeze %dma_start3A_155 : memref<1x40x256xi32, #tpu.memory_space<hbm>> -> memref<40x256xi32, #tpu.memory_space<hbm>>
      tpu.enqueue_dma source(%dma_start3A_156 : memref<40x256xi32, #tpu.memory_space<hbm>>) target(%dma_start3A_153 : memref<40x256xi32, #tpu.memory_space<vmem>>) target_semaphore(%run_scoped3A_142 : memref<!tpu.dma_semaphore, #tpu.memory_space<semaphore_mem>>)
      %dma_wait3A_157 = arith.constant 0 : i32
      %dma_wait3A_158 = arith.constant 0 : i32
      %dma_wait3A_159 = tpu.memref_slice %arg5[%run_scoped3A_30, %dma_wait3A_157, %dma_wait3A_158] : memref<2x40x256xi32, #tpu.memory_space<vmem>> -> memref<1x40x256xi32, #tpu.memory_space<vmem>>
      %dma_wait3A_160 = tpu.memref_squeeze %dma_wait3A_159 : memref<1x40x256xi32, #tpu.memory_space<vmem>> -> memref<40x256xi32, #tpu.memory_space<vmem>>
      %dma_wait3A_161 = arith.constant 0 : i32
      %dma_wait3A_162 = tpu.memref_slice %arg3[%run_scoped3A, %min3A_29, %dma_wait3A_161] : memref<2x1250x256xi32, #tpu.memory_space<hbm>> -> memref<1x40x256xi32, #tpu.memory_space<hbm>>
      %dma_wait3A_163 = tpu.memref_squeeze %dma_wait3A_162 : memref<1x40x256xi32, #tpu.memory_space<hbm>> -> memref<40x256xi32, #tpu.memory_space<hbm>>
      %dma_wait3A_164 = arith.constant 0 : i32
      %dma_wait3A_165 = arith.constant 0 : i32
      %dma_wait3A_166 = tpu.memref_slice %arg5[%run_scoped3A_30, %dma_wait3A_164, %dma_wait3A_165] : memref<2x40x256xi32, #tpu.memory_space<vmem>> -> memref<1x40x256xi32, #tpu.memory_space<vmem>>
      %dma_wait3A_167 = tpu.memref_squeeze %dma_wait3A_166 : memref<1x40x256xi32, #tpu.memory_space<vmem>> -> memref<40x256xi32, #tpu.memory_space<vmem>>
      %dma_wait3A_168 = arith.constant 0 : i32
      %dma_wait3A_169 = tpu.memref_slice %arg3[%run_scoped3A, %min3A_29, %dma_wait3A_168] : memref<2x1250x256xi32, #tpu.memory_space<hbm>> -> memref<1x40x256xi32, #tpu.memory_space<hbm>>
      %dma_wait3A_170 = tpu.memref_squeeze %dma_wait3A_169 : memref<1x40x256xi32, #tpu.memory_space<hbm>> -> memref<40x256xi32, #tpu.memory_space<hbm>>
      tpu.wait_dma2 semaphore(%run_scoped3A_142 : memref<!tpu.dma_semaphore, #tpu.memory_space<semaphore_mem>>) src(%dma_wait3A_170 : memref<40x256xi32, #tpu.memory_space<hbm>>) dst(%dma_wait3A_167 : memref<40x256xi32, #tpu.memory_space<vmem>>)
      tpu.yield
    }) : () -> ()
    %run_scoped3A_31 = arith.constant 1 : i32
    %run_scoped3A_32 = arith.constant 1 : i32
    "tpu.region"() ({
      %run_scoped3A_142 = tpu.sem_alloc : memref<!tpu.dma_semaphore, #tpu.memory_space<semaphore_mem>>
      %dma_start3A_143 = arith.constant 0 : i32
      %dma_start3A_144 = arith.constant 0 : i32
      %dma_start3A_145 = tpu.memref_slice %arg5[%run_scoped3A_32, %dma_start3A_143, %dma_start3A_144] : memref<2x40x256xi32, #tpu.memory_space<vmem>> -> memref<1x40x256xi32, #tpu.memory_space<vmem>>
      %dma_start3A_146 = tpu.memref_squeeze %dma_start3A_145 : memref<1x40x256xi32, #tpu.memory_space<vmem>> -> memref<40x256xi32, #tpu.memory_space<vmem>>
      %dma_start3A_147 = arith.constant 0 : i32
      %dma_start3A_148 = tpu.memref_slice %arg3[%run_scoped3A_31, %min3A_29, %dma_start3A_147] : memref<2x1250x256xi32, #tpu.memory_space<hbm>> -> memref<1x40x256xi32, #tpu.memory_space<hbm>>
      %dma_start3A_149 = tpu.memref_squeeze %dma_start3A_148 : memref<1x40x256xi32, #tpu.memory_space<hbm>> -> memref<40x256xi32, #tpu.memory_space<hbm>>
      %dma_start3A_150 = arith.constant 0 : i32
      %dma_start3A_151 = arith.constant 0 : i32
      %dma_start3A_152 = tpu.memref_slice %arg5[%run_scoped3A_32, %dma_start3A_150, %dma_start3A_151] : memref<2x40x256xi32, #tpu.memory_space<vmem>> -> memref<1x40x256xi32, #tpu.memory_space<vmem>>
      %dma_start3A_153 = tpu.memref_squeeze %dma_start3A_152 : memref<1x40x256xi32, #tpu.memory_space<vmem>> -> memref<40x256xi32, #tpu.memory_space<vmem>>
      %dma_start3A_154 = arith.constant 0 : i32
      %dma_start3A_155 = tpu.memref_slice %arg3[%run_scoped3A_31, %min3A_29, %dma_start3A_154] : memref<2x1250x256xi32, #tpu.memory_space<hbm>> -> memref<1x40x256xi32, #tpu.memory_space<hbm>>
      %dma_start3A_156 = tpu.memref_squeeze %dma_start3A_155 : memref<1x40x256xi32, #tpu.memory_space<hbm>> -> memref<40x256xi32, #tpu.memory_space<hbm>>
      tpu.enqueue_dma source(%dma_start3A_156 : memref<40x256xi32, #tpu.memory_space<hbm>>) target(%dma_start3A_153 : memref<40x256xi32, #tpu.memory_space<vmem>>) target_semaphore(%run_scoped3A_142 : memref<!tpu.dma_semaphore, #tpu.memory_space<semaphore_mem>>)
      %dma_wait3A_157 = arith.constant 0 : i32
      %dma_wait3A_158 = arith.constant 0 : i32
      %dma_wait3A_159 = tpu.memref_slice %arg5[%run_scoped3A_32, %dma_wait3A_157, %dma_wait3A_158] : memref<2x40x256xi32, #tpu.memory_space<vmem>> -> memref<1x40x256xi32, #tpu.memory_space<vmem>>
      %dma_wait3A_160 = tpu.memref_squeeze %dma_wait3A_159 : memref<1x40x256xi32, #tpu.memory_space<vmem>> -> memref<40x256xi32, #tpu.memory_space<vmem>>
      %dma_wait3A_161 = arith.constant 0 : i32
      %dma_wait3A_162 = tpu.memref_slice %arg3[%run_scoped3A_31, %min3A_29, %dma_wait3A_161] : memref<2x1250x256xi32, #tpu.memory_space<hbm>> -> memref<1x40x256xi32, #tpu.memory_space<hbm>>
      %dma_wait3A_163 = tpu.memref_squeeze %dma_wait3A_162 : memref<1x40x256xi32, #tpu.memory_space<hbm>> -> memref<40x256xi32, #tpu.memory_space<hbm>>
      %dma_wait3A_164 = arith.constant 0 : i32
      %dma_wait3A_165 = arith.constant 0 : i32
      %dma_wait3A_166 = tpu.memref_slice %arg5[%run_scoped3A_32, %dma_wait3A_164, %dma_wait3A_165] : memref<2x40x256xi32, #tpu.memory_space<vmem>> -> memref<1x40x256xi32, #tpu.memory_space<vmem>>
      %dma_wait3A_167 = tpu.memref_squeeze %dma_wait3A_166 : memref<1x40x256xi32, #tpu.memory_space<vmem>> -> memref<40x256xi32, #tpu.memory_space<vmem>>
      %dma_wait3A_168 = arith.constant 0 : i32
      %dma_wait3A_169 = tpu.memref_slice %arg3[%run_scoped3A_31, %min3A_29, %dma_wait3A_168] : memref<2x1250x256xi32, #tpu.memory_space<hbm>> -> memref<1x40x256xi32, #tpu.memory_space<hbm>>
      %dma_wait3A_170 = tpu.memref_squeeze %dma_wait3A_169 : memref<1x40x256xi32, #tpu.memory_space<hbm>> -> memref<40x256xi32, #tpu.memory_space<hbm>>
      tpu.wait_dma2 semaphore(%run_scoped3A_142 : memref<!tpu.dma_semaphore, #tpu.memory_space<semaphore_mem>>) src(%dma_wait3A_170 : memref<40x256xi32, #tpu.memory_space<hbm>>) dst(%dma_wait3A_167 : memref<40x256xi32, #tpu.memory_space<vmem>>)
      tpu.yield
    }) : () -> ()
    %add3A_33 = arith.constant 0 : i32
    %add3A_34 = arith.addi %sub3A, %add3A_33 : i32
    %add3A_35 = arith.constant 0 : i32
    %add3A_36 = arith.addi %add3A_34, %add3A_35 : i32
    %dma_start3A = arith.constant 0 : i32
    %dma_start3A_37 = arith.constant 0 : i32
    %dma_start3A_38 = arith.constant 0 : i32
    %dma_start3A_39 = arith.constant 0 : i32
    %dma_start3A_40 = tpu.memref_slice %arg6[%dma_start3A_37, %dma_start3A_38, %dma_start3A_39] : memref<2x1280x16xf32, #tpu.memory_space<vmem>> -> memref<1x256x16xf32, #tpu.memory_space<vmem>>
    %dma_start3A_41 = tpu.memref_squeeze %dma_start3A_40 : memref<1x256x16xf32, #tpu.memory_space<vmem>> -> memref<256x16xf32, #tpu.memory_space<vmem>>
    %dma_start3A_42 = arith.constant 0 : i32
    %dma_start3A_43 = tpu.memref_slice %arg5[%dma_start3A, %add3A_36, %dma_start3A_42] : memref<2x40x256xi32, #tpu.memory_space<vmem>> -> memref<1x1x256xi32, #tpu.memory_space<vmem>>
    %dma_start3A_44 = tpu.memref_squeeze %dma_start3A_43 : memref<1x1x256xi32, #tpu.memory_space<vmem>> -> memref<256xi32, #tpu.memory_space<vmem>>
    %dma_start3A_45 = arith.constant 0 : i32
    %dma_start3A_46 = arith.constant 0 : i32
    %dma_start3A_47 = tpu.memref_slice %arg2[%dma_start3A_45, %dma_start3A_46] : memref<10000x16xf32, #tpu.memory_space<hbm>> -> memref<10000x16xf32, #tpu.memory_space<hbm>>
    tpu.enqueue_indirect_dma source(%dma_start3A_47 : memref<10000x16xf32, #tpu.memory_space<hbm>>) target(%dma_start3A_41 : memref<256x16xf32, #tpu.memory_space<vmem>>) offsets(%dma_start3A_44 : memref<256xi32, #tpu.memory_space<vmem>>) semaphore(%arg9 : memref<!tpu.dma_semaphore, #tpu.memory_space<semaphore_mem>>)
    %add3A_48 = arith.constant 0 : i32
    %add3A_49 = arith.addi %sub3A, %add3A_48 : i32
    %add3A_50 = arith.constant 1 : i32
    %add3A_51 = arith.addi %add3A_49, %add3A_50 : i32
    %dma_start3A_52 = arith.constant 0 : i32
    %dma_start3A_53 = arith.constant 0 : i32
    %dma_start3A_54 = arith.constant 256 : i32
    %dma_start3A_55 = arith.constant 0 : i32
    %dma_start3A_56 = tpu.memref_slice %arg6[%dma_start3A_53, %dma_start3A_54, %dma_start3A_55] : memref<2x1280x16xf32, #tpu.memory_space<vmem>> -> memref<1x256x16xf32, #tpu.memory_space<vmem>>
    %dma_start3A_57 = tpu.memref_squeeze %dma_start3A_56 : memref<1x256x16xf32, #tpu.memory_space<vmem>> -> memref<256x16xf32, #tpu.memory_space<vmem>>
    %dma_start3A_58 = arith.constant 0 : i32
    %dma_start3A_59 = tpu.memref_slice %arg5[%dma_start3A_52, %add3A_51, %dma_start3A_58] : memref<2x40x256xi32, #tpu.memory_space<vmem>> -> memref<1x1x256xi32, #tpu.memory_space<vmem>>
    %dma_start3A_60 = tpu.memref_squeeze %dma_start3A_59 : memref<1x1x256xi32, #tpu.memory_space<vmem>> -> memref<256xi32, #tpu.memory_space<vmem>>
    %dma_start3A_61 = arith.constant 0 : i32
    %dma_start3A_62 = arith.constant 0 : i32
    %dma_start3A_63 = tpu.memref_slice %arg2[%dma_start3A_61, %dma_start3A_62] : memref<10000x16xf32, #tpu.memory_space<hbm>> -> memref<10000x16xf32, #tpu.memory_space<hbm>>
    tpu.enqueue_indirect_dma source(%dma_start3A_63 : memref<10000x16xf32, #tpu.memory_space<hbm>>) target(%dma_start3A_57 : memref<256x16xf32, #tpu.memory_space<vmem>>) offsets(%dma_start3A_60 : memref<256xi32, #tpu.memory_space<vmem>>) semaphore(%arg9 : memref<!tpu.dma_semaphore, #tpu.memory_space<semaphore_mem>>)
    %add3A_64 = arith.constant 0 : i32
    %add3A_65 = arith.addi %sub3A, %add3A_64 : i32
    %add3A_66 = arith.constant 2 : i32
    %add3A_67 = arith.addi %add3A_65, %add3A_66 : i32
    %dma_start3A_68 = arith.constant 0 : i32
    %dma_start3A_69 = arith.constant 0 : i32
    %dma_start3A_70 = arith.constant 512 : i32
    %dma_start3A_71 = arith.constant 0 : i32
    %dma_start3A_72 = tpu.memref_slice %arg6[%dma_start3A_69, %dma_start3A_70, %dma_start3A_71] : memref<2x1280x16xf32, #tpu.memory_space<vmem>> -> memref<1x256x16xf32, #tpu.memory_space<vmem>>
    %dma_start3A_73 = tpu.memref_squeeze %dma_start3A_72 : memref<1x256x16xf32, #tpu.memory_space<vmem>> -> memref<256x16xf32, #tpu.memory_space<vmem>>
    %dma_start3A_74 = arith.constant 0 : i32
    %dma_start3A_75 = tpu.memref_slice %arg5[%dma_start3A_68, %add3A_67, %dma_start3A_74] : memref<2x40x256xi32, #tpu.memory_space<vmem>> -> memref<1x1x256xi32, #tpu.memory_space<vmem>>
    %dma_start3A_76 = tpu.memref_squeeze %dma_start3A_75 : memref<1x1x256xi32, #tpu.memory_space<vmem>> -> memref<256xi32, #tpu.memory_space<vmem>>
    %dma_start3A_77 = arith.constant 0 : i32
    %dma_start3A_78 = arith.constant 0 : i32
    %dma_start3A_79 = tpu.memref_slice %arg2[%dma_start3A_77, %dma_start3A_78] : memref<10000x16xf32, #tpu.memory_space<hbm>> -> memref<10000x16xf32, #tpu.memory_space<hbm>>
    tpu.enqueue_indirect_dma source(%dma_start3A_79 : memref<10000x16xf32, #tpu.memory_space<hbm>>) target(%dma_start3A_73 : memref<256x16xf32, #tpu.memory_space<vmem>>) offsets(%dma_start3A_76 : memref<256xi32, #tpu.memory_space<vmem>>) semaphore(%arg9 : memref<!tpu.dma_semaphore, #tpu.memory_space<semaphore_mem>>)
    %add3A_80 = arith.constant 0 : i32
    %add3A_81 = arith.addi %sub3A, %add3A_80 : i32
    %add3A_82 = arith.constant 3 : i32
    %add3A_83 = arith.addi %add3A_81, %add3A_82 : i32
    %dma_start3A_84 = arith.constant 0 : i32
    %dma_start3A_85 = arith.constant 0 : i32
    %dma_start3A_86 = arith.constant 768 : i32
    %dma_start3A_87 = arith.constant 0 : i32
    %dma_start3A_88 = tpu.memref_slice %arg6[%dma_start3A_85, %dma_start3A_86, %dma_start3A_87] : memref<2x1280x16xf32, #tpu.memory_space<vmem>> -> memref<1x256x16xf32, #tpu.memory_space<vmem>>
    %dma_start3A_89 = tpu.memref_squeeze %dma_start3A_88 : memref<1x256x16xf32, #tpu.memory_space<vmem>> -> memref<256x16xf32, #tpu.memory_space<vmem>>
    %dma_start3A_90 = arith.constant 0 : i32
    %dma_start3A_91 = tpu.memref_slice %arg5[%dma_start3A_84, %add3A_83, %dma_start3A_90] : memref<2x40x256xi32, #tpu.memory_space<vmem>> -> memref<1x1x256xi32, #tpu.memory_space<vmem>>
    %dma_start3A_92 = tpu.memref_squeeze %dma_start3A_91 : memref<1x1x256xi32, #tpu.memory_space<vmem>> -> memref<256xi32, #tpu.memory_space<vmem>>
    %dma_start3A_93 = arith.constant 0 : i32
    %dma_start3A_94 = arith.constant 0 : i32
    %dma_start3A_95 = tpu.memref_slice %arg2[%dma_start3A_93, %dma_start3A_94] : memref<10000x16xf32, #tpu.memory_space<hbm>> -> memref<10000x16xf32, #tpu.memory_space<hbm>>
    tpu.enqueue_indirect_dma source(%dma_start3A_95 : memref<10000x16xf32, #tpu.memory_space<hbm>>) target(%dma_start3A_89 : memref<256x16xf32, #tpu.memory_space<vmem>>) offsets(%dma_start3A_92 : memref<256xi32, #tpu.memory_space<vmem>>) semaphore(%arg9 : memref<!tpu.dma_semaphore, #tpu.memory_space<semaphore_mem>>)
    %add3A_96 = arith.constant 0 : i32
    %add3A_97 = arith.addi %sub3A, %add3A_96 : i32
    %add3A_98 = arith.constant 4 : i32
    %add3A_99 = arith.addi %add3A_97, %add3A_98 : i32
    %dma_start3A_100 = arith.constant 0 : i32
    %dma_start3A_101 = arith.constant 0 : i32
    %dma_start3A_102 = arith.constant 1024 : i32
    %dma_start3A_103 = arith.constant 0 : i32
    %dma_start3A_104 = tpu.memref_slice %arg6[%dma_start3A_101, %dma_start3A_102, %dma_start3A_103] : memref<2x1280x16xf32, #tpu.memory_space<vmem>> -> memref<1x256x16xf32, #tpu.memory_space<vmem>>
    %dma_start3A_105 = tpu.memref_squeeze %dma_start3A_104 : memref<1x256x16xf32, #tpu.memory_space<vmem>> -> memref<256x16xf32, #tpu.memory_space<vmem>>
    %dma_start3A_106 = arith.constant 0 : i32
    %dma_start3A_107 = tpu.memref_slice %arg5[%dma_start3A_100, %add3A_99, %dma_start3A_106] : memref<2x40x256xi32, #tpu.memory_space<vmem>> -> memref<1x1x256xi32, #tpu.memory_space<vmem>>
    %dma_start3A_108 = tpu.memref_squeeze %dma_start3A_107 : memref<1x1x256xi32, #tpu.memory_space<vmem>> -> memref<256xi32, #tpu.memory_space<vmem>>
    %dma_start3A_109 = arith.constant 0 : i32
    %dma_start3A_110 = arith.constant 0 : i32
    %dma_start3A_111 = tpu.memref_slice %arg2[%dma_start3A_109, %dma_start3A_110] : memref<10000x16xf32, #tpu.memory_space<hbm>> -> memref<10000x16xf32, #tpu.memory_space<hbm>>
    tpu.enqueue_indirect_dma source(%dma_start3A_111 : memref<10000x16xf32, #tpu.memory_space<hbm>>) target(%dma_start3A_105 : memref<256x16xf32, #tpu.memory_space<vmem>>) offsets(%dma_start3A_108 : memref<256xi32, #tpu.memory_space<vmem>>) semaphore(%arg9 : memref<!tpu.dma_semaphore, #tpu.memory_space<semaphore_mem>>)
    %while3A = arith.constant 0 : i32
    %while3A_112 = arith.constant 0 : i32
    %while3A_113 = arith.subi %select_n3A, %while3A_112 : i32
    %while3A_114 = arith.addi %while3A_112, %while3A_113 : i32
    %while3A_115 = arith.constant 1 : i32
    %while3A_116 = arith.divsi %while3A_113, %while3A_115 : i32
    %while3A_117 = arith.muli %while3A_116, %while3A_115 : i32
    %while3A_118 = arith.addi %while3A_112, %while3A_117 : i32
    %while3A_119 = arith.constant 1 : i32
    scf.for %while3A_142 = %while3A_112 to %while3A_118 step %while3A_119  : i32 {
      %rem3A_143 = arith.constant 2 : i32
      %rem3A_144 = arith.remsi %while3A_142, %rem3A_143 : i32
      %ge3A = arith.constant 1 : i32
      %ge3A_145 = arith.cmpi sge, %while3A_142, %ge3A : i32
      %convert_element_type3A_146 = arith.extui %ge3A_145 : i1 to i32
      %cond3A = arith.constant 0 : i32
      %cond3A_147 = arith.cmpi ne, %convert_element_type3A_146, %cond3A : i32
      scf.if %cond3A_147 {
        %sub3A_248 = arith.constant 1 : i32
        %sub3A_249 = arith.subi %sub3A_248, %rem3A_144 : i32
        %dma_wait3A_250 = arith.constant 0 : i32
        %dma_wait3A_251 = arith.constant 0 : i32
        %dma_wait3A_252 = tpu.memref_slice %arg6[%sub3A_249, %dma_wait3A_250, %dma_wait3A_251] : memref<2x1280x16xf32, #tpu.memory_space<vmem>> -> memref<1x1280x16xf32, #tpu.memory_space<vmem>>
        %dma_wait3A_253 = tpu.memref_squeeze %dma_wait3A_252 : memref<1x1280x16xf32, #tpu.memory_space<vmem>> -> memref<1280x16xf32, #tpu.memory_space<vmem>>
        %dma_wait3A_254 = arith.constant 0 : i32
        %dma_wait3A_255 = arith.constant 0 : i32
        %dma_wait3A_256 = tpu.memref_slice %arg2[%dma_wait3A_254, %dma_wait3A_255] : memref<10000x16xf32, #tpu.memory_space<hbm>> -> memref<1280x16xf32, #tpu.memory_space<hbm>>
        %dma_wait3A_257 = arith.constant 0 : i32
        %dma_wait3A_258 = arith.constant 0 : i32
        %dma_wait3A_259 = tpu.memref_slice %arg6[%sub3A_249, %dma_wait3A_257, %dma_wait3A_258] : memref<2x1280x16xf32, #tpu.memory_space<vmem>> -> memref<1x1280x16xf32, #tpu.memory_space<vmem>>
        %dma_wait3A_260 = tpu.memref_squeeze %dma_wait3A_259 : memref<1x1280x16xf32, #tpu.memory_space<vmem>> -> memref<1280x16xf32, #tpu.memory_space<vmem>>
        %dma_wait3A_261 = arith.constant 0 : i32
        %dma_wait3A_262 = arith.constant 0 : i32
        %dma_wait3A_263 = tpu.memref_slice %arg2[%dma_wait3A_261, %dma_wait3A_262] : memref<10000x16xf32, #tpu.memory_space<hbm>> -> memref<1280x16xf32, #tpu.memory_space<hbm>>
        tpu.wait_dma2 semaphore(%arg10 : memref<!tpu.dma_semaphore, #tpu.memory_space<semaphore_mem>>) src(%dma_wait3A_263 : memref<1280x16xf32, #tpu.memory_space<hbm>>) dst(%dma_wait3A_260 : memref<1280x16xf32, #tpu.memory_space<vmem>>)
      } else {
      }
      %sub3A_148 = arith.constant 1 : i32
      %sub3A_149 = arith.subi %select_n3A, %sub3A_148 : i32
      %lt3A_150 = arith.cmpi slt, %while3A_142, %sub3A_149 : i32
      %convert_element_type3A_151 = arith.extui %lt3A_150 : i1 to i32
      %cond3A_152 = arith.constant 0 : i32
      %cond3A_153 = arith.cmpi ne, %convert_element_type3A_151, %cond3A_152 : i32
      scf.if %cond3A_153 {
        %add3A_248 = arith.constant 1 : i32
        %add3A_249 = arith.addi %while3A_142, %add3A_248 : i32
        %sub3A_250 = arith.constant 1 : i32
        %sub3A_251 = arith.subi %sub3A_250, %rem3A_144 : i32
        %mul3A_252 = arith.constant 5 : i32
        %mul3A_253 = arith.muli %add3A_249, %mul3A_252 : i32
        %add3A_254 = arith.addi %sub3A, %mul3A_253 : i32
        %add3A_255 = arith.constant 0 : i32
        %add3A_256 = arith.addi %add3A_254, %add3A_255 : i32
        %dma_start3A_257 = arith.constant 0 : i32
        %dma_start3A_258 = arith.constant 0 : i32
        %dma_start3A_259 = arith.constant 0 : i32
        %dma_start3A_260 = tpu.memref_slice %arg6[%sub3A_251, %dma_start3A_258, %dma_start3A_259] : memref<2x1280x16xf32, #tpu.memory_space<vmem>> -> memref<1x256x16xf32, #tpu.memory_space<vmem>>
        %dma_start3A_261 = tpu.memref_squeeze %dma_start3A_260 : memref<1x256x16xf32, #tpu.memory_space<vmem>> -> memref<256x16xf32, #tpu.memory_space<vmem>>
        %dma_start3A_262 = arith.constant 0 : i32
        %dma_start3A_263 = tpu.memref_slice %arg5[%dma_start3A_257, %add3A_256, %dma_start3A_262] : memref<2x40x256xi32, #tpu.memory_space<vmem>> -> memref<1x1x256xi32, #tpu.memory_space<vmem>>
        %dma_start3A_264 = tpu.memref_squeeze %dma_start3A_263 : memref<1x1x256xi32, #tpu.memory_space<vmem>> -> memref<256xi32, #tpu.memory_space<vmem>>
        %dma_start3A_265 = arith.constant 0 : i32
        %dma_start3A_266 = arith.constant 0 : i32
        %dma_start3A_267 = tpu.memref_slice %arg2[%dma_start3A_265, %dma_start3A_266] : memref<10000x16xf32, #tpu.memory_space<hbm>> -> memref<10000x16xf32, #tpu.memory_space<hbm>>
        tpu.enqueue_indirect_dma source(%dma_start3A_267 : memref<10000x16xf32, #tpu.memory_space<hbm>>) target(%dma_start3A_261 : memref<256x16xf32, #tpu.memory_space<vmem>>) offsets(%dma_start3A_264 : memref<256xi32, #tpu.memory_space<vmem>>) semaphore(%arg9 : memref<!tpu.dma_semaphore, #tpu.memory_space<semaphore_mem>>)
        %mul3A_268 = arith.constant 5 : i32
        %mul3A_269 = arith.muli %add3A_249, %mul3A_268 : i32
        %add3A_270 = arith.addi %sub3A, %mul3A_269 : i32
        %add3A_271 = arith.constant 1 : i32
        %add3A_272 = arith.addi %add3A_270, %add3A_271 : i32
        %dma_start3A_273 = arith.constant 0 : i32
        %dma_start3A_274 = arith.constant 256 : i32
        %dma_start3A_275 = arith.constant 0 : i32
        %dma_start3A_276 = tpu.memref_slice %arg6[%sub3A_251, %dma_start3A_274, %dma_start3A_275] : memref<2x1280x16xf32, #tpu.memory_space<vmem>> -> memref<1x256x16xf32, #tpu.memory_space<vmem>>
        %dma_start3A_277 = tpu.memref_squeeze %dma_start3A_276 : memref<1x256x16xf32, #tpu.memory_space<vmem>> -> memref<256x16xf32, #tpu.memory_space<vmem>>
        %dma_start3A_278 = arith.constant 0 : i32
        %dma_start3A_279 = tpu.memref_slice %arg5[%dma_start3A_273, %add3A_272, %dma_start3A_278] : memref<2x40x256xi32, #tpu.memory_space<vmem>> -> memref<1x1x256xi32, #tpu.memory_space<vmem>>
        %dma_start3A_280 = tpu.memref_squeeze %dma_start3A_279 : memref<1x1x256xi32, #tpu.memory_space<vmem>> -> memref<256xi32, #tpu.memory_space<vmem>>
        %dma_start3A_281 = arith.constant 0 : i32
        %dma_start3A_282 = arith.constant 0 : i32
        %dma_start3A_283 = tpu.memref_slice %arg2[%dma_start3A_281, %dma_start3A_282] : memref<10000x16xf32, #tpu.memory_space<hbm>> -> memref<10000x16xf32, #tpu.memory_space<hbm>>
        tpu.enqueue_indirect_dma source(%dma_start3A_283 : memref<10000x16xf32, #tpu.memory_space<hbm>>) target(%dma_start3A_277 : memref<256x16xf32, #tpu.memory_space<vmem>>) offsets(%dma_start3A_280 : memref<256xi32, #tpu.memory_space<vmem>>) semaphore(%arg9 : memref<!tpu.dma_semaphore, #tpu.memory_space<semaphore_mem>>)
        %mul3A_284 = arith.constant 5 : i32
        %mul3A_285 = arith.muli %add3A_249, %mul3A_284 : i32
        %add3A_286 = arith.addi %sub3A, %mul3A_285 : i32
        %add3A_287 = arith.constant 2 : i32
        %add3A_288 = arith.addi %add3A_286, %add3A_287 : i32
        %dma_start3A_289 = arith.constant 0 : i32
        %dma_start3A_290 = arith.constant 512 : i32
        %dma_start3A_291 = arith.constant 0 : i32
        %dma_start3A_292 = tpu.memref_slice %arg6[%sub3A_251, %dma_start3A_290, %dma_start3A_291] : memref<2x1280x16xf32, #tpu.memory_space<vmem>> -> memref<1x256x16xf32, #tpu.memory_space<vmem>>
        %dma_start3A_293 = tpu.memref_squeeze %dma_start3A_292 : memref<1x256x16xf32, #tpu.memory_space<vmem>> -> memref<256x16xf32, #tpu.memory_space<vmem>>
        %dma_start3A_294 = arith.constant 0 : i32
        %dma_start3A_295 = tpu.memref_slice %arg5[%dma_start3A_289, %add3A_288, %dma_start3A_294] : memref<2x40x256xi32, #tpu.memory_space<vmem>> -> memref<1x1x256xi32, #tpu.memory_space<vmem>>
        %dma_start3A_296 = tpu.memref_squeeze %dma_start3A_295 : memref<1x1x256xi32, #tpu.memory_space<vmem>> -> memref<256xi32, #tpu.memory_space<vmem>>
        %dma_start3A_297 = arith.constant 0 : i32
        %dma_start3A_298 = arith.constant 0 : i32
        %dma_start3A_299 = tpu.memref_slice %arg2[%dma_start3A_297, %dma_start3A_298] : memref<10000x16xf32, #tpu.memory_space<hbm>> -> memref<10000x16xf32, #tpu.memory_space<hbm>>
        tpu.enqueue_indirect_dma source(%dma_start3A_299 : memref<10000x16xf32, #tpu.memory_space<hbm>>) target(%dma_start3A_293 : memref<256x16xf32, #tpu.memory_space<vmem>>) offsets(%dma_start3A_296 : memref<256xi32, #tpu.memory_space<vmem>>) semaphore(%arg9 : memref<!tpu.dma_semaphore, #tpu.memory_space<semaphore_mem>>)
        %mul3A_300 = arith.constant 5 : i32
        %mul3A_301 = arith.muli %add3A_249, %mul3A_300 : i32
        %add3A_302 = arith.addi %sub3A, %mul3A_301 : i32
        %add3A_303 = arith.constant 3 : i32
        %add3A_304 = arith.addi %add3A_302, %add3A_303 : i32
        %dma_start3A_305 = arith.constant 0 : i32
        %dma_start3A_306 = arith.constant 768 : i32
        %dma_start3A_307 = arith.constant 0 : i32
        %dma_start3A_308 = tpu.memref_slice %arg6[%sub3A_251, %dma_start3A_306, %dma_start3A_307] : memref<2x1280x16xf32, #tpu.memory_space<vmem>> -> memref<1x256x16xf32, #tpu.memory_space<vmem>>
        %dma_start3A_309 = tpu.memref_squeeze %dma_start3A_308 : memref<1x256x16xf32, #tpu.memory_space<vmem>> -> memref<256x16xf32, #tpu.memory_space<vmem>>
        %dma_start3A_310 = arith.constant 0 : i32
        %dma_start3A_311 = tpu.memref_slice %arg5[%dma_start3A_305, %add3A_304, %dma_start3A_310] : memref<2x40x256xi32, #tpu.memory_space<vmem>> -> memref<1x1x256xi32, #tpu.memory_space<vmem>>
        %dma_start3A_312 = tpu.memref_squeeze %dma_start3A_311 : memref<1x1x256xi32, #tpu.memory_space<vmem>> -> memref<256xi32, #tpu.memory_space<vmem>>
        %dma_start3A_313 = arith.constant 0 : i32
        %dma_start3A_314 = arith.constant 0 : i32
        %dma_start3A_315 = tpu.memref_slice %arg2[%dma_start3A_313, %dma_start3A_314] : memref<10000x16xf32, #tpu.memory_space<hbm>> -> memref<10000x16xf32, #tpu.memory_space<hbm>>
        tpu.enqueue_indirect_dma source(%dma_start3A_315 : memref<10000x16xf32, #tpu.memory_space<hbm>>) target(%dma_start3A_309 : memref<256x16xf32, #tpu.memory_space<vmem>>) offsets(%dma_start3A_312 : memref<256xi32, #tpu.memory_space<vmem>>) semaphore(%arg9 : memref<!tpu.dma_semaphore, #tpu.memory_space<semaphore_mem>>)
        %mul3A_316 = arith.constant 5 : i32
        %mul3A_317 = arith.muli %add3A_249, %mul3A_316 : i32
        %add3A_318 = arith.addi %sub3A, %mul3A_317 : i32
        %add3A_319 = arith.constant 4 : i32
        %add3A_320 = arith.addi %add3A_318, %add3A_319 : i32
        %dma_start3A_321 = arith.constant 0 : i32
        %dma_start3A_322 = arith.constant 1024 : i32
        %dma_start3A_323 = arith.constant 0 : i32
        %dma_start3A_324 = tpu.memref_slice %arg6[%sub3A_251, %dma_start3A_322, %dma_start3A_323] : memref<2x1280x16xf32, #tpu.memory_space<vmem>> -> memref<1x256x16xf32, #tpu.memory_space<vmem>>
        %dma_start3A_325 = tpu.memref_squeeze %dma_start3A_324 : memref<1x256x16xf32, #tpu.memory_space<vmem>> -> memref<256x16xf32, #tpu.memory_space<vmem>>
        %dma_start3A_326 = arith.constant 0 : i32
        %dma_start3A_327 = tpu.memref_slice %arg5[%dma_start3A_321, %add3A_320, %dma_start3A_326] : memref<2x40x256xi32, #tpu.memory_space<vmem>> -> memref<1x1x256xi32, #tpu.memory_space<vmem>>
        %dma_start3A_328 = tpu.memref_squeeze %dma_start3A_327 : memref<1x1x256xi32, #tpu.memory_space<vmem>> -> memref<256xi32, #tpu.memory_space<vmem>>
        %dma_start3A_329 = arith.constant 0 : i32
        %dma_start3A_330 = arith.constant 0 : i32
        %dma_start3A_331 = tpu.memref_slice %arg2[%dma_start3A_329, %dma_start3A_330] : memref<10000x16xf32, #tpu.memory_space<hbm>> -> memref<10000x16xf32, #tpu.memory_space<hbm>>
        tpu.enqueue_indirect_dma source(%dma_start3A_331 : memref<10000x16xf32, #tpu.memory_space<hbm>>) target(%dma_start3A_325 : memref<256x16xf32, #tpu.memory_space<vmem>>) offsets(%dma_start3A_328 : memref<256xi32, #tpu.memory_space<vmem>>) semaphore(%arg9 : memref<!tpu.dma_semaphore, #tpu.memory_space<semaphore_mem>>)
      } else {
      }
      %dma_wait3A_154 = arith.constant 0 : i32
      %dma_wait3A_155 = arith.constant 0 : i32
      %dma_wait3A_156 = tpu.memref_slice %arg6[%rem3A_144, %dma_wait3A_154, %dma_wait3A_155] : memref<2x1280x16xf32, #tpu.memory_space<vmem>> -> memref<1x1280x16xf32, #tpu.memory_space<vmem>>
      %dma_wait3A_157 = tpu.memref_squeeze %dma_wait3A_156 : memref<1x1280x16xf32, #tpu.memory_space<vmem>> -> memref<1280x16xf32, #tpu.memory_space<vmem>>
      %dma_wait3A_158 = arith.constant 0 : i32
      %dma_wait3A_159 = arith.constant 0 : i32
      %dma_wait3A_160 = tpu.memref_slice %arg2[%dma_wait3A_158, %dma_wait3A_159] : memref<10000x16xf32, #tpu.memory_space<hbm>> -> memref<1280x16xf32, #tpu.memory_space<hbm>>
      %dma_wait3A_161 = arith.constant 0 : i32
      %dma_wait3A_162 = arith.constant 0 : i32
      %dma_wait3A_163 = tpu.memref_slice %arg6[%rem3A_144, %dma_wait3A_161, %dma_wait3A_162] : memref<2x1280x16xf32, #tpu.memory_space<vmem>> -> memref<1x1280x16xf32, #tpu.memory_space<vmem>>
      %dma_wait3A_164 = tpu.memref_squeeze %dma_wait3A_163 : memref<1x1280x16xf32, #tpu.memory_space<vmem>> -> memref<1280x16xf32, #tpu.memory_space<vmem>>
      %dma_wait3A_165 = arith.constant 0 : i32
      %dma_wait3A_166 = arith.constant 0 : i32
      %dma_wait3A_167 = tpu.memref_slice %arg2[%dma_wait3A_165, %dma_wait3A_166] : memref<10000x16xf32, #tpu.memory_space<hbm>> -> memref<1280x16xf32, #tpu.memory_space<hbm>>
      tpu.wait_dma2 semaphore(%arg9 : memref<!tpu.dma_semaphore, #tpu.memory_space<semaphore_mem>>) src(%dma_wait3A_167 : memref<1280x16xf32, #tpu.memory_space<hbm>>) dst(%dma_wait3A_164 : memref<1280x16xf32, #tpu.memory_space<vmem>>)
      %mul3A_168 = arith.constant 5 : i32
      %mul3A_169 = arith.muli %while3A_142, %mul3A_168 : i32
      %add3A_170 = arith.addi %sub3A, %mul3A_169 : i32
      %add3A_171 = arith.constant 0 : i32
      %add3A_172 = arith.addi %add3A_170, %add3A_171 : i32
      %dma_start3A_173 = arith.constant 1 : i32
      %dma_start3A_174 = arith.constant 0 : i32
      %dma_start3A_175 = arith.constant 0 : i32
      %dma_start3A_176 = tpu.memref_slice %arg6[%rem3A_144, %dma_start3A_174, %dma_start3A_175] : memref<2x1280x16xf32, #tpu.memory_space<vmem>> -> memref<1x256x16xf32, #tpu.memory_space<vmem>>
      %dma_start3A_177 = tpu.memref_squeeze %dma_start3A_176 : memref<1x256x16xf32, #tpu.memory_space<vmem>> -> memref<256x16xf32, #tpu.memory_space<vmem>>
      %dma_start3A_178 = arith.constant 0 : i32
      %dma_start3A_179 = tpu.memref_slice %arg5[%dma_start3A_173, %add3A_172, %dma_start3A_178] : memref<2x40x256xi32, #tpu.memory_space<vmem>> -> memref<1x1x256xi32, #tpu.memory_space<vmem>>
      %dma_start3A_180 = tpu.memref_squeeze %dma_start3A_179 : memref<1x1x256xi32, #tpu.memory_space<vmem>> -> memref<256xi32, #tpu.memory_space<vmem>>
      %dma_start3A_181 = arith.constant 0 : i32
      %dma_start3A_182 = arith.constant 0 : i32
      %dma_start3A_183 = tpu.memref_slice %arg8[%dma_start3A_181, %dma_start3A_182] : memref<10240x16xf32, #tpu.memory_space<vmem_shared>> -> memref<10240x16xf32, #tpu.memory_space<vmem_shared>>
      tpu.enqueue_indirect_dma source(%dma_start3A_177 : memref<256x16xf32, #tpu.memory_space<vmem>>) target(%dma_start3A_183 : memref<10240x16xf32, #tpu.memory_space<vmem_shared>>) offsets(%dma_start3A_180 : memref<256xi32, #tpu.memory_space<vmem>>) semaphore(%arg10 : memref<!tpu.dma_semaphore, #tpu.memory_space<semaphore_mem>>) {add = true}
      %mul3A_184 = arith.constant 5 : i32
      %mul3A_185 = arith.muli %while3A_142, %mul3A_184 : i32
      %add3A_186 = arith.addi %sub3A, %mul3A_185 : i32
      %add3A_187 = arith.constant 1 : i32
      %add3A_188 = arith.addi %add3A_186, %add3A_187 : i32
      %dma_start3A_189 = arith.constant 1 : i32
      %dma_start3A_190 = arith.constant 256 : i32
      %dma_start3A_191 = arith.constant 0 : i32
      %dma_start3A_192 = tpu.memref_slice %arg6[%rem3A_144, %dma_start3A_190, %dma_start3A_191] : memref<2x1280x16xf32, #tpu.memory_space<vmem>> -> memref<1x256x16xf32, #tpu.memory_space<vmem>>
      %dma_start3A_193 = tpu.memref_squeeze %dma_start3A_192 : memref<1x256x16xf32, #tpu.memory_space<vmem>> -> memref<256x16xf32, #tpu.memory_space<vmem>>
      %dma_start3A_194 = arith.constant 0 : i32
      %dma_start3A_195 = tpu.memref_slice %arg5[%dma_start3A_189, %add3A_188, %dma_start3A_194] : memref<2x40x256xi32, #tpu.memory_space<vmem>> -> memref<1x1x256xi32, #tpu.memory_space<vmem>>
      %dma_start3A_196 = tpu.memref_squeeze %dma_start3A_195 : memref<1x1x256xi32, #tpu.memory_space<vmem>> -> memref<256xi32, #tpu.memory_space<vmem>>
      %dma_start3A_197 = arith.constant 0 : i32
      %dma_start3A_198 = arith.constant 0 : i32
      %dma_start3A_199 = tpu.memref_slice %arg8[%dma_start3A_197, %dma_start3A_198] : memref<10240x16xf32, #tpu.memory_space<vmem_shared>> -> memref<10240x16xf32, #tpu.memory_space<vmem_shared>>
      tpu.enqueue_indirect_dma source(%dma_start3A_193 : memref<256x16xf32, #tpu.memory_space<vmem>>) target(%dma_start3A_199 : memref<10240x16xf32, #tpu.memory_space<vmem_shared>>) offsets(%dma_start3A_196 : memref<256xi32, #tpu.memory_space<vmem>>) semaphore(%arg10 : memref<!tpu.dma_semaphore, #tpu.memory_space<semaphore_mem>>) {add = true}
      %mul3A_200 = arith.constant 5 : i32
      %mul3A_201 = arith.muli %while3A_142, %mul3A_200 : i32
      %add3A_202 = arith.addi %sub3A, %mul3A_201 : i32
      %add3A_203 = arith.constant 2 : i32
      %add3A_204 = arith.addi %add3A_202, %add3A_203 : i32
      %dma_start3A_205 = arith.constant 1 : i32
      %dma_start3A_206 = arith.constant 512 : i32
      %dma_start3A_207 = arith.constant 0 : i32
      %dma_start3A_208 = tpu.memref_slice %arg6[%rem3A_144, %dma_start3A_206, %dma_start3A_207] : memref<2x1280x16xf32, #tpu.memory_space<vmem>> -> memref<1x256x16xf32, #tpu.memory_space<vmem>>
      %dma_start3A_209 = tpu.memref_squeeze %dma_start3A_208 : memref<1x256x16xf32, #tpu.memory_space<vmem>> -> memref<256x16xf32, #tpu.memory_space<vmem>>
      %dma_start3A_210 = arith.constant 0 : i32
      %dma_start3A_211 = tpu.memref_slice %arg5[%dma_start3A_205, %add3A_204, %dma_start3A_210] : memref<2x40x256xi32, #tpu.memory_space<vmem>> -> memref<1x1x256xi32, #tpu.memory_space<vmem>>
      %dma_start3A_212 = tpu.memref_squeeze %dma_start3A_211 : memref<1x1x256xi32, #tpu.memory_space<vmem>> -> memref<256xi32, #tpu.memory_space<vmem>>
      %dma_start3A_213 = arith.constant 0 : i32
      %dma_start3A_214 = arith.constant 0 : i32
      %dma_start3A_215 = tpu.memref_slice %arg8[%dma_start3A_213, %dma_start3A_214] : memref<10240x16xf32, #tpu.memory_space<vmem_shared>> -> memref<10240x16xf32, #tpu.memory_space<vmem_shared>>
      tpu.enqueue_indirect_dma source(%dma_start3A_209 : memref<256x16xf32, #tpu.memory_space<vmem>>) target(%dma_start3A_215 : memref<10240x16xf32, #tpu.memory_space<vmem_shared>>) offsets(%dma_start3A_212 : memref<256xi32, #tpu.memory_space<vmem>>) semaphore(%arg10 : memref<!tpu.dma_semaphore, #tpu.memory_space<semaphore_mem>>) {add = true}
      %mul3A_216 = arith.constant 5 : i32
      %mul3A_217 = arith.muli %while3A_142, %mul3A_216 : i32
      %add3A_218 = arith.addi %sub3A, %mul3A_217 : i32
      %add3A_219 = arith.constant 3 : i32
      %add3A_220 = arith.addi %add3A_218, %add3A_219 : i32
      %dma_start3A_221 = arith.constant 1 : i32
      %dma_start3A_222 = arith.constant 768 : i32
      %dma_start3A_223 = arith.constant 0 : i32
      %dma_start3A_224 = tpu.memref_slice %arg6[%rem3A_144, %dma_start3A_222, %dma_start3A_223] : memref<2x1280x16xf32, #tpu.memory_space<vmem>> -> memref<1x256x16xf32, #tpu.memory_space<vmem>>
      %dma_start3A_225 = tpu.memref_squeeze %dma_start3A_224 : memref<1x256x16xf32, #tpu.memory_space<vmem>> -> memref<256x16xf32, #tpu.memory_space<vmem>>
      %dma_start3A_226 = arith.constant 0 : i32
      %dma_start3A_227 = tpu.memref_slice %arg5[%dma_start3A_221, %add3A_220, %dma_start3A_226] : memref<2x40x256xi32, #tpu.memory_space<vmem>> -> memref<1x1x256xi32, #tpu.memory_space<vmem>>
      %dma_start3A_228 = tpu.memref_squeeze %dma_start3A_227 : memref<1x1x256xi32, #tpu.memory_space<vmem>> -> memref<256xi32, #tpu.memory_space<vmem>>
      %dma_start3A_229 = arith.constant 0 : i32
      %dma_start3A_230 = arith.constant 0 : i32
      %dma_start3A_231 = tpu.memref_slice %arg8[%dma_start3A_229, %dma_start3A_230] : memref<10240x16xf32, #tpu.memory_space<vmem_shared>> -> memref<10240x16xf32, #tpu.memory_space<vmem_shared>>
      tpu.enqueue_indirect_dma source(%dma_start3A_225 : memref<256x16xf32, #tpu.memory_space<vmem>>) target(%dma_start3A_231 : memref<10240x16xf32, #tpu.memory_space<vmem_shared>>) offsets(%dma_start3A_228 : memref<256xi32, #tpu.memory_space<vmem>>) semaphore(%arg10 : memref<!tpu.dma_semaphore, #tpu.memory_space<semaphore_mem>>) {add = true}
      %mul3A_232 = arith.constant 5 : i32
      %mul3A_233 = arith.muli %while3A_142, %mul3A_232 : i32
      %add3A_234 = arith.addi %sub3A, %mul3A_233 : i32
      %add3A_235 = arith.constant 4 : i32
      %add3A_236 = arith.addi %add3A_234, %add3A_235 : i32
      %dma_start3A_237 = arith.constant 1 : i32
      %dma_start3A_238 = arith.constant 1024 : i32
      %dma_start3A_239 = arith.constant 0 : i32
      %dma_start3A_240 = tpu.memref_slice %arg6[%rem3A_144, %dma_start3A_238, %dma_start3A_239] : memref<2x1280x16xf32, #tpu.memory_space<vmem>> -> memref<1x256x16xf32, #tpu.memory_space<vmem>>
      %dma_start3A_241 = tpu.memref_squeeze %dma_start3A_240 : memref<1x256x16xf32, #tpu.memory_space<vmem>> -> memref<256x16xf32, #tpu.memory_space<vmem>>
      %dma_start3A_242 = arith.constant 0 : i32
      %dma_start3A_243 = tpu.memref_slice %arg5[%dma_start3A_237, %add3A_236, %dma_start3A_242] : memref<2x40x256xi32, #tpu.memory_space<vmem>> -> memref<1x1x256xi32, #tpu.memory_space<vmem>>
      %dma_start3A_244 = tpu.memref_squeeze %dma_start3A_243 : memref<1x1x256xi32, #tpu.memory_space<vmem>> -> memref<256xi32, #tpu.memory_space<vmem>>
      %dma_start3A_245 = arith.constant 0 : i32
      %dma_start3A_246 = arith.constant 0 : i32
      %dma_start3A_247 = tpu.memref_slice %arg8[%dma_start3A_245, %dma_start3A_246] : memref<10240x16xf32, #tpu.memory_space<vmem_shared>> -> memref<10240x16xf32, #tpu.memory_space<vmem_shared>>
      tpu.enqueue_indirect_dma source(%dma_start3A_241 : memref<256x16xf32, #tpu.memory_space<vmem>>) target(%dma_start3A_247 : memref<10240x16xf32, #tpu.memory_space<vmem_shared>>) offsets(%dma_start3A_244 : memref<256xi32, #tpu.memory_space<vmem>>) semaphore(%arg10 : memref<!tpu.dma_semaphore, #tpu.memory_space<semaphore_mem>>) {add = true}
    }
    %while3A_120 = arith.constant 1 : i32
    scf.for %while3A_142 = %while3A_118 to %while3A_114 step %while3A_120  : i32 {
      %rem3A_143 = arith.constant 2 : i32
      %rem3A_144 = arith.remsi %while3A_142, %rem3A_143 : i32
      %ge3A = arith.constant 1 : i32
      %ge3A_145 = arith.cmpi sge, %while3A_142, %ge3A : i32
      %convert_element_type3A_146 = arith.extui %ge3A_145 : i1 to i32
      %cond3A = arith.constant 0 : i32
      %cond3A_147 = arith.cmpi ne, %convert_element_type3A_146, %cond3A : i32
      scf.if %cond3A_147 {
        %sub3A_248 = arith.constant 1 : i32
        %sub3A_249 = arith.subi %sub3A_248, %rem3A_144 : i32
        %dma_wait3A_250 = arith.constant 0 : i32
        %dma_wait3A_251 = arith.constant 0 : i32
        %dma_wait3A_252 = tpu.memref_slice %arg6[%sub3A_249, %dma_wait3A_250, %dma_wait3A_251] : memref<2x1280x16xf32, #tpu.memory_space<vmem>> -> memref<1x1280x16xf32, #tpu.memory_space<vmem>>
        %dma_wait3A_253 = tpu.memref_squeeze %dma_wait3A_252 : memref<1x1280x16xf32, #tpu.memory_space<vmem>> -> memref<1280x16xf32, #tpu.memory_space<vmem>>
        %dma_wait3A_254 = arith.constant 0 : i32
        %dma_wait3A_255 = arith.constant 0 : i32
        %dma_wait3A_256 = tpu.memref_slice %arg2[%dma_wait3A_254, %dma_wait3A_255] : memref<10000x16xf32, #tpu.memory_space<hbm>> -> memref<1280x16xf32, #tpu.memory_space<hbm>>
        %dma_wait3A_257 = arith.constant 0 : i32
        %dma_wait3A_258 = arith.constant 0 : i32
        %dma_wait3A_259 = tpu.memref_slice %arg6[%sub3A_249, %dma_wait3A_257, %dma_wait3A_258] : memref<2x1280x16xf32, #tpu.memory_space<vmem>> -> memref<1x1280x16xf32, #tpu.memory_space<vmem>>
        %dma_wait3A_260 = tpu.memref_squeeze %dma_wait3A_259 : memref<1x1280x16xf32, #tpu.memory_space<vmem>> -> memref<1280x16xf32, #tpu.memory_space<vmem>>
        %dma_wait3A_261 = arith.constant 0 : i32
        %dma_wait3A_262 = arith.constant 0 : i32
        %dma_wait3A_263 = tpu.memref_slice %arg2[%dma_wait3A_261, %dma_wait3A_262] : memref<10000x16xf32, #tpu.memory_space<hbm>> -> memref<1280x16xf32, #tpu.memory_space<hbm>>
        tpu.wait_dma2 semaphore(%arg10 : memref<!tpu.dma_semaphore, #tpu.memory_space<semaphore_mem>>) src(%dma_wait3A_263 : memref<1280x16xf32, #tpu.memory_space<hbm>>) dst(%dma_wait3A_260 : memref<1280x16xf32, #tpu.memory_space<vmem>>)
      } else {
      }
      %sub3A_148 = arith.constant 1 : i32
      %sub3A_149 = arith.subi %select_n3A, %sub3A_148 : i32
      %lt3A_150 = arith.cmpi slt, %while3A_142, %sub3A_149 : i32
      %convert_element_type3A_151 = arith.extui %lt3A_150 : i1 to i32
      %cond3A_152 = arith.constant 0 : i32
      %cond3A_153 = arith.cmpi ne, %convert_element_type3A_151, %cond3A_152 : i32
      scf.if %cond3A_153 {
        %add3A_248 = arith.constant 1 : i32
        %add3A_249 = arith.addi %while3A_142, %add3A_248 : i32
        %sub3A_250 = arith.constant 1 : i32
        %sub3A_251 = arith.subi %sub3A_250, %rem3A_144 : i32
        %mul3A_252 = arith.constant 5 : i32
        %mul3A_253 = arith.muli %add3A_249, %mul3A_252 : i32
        %add3A_254 = arith.addi %sub3A, %mul3A_253 : i32
        %add3A_255 = arith.constant 0 : i32
        %add3A_256 = arith.addi %add3A_254, %add3A_255 : i32
        %dma_start3A_257 = arith.constant 0 : i32
        %dma_start3A_258 = arith.constant 0 : i32
        %dma_start3A_259 = arith.constant 0 : i32
        %dma_start3A_260 = tpu.memref_slice %arg6[%sub3A_251, %dma_start3A_258, %dma_start3A_259] : memref<2x1280x16xf32, #tpu.memory_space<vmem>> -> memref<1x256x16xf32, #tpu.memory_space<vmem>>
        %dma_start3A_261 = tpu.memref_squeeze %dma_start3A_260 : memref<1x256x16xf32, #tpu.memory_space<vmem>> -> memref<256x16xf32, #tpu.memory_space<vmem>>
        %dma_start3A_262 = arith.constant 0 : i32
        %dma_start3A_263 = tpu.memref_slice %arg5[%dma_start3A_257, %add3A_256, %dma_start3A_262] : memref<2x40x256xi32, #tpu.memory_space<vmem>> -> memref<1x1x256xi32, #tpu.memory_space<vmem>>
        %dma_start3A_264 = tpu.memref_squeeze %dma_start3A_263 : memref<1x1x256xi32, #tpu.memory_space<vmem>> -> memref<256xi32, #tpu.memory_space<vmem>>
        %dma_start3A_265 = arith.constant 0 : i32
        %dma_start3A_266 = arith.constant 0 : i32
        %dma_start3A_267 = tpu.memref_slice %arg2[%dma_start3A_265, %dma_start3A_266] : memref<10000x16xf32, #tpu.memory_space<hbm>> -> memref<10000x16xf32, #tpu.memory_space<hbm>>
        tpu.enqueue_indirect_dma source(%dma_start3A_267 : memref<10000x16xf32, #tpu.memory_space<hbm>>) target(%dma_start3A_261 : memref<256x16xf32, #tpu.memory_space<vmem>>) offsets(%dma_start3A_264 : memref<256xi32, #tpu.memory_space<vmem>>) semaphore(%arg9 : memref<!tpu.dma_semaphore, #tpu.memory_space<semaphore_mem>>)
        %mul3A_268 = arith.constant 5 : i32
        %mul3A_269 = arith.muli %add3A_249, %mul3A_268 : i32
        %add3A_270 = arith.addi %sub3A, %mul3A_269 : i32
        %add3A_271 = arith.constant 1 : i32
        %add3A_272 = arith.addi %add3A_270, %add3A_271 : i32
        %dma_start3A_273 = arith.constant 0 : i32
        %dma_start3A_274 = arith.constant 256 : i32
        %dma_start3A_275 = arith.constant 0 : i32
        %dma_start3A_276 = tpu.memref_slice %arg6[%sub3A_251, %dma_start3A_274, %dma_start3A_275] : memref<2x1280x16xf32, #tpu.memory_space<vmem>> -> memref<1x256x16xf32, #tpu.memory_space<vmem>>
        %dma_start3A_277 = tpu.memref_squeeze %dma_start3A_276 : memref<1x256x16xf32, #tpu.memory_space<vmem>> -> memref<256x16xf32, #tpu.memory_space<vmem>>
        %dma_start3A_278 = arith.constant 0 : i32
        %dma_start3A_279 = tpu.memref_slice %arg5[%dma_start3A_273, %add3A_272, %dma_start3A_278] : memref<2x40x256xi32, #tpu.memory_space<vmem>> -> memref<1x1x256xi32, #tpu.memory_space<vmem>>
        %dma_start3A_280 = tpu.memref_squeeze %dma_start3A_279 : memref<1x1x256xi32, #tpu.memory_space<vmem>> -> memref<256xi32, #tpu.memory_space<vmem>>
        %dma_start3A_281 = arith.constant 0 : i32
        %dma_start3A_282 = arith.constant 0 : i32
        %dma_start3A_283 = tpu.memref_slice %arg2[%dma_start3A_281, %dma_start3A_282] : memref<10000x16xf32, #tpu.memory_space<hbm>> -> memref<10000x16xf32, #tpu.memory_space<hbm>>
        tpu.enqueue_indirect_dma source(%dma_start3A_283 : memref<10000x16xf32, #tpu.memory_space<hbm>>) target(%dma_start3A_277 : memref<256x16xf32, #tpu.memory_space<vmem>>) offsets(%dma_start3A_280 : memref<256xi32, #tpu.memory_space<vmem>>) semaphore(%arg9 : memref<!tpu.dma_semaphore, #tpu.memory_space<semaphore_mem>>)
        %mul3A_284 = arith.constant 5 : i32
        %mul3A_285 = arith.muli %add3A_249, %mul3A_284 : i32
        %add3A_286 = arith.addi %sub3A, %mul3A_285 : i32
        %add3A_287 = arith.constant 2 : i32
        %add3A_288 = arith.addi %add3A_286, %add3A_287 : i32
        %dma_start3A_289 = arith.constant 0 : i32
        %dma_start3A_290 = arith.constant 512 : i32
        %dma_start3A_291 = arith.constant 0 : i32
        %dma_start3A_292 = tpu.memref_slice %arg6[%sub3A_251, %dma_start3A_290, %dma_start3A_291] : memref<2x1280x16xf32, #tpu.memory_space<vmem>> -> memref<1x256x16xf32, #tpu.memory_space<vmem>>
        %dma_start3A_293 = tpu.memref_squeeze %dma_start3A_292 : memref<1x256x16xf32, #tpu.memory_space<vmem>> -> memref<256x16xf32, #tpu.memory_space<vmem>>
        %dma_start3A_294 = arith.constant 0 : i32
        %dma_start3A_295 = tpu.memref_slice %arg5[%dma_start3A_289, %add3A_288, %dma_start3A_294] : memref<2x40x256xi32, #tpu.memory_space<vmem>> -> memref<1x1x256xi32, #tpu.memory_space<vmem>>
        %dma_start3A_296 = tpu.memref_squeeze %dma_start3A_295 : memref<1x1x256xi32, #tpu.memory_space<vmem>> -> memref<256xi32, #tpu.memory_space<vmem>>
        %dma_start3A_297 = arith.constant 0 : i32
        %dma_start3A_298 = arith.constant 0 : i32
        %dma_start3A_299 = tpu.memref_slice %arg2[%dma_start3A_297, %dma_start3A_298] : memref<10000x16xf32, #tpu.memory_space<hbm>> -> memref<10000x16xf32, #tpu.memory_space<hbm>>
        tpu.enqueue_indirect_dma source(%dma_start3A_299 : memref<10000x16xf32, #tpu.memory_space<hbm>>) target(%dma_start3A_293 : memref<256x16xf32, #tpu.memory_space<vmem>>) offsets(%dma_start3A_296 : memref<256xi32, #tpu.memory_space<vmem>>) semaphore(%arg9 : memref<!tpu.dma_semaphore, #tpu.memory_space<semaphore_mem>>)
        %mul3A_300 = arith.constant 5 : i32
        %mul3A_301 = arith.muli %add3A_249, %mul3A_300 : i32
        %add3A_302 = arith.addi %sub3A, %mul3A_301 : i32
        %add3A_303 = arith.constant 3 : i32
        %add3A_304 = arith.addi %add3A_302, %add3A_303 : i32
        %dma_start3A_305 = arith.constant 0 : i32
        %dma_start3A_306 = arith.constant 768 : i32
        %dma_start3A_307 = arith.constant 0 : i32
        %dma_start3A_308 = tpu.memref_slice %arg6[%sub3A_251, %dma_start3A_306, %dma_start3A_307] : memref<2x1280x16xf32, #tpu.memory_space<vmem>> -> memref<1x256x16xf32, #tpu.memory_space<vmem>>
        %dma_start3A_309 = tpu.memref_squeeze %dma_start3A_308 : memref<1x256x16xf32, #tpu.memory_space<vmem>> -> memref<256x16xf32, #tpu.memory_space<vmem>>
        %dma_start3A_310 = arith.constant 0 : i32
        %dma_start3A_311 = tpu.memref_slice %arg5[%dma_start3A_305, %add3A_304, %dma_start3A_310] : memref<2x40x256xi32, #tpu.memory_space<vmem>> -> memref<1x1x256xi32, #tpu.memory_space<vmem>>
        %dma_start3A_312 = tpu.memref_squeeze %dma_start3A_311 : memref<1x1x256xi32, #tpu.memory_space<vmem>> -> memref<256xi32, #tpu.memory_space<vmem>>
        %dma_start3A_313 = arith.constant 0 : i32
        %dma_start3A_314 = arith.constant 0 : i32
        %dma_start3A_315 = tpu.memref_slice %arg2[%dma_start3A_313, %dma_start3A_314] : memref<10000x16xf32, #tpu.memory_space<hbm>> -> memref<10000x16xf32, #tpu.memory_space<hbm>>
        tpu.enqueue_indirect_dma source(%dma_start3A_315 : memref<10000x16xf32, #tpu.memory_space<hbm>>) target(%dma_start3A_309 : memref<256x16xf32, #tpu.memory_space<vmem>>) offsets(%dma_start3A_312 : memref<256xi32, #tpu.memory_space<vmem>>) semaphore(%arg9 : memref<!tpu.dma_semaphore, #tpu.memory_space<semaphore_mem>>)
        %mul3A_316 = arith.constant 5 : i32
        %mul3A_317 = arith.muli %add3A_249, %mul3A_316 : i32
        %add3A_318 = arith.addi %sub3A, %mul3A_317 : i32
        %add3A_319 = arith.constant 4 : i32
        %add3A_320 = arith.addi %add3A_318, %add3A_319 : i32
        %dma_start3A_321 = arith.constant 0 : i32
        %dma_start3A_322 = arith.constant 1024 : i32
        %dma_start3A_323 = arith.constant 0 : i32
        %dma_start3A_324 = tpu.memref_slice %arg6[%sub3A_251, %dma_start3A_322, %dma_start3A_323] : memref<2x1280x16xf32, #tpu.memory_space<vmem>> -> memref<1x256x16xf32, #tpu.memory_space<vmem>>
        %dma_start3A_325 = tpu.memref_squeeze %dma_start3A_324 : memref<1x256x16xf32, #tpu.memory_space<vmem>> -> memref<256x16xf32, #tpu.memory_space<vmem>>
        %dma_start3A_326 = arith.constant 0 : i32
        %dma_start3A_327 = tpu.memref_slice %arg5[%dma_start3A_321, %add3A_320, %dma_start3A_326] : memref<2x40x256xi32, #tpu.memory_space<vmem>> -> memref<1x1x256xi32, #tpu.memory_space<vmem>>
        %dma_start3A_328 = tpu.memref_squeeze %dma_start3A_327 : memref<1x1x256xi32, #tpu.memory_space<vmem>> -> memref<256xi32, #tpu.memory_space<vmem>>
        %dma_start3A_329 = arith.constant 0 : i32
        %dma_start3A_330 = arith.constant 0 : i32
        %dma_start3A_331 = tpu.memref_slice %arg2[%dma_start3A_329, %dma_start3A_330] : memref<10000x16xf32, #tpu.memory_space<hbm>> -> memref<10000x16xf32, #tpu.memory_space<hbm>>
        tpu.enqueue_indirect_dma source(%dma_start3A_331 : memref<10000x16xf32, #tpu.memory_space<hbm>>) target(%dma_start3A_325 : memref<256x16xf32, #tpu.memory_space<vmem>>) offsets(%dma_start3A_328 : memref<256xi32, #tpu.memory_space<vmem>>) semaphore(%arg9 : memref<!tpu.dma_semaphore, #tpu.memory_space<semaphore_mem>>)
      } else {
      }
      %dma_wait3A_154 = arith.constant 0 : i32
      %dma_wait3A_155 = arith.constant 0 : i32
      %dma_wait3A_156 = tpu.memref_slice %arg6[%rem3A_144, %dma_wait3A_154, %dma_wait3A_155] : memref<2x1280x16xf32, #tpu.memory_space<vmem>> -> memref<1x1280x16xf32, #tpu.memory_space<vmem>>
      %dma_wait3A_157 = tpu.memref_squeeze %dma_wait3A_156 : memref<1x1280x16xf32, #tpu.memory_space<vmem>> -> memref<1280x16xf32, #tpu.memory_space<vmem>>
      %dma_wait3A_158 = arith.constant 0 : i32
      %dma_wait3A_159 = arith.constant 0 : i32
      %dma_wait3A_160 = tpu.memref_slice %arg2[%dma_wait3A_158, %dma_wait3A_159] : memref<10000x16xf32, #tpu.memory_space<hbm>> -> memref<1280x16xf32, #tpu.memory_space<hbm>>
      %dma_wait3A_161 = arith.constant 0 : i32
      %dma_wait3A_162 = arith.constant 0 : i32
      %dma_wait3A_163 = tpu.memref_slice %arg6[%rem3A_144, %dma_wait3A_161, %dma_wait3A_162] : memref<2x1280x16xf32, #tpu.memory_space<vmem>> -> memref<1x1280x16xf32, #tpu.memory_space<vmem>>
      %dma_wait3A_164 = tpu.memref_squeeze %dma_wait3A_163 : memref<1x1280x16xf32, #tpu.memory_space<vmem>> -> memref<1280x16xf32, #tpu.memory_space<vmem>>
      %dma_wait3A_165 = arith.constant 0 : i32
      %dma_wait3A_166 = arith.constant 0 : i32
      %dma_wait3A_167 = tpu.memref_slice %arg2[%dma_wait3A_165, %dma_wait3A_166] : memref<10000x16xf32, #tpu.memory_space<hbm>> -> memref<1280x16xf32, #tpu.memory_space<hbm>>
      tpu.wait_dma2 semaphore(%arg9 : memref<!tpu.dma_semaphore, #tpu.memory_space<semaphore_mem>>) src(%dma_wait3A_167 : memref<1280x16xf32, #tpu.memory_space<hbm>>) dst(%dma_wait3A_164 : memref<1280x16xf32, #tpu.memory_space<vmem>>)
      %mul3A_168 = arith.constant 5 : i32
      %mul3A_169 = arith.muli %while3A_142, %mul3A_168 : i32
      %add3A_170 = arith.addi %sub3A, %mul3A_169 : i32
      %add3A_171 = arith.constant 0 : i32
      %add3A_172 = arith.addi %add3A_170, %add3A_171 : i32
      %dma_start3A_173 = arith.constant 1 : i32
      %dma_start3A_174 = arith.constant 0 : i32
      %dma_start3A_175 = arith.constant 0 : i32
      %dma_start3A_176 = tpu.memref_slice %arg6[%rem3A_144, %dma_start3A_174, %dma_start3A_175] : memref<2x1280x16xf32, #tpu.memory_space<vmem>> -> memref<1x256x16xf32, #tpu.memory_space<vmem>>
      %dma_start3A_177 = tpu.memref_squeeze %dma_start3A_176 : memref<1x256x16xf32, #tpu.memory_space<vmem>> -> memref<256x16xf32, #tpu.memory_space<vmem>>
      %dma_start3A_178 = arith.constant 0 : i32
      %dma_start3A_179 = tpu.memref_slice %arg5[%dma_start3A_173, %add3A_172, %dma_start3A_178] : memref<2x40x256xi32, #tpu.memory_space<vmem>> -> memref<1x1x256xi32, #tpu.memory_space<vmem>>
      %dma_start3A_180 = tpu.memref_squeeze %dma_start3A_179 : memref<1x1x256xi32, #tpu.memory_space<vmem>> -> memref<256xi32, #tpu.memory_space<vmem>>
      %dma_start3A_181 = arith.constant 0 : i32
      %dma_start3A_182 = arith.constant 0 : i32
      %dma_start3A_183 = tpu.memref_slice %arg8[%dma_start3A_181, %dma_start3A_182] : memref<10240x16xf32, #tpu.memory_space<vmem_shared>> -> memref<10240x16xf32, #tpu.memory_space<vmem_shared>>
      tpu.enqueue_indirect_dma source(%dma_start3A_177 : memref<256x16xf32, #tpu.memory_space<vmem>>) target(%dma_start3A_183 : memref<10240x16xf32, #tpu.memory_space<vmem_shared>>) offsets(%dma_start3A_180 : memref<256xi32, #tpu.memory_space<vmem>>) semaphore(%arg10 : memref<!tpu.dma_semaphore, #tpu.memory_space<semaphore_mem>>) {add = true}
      %mul3A_184 = arith.constant 5 : i32
      %mul3A_185 = arith.muli %while3A_142, %mul3A_184 : i32
      %add3A_186 = arith.addi %sub3A, %mul3A_185 : i32
      %add3A_187 = arith.constant 1 : i32
      %add3A_188 = arith.addi %add3A_186, %add3A_187 : i32
      %dma_start3A_189 = arith.constant 1 : i32
      %dma_start3A_190 = arith.constant 256 : i32
      %dma_start3A_191 = arith.constant 0 : i32
      %dma_start3A_192 = tpu.memref_slice %arg6[%rem3A_144, %dma_start3A_190, %dma_start3A_191] : memref<2x1280x16xf32, #tpu.memory_space<vmem>> -> memref<1x256x16xf32, #tpu.memory_space<vmem>>
      %dma_start3A_193 = tpu.memref_squeeze %dma_start3A_192 : memref<1x256x16xf32, #tpu.memory_space<vmem>> -> memref<256x16xf32, #tpu.memory_space<vmem>>
      %dma_start3A_194 = arith.constant 0 : i32
      %dma_start3A_195 = tpu.memref_slice %arg5[%dma_start3A_189, %add3A_188, %dma_start3A_194] : memref<2x40x256xi32, #tpu.memory_space<vmem>> -> memref<1x1x256xi32, #tpu.memory_space<vmem>>
      %dma_start3A_196 = tpu.memref_squeeze %dma_start3A_195 : memref<1x1x256xi32, #tpu.memory_space<vmem>> -> memref<256xi32, #tpu.memory_space<vmem>>
      %dma_start3A_197 = arith.constant 0 : i32
      %dma_start3A_198 = arith.constant 0 : i32
      %dma_start3A_199 = tpu.memref_slice %arg8[%dma_start3A_197, %dma_start3A_198] : memref<10240x16xf32, #tpu.memory_space<vmem_shared>> -> memref<10240x16xf32, #tpu.memory_space<vmem_shared>>
      tpu.enqueue_indirect_dma source(%dma_start3A_193 : memref<256x16xf32, #tpu.memory_space<vmem>>) target(%dma_start3A_199 : memref<10240x16xf32, #tpu.memory_space<vmem_shared>>) offsets(%dma_start3A_196 : memref<256xi32, #tpu.memory_space<vmem>>) semaphore(%arg10 : memref<!tpu.dma_semaphore, #tpu.memory_space<semaphore_mem>>) {add = true}
      %mul3A_200 = arith.constant 5 : i32
      %mul3A_201 = arith.muli %while3A_142, %mul3A_200 : i32
      %add3A_202 = arith.addi %sub3A, %mul3A_201 : i32
      %add3A_203 = arith.constant 2 : i32
      %add3A_204 = arith.addi %add3A_202, %add3A_203 : i32
      %dma_start3A_205 = arith.constant 1 : i32
      %dma_start3A_206 = arith.constant 512 : i32
      %dma_start3A_207 = arith.constant 0 : i32
      %dma_start3A_208 = tpu.memref_slice %arg6[%rem3A_144, %dma_start3A_206, %dma_start3A_207] : memref<2x1280x16xf32, #tpu.memory_space<vmem>> -> memref<1x256x16xf32, #tpu.memory_space<vmem>>
      %dma_start3A_209 = tpu.memref_squeeze %dma_start3A_208 : memref<1x256x16xf32, #tpu.memory_space<vmem>> -> memref<256x16xf32, #tpu.memory_space<vmem>>
      %dma_start3A_210 = arith.constant 0 : i32
      %dma_start3A_211 = tpu.memref_slice %arg5[%dma_start3A_205, %add3A_204, %dma_start3A_210] : memref<2x40x256xi32, #tpu.memory_space<vmem>> -> memref<1x1x256xi32, #tpu.memory_space<vmem>>
      %dma_start3A_212 = tpu.memref_squeeze %dma_start3A_211 : memref<1x1x256xi32, #tpu.memory_space<vmem>> -> memref<256xi32, #tpu.memory_space<vmem>>
      %dma_start3A_213 = arith.constant 0 : i32
      %dma_start3A_214 = arith.constant 0 : i32
      %dma_start3A_215 = tpu.memref_slice %arg8[%dma_start3A_213, %dma_start3A_214] : memref<10240x16xf32, #tpu.memory_space<vmem_shared>> -> memref<10240x16xf32, #tpu.memory_space<vmem_shared>>
      tpu.enqueue_indirect_dma source(%dma_start3A_209 : memref<256x16xf32, #tpu.memory_space<vmem>>) target(%dma_start3A_215 : memref<10240x16xf32, #tpu.memory_space<vmem_shared>>) offsets(%dma_start3A_212 : memref<256xi32, #tpu.memory_space<vmem>>) semaphore(%arg10 : memref<!tpu.dma_semaphore, #tpu.memory_space<semaphore_mem>>) {add = true}
      %mul3A_216 = arith.constant 5 : i32
      %mul3A_217 = arith.muli %while3A_142, %mul3A_216 : i32
      %add3A_218 = arith.addi %sub3A, %mul3A_217 : i32
      %add3A_219 = arith.constant 3 : i32
      %add3A_220 = arith.addi %add3A_218, %add3A_219 : i32
      %dma_start3A_221 = arith.constant 1 : i32
      %dma_start3A_222 = arith.constant 768 : i32
      %dma_start3A_223 = arith.constant 0 : i32
      %dma_start3A_224 = tpu.memref_slice %arg6[%rem3A_144, %dma_start3A_222, %dma_start3A_223] : memref<2x1280x16xf32, #tpu.memory_space<vmem>> -> memref<1x256x16xf32, #tpu.memory_space<vmem>>
      %dma_start3A_225 = tpu.memref_squeeze %dma_start3A_224 : memref<1x256x16xf32, #tpu.memory_space<vmem>> -> memref<256x16xf32, #tpu.memory_space<vmem>>
      %dma_start3A_226 = arith.constant 0 : i32
      %dma_start3A_227 = tpu.memref_slice %arg5[%dma_start3A_221, %add3A_220, %dma_start3A_226] : memref<2x40x256xi32, #tpu.memory_space<vmem>> -> memref<1x1x256xi32, #tpu.memory_space<vmem>>
      %dma_start3A_228 = tpu.memref_squeeze %dma_start3A_227 : memref<1x1x256xi32, #tpu.memory_space<vmem>> -> memref<256xi32, #tpu.memory_space<vmem>>
      %dma_start3A_229 = arith.constant 0 : i32
      %dma_start3A_230 = arith.constant 0 : i32
      %dma_start3A_231 = tpu.memref_slice %arg8[%dma_start3A_229, %dma_start3A_230] : memref<10240x16xf32, #tpu.memory_space<vmem_shared>> -> memref<10240x16xf32, #tpu.memory_space<vmem_shared>>
      tpu.enqueue_indirect_dma source(%dma_start3A_225 : memref<256x16xf32, #tpu.memory_space<vmem>>) target(%dma_start3A_231 : memref<10240x16xf32, #tpu.memory_space<vmem_shared>>) offsets(%dma_start3A_228 : memref<256xi32, #tpu.memory_space<vmem>>) semaphore(%arg10 : memref<!tpu.dma_semaphore, #tpu.memory_space<semaphore_mem>>) {add = true}
      %mul3A_232 = arith.constant 5 : i32
      %mul3A_233 = arith.muli %while3A_142, %mul3A_232 : i32
      %add3A_234 = arith.addi %sub3A, %mul3A_233 : i32
      %add3A_235 = arith.constant 4 : i32
      %add3A_236 = arith.addi %add3A_234, %add3A_235 : i32
      %dma_start3A_237 = arith.constant 1 : i32
      %dma_start3A_238 = arith.constant 1024 : i32
      %dma_start3A_239 = arith.constant 0 : i32
      %dma_start3A_240 = tpu.memref_slice %arg6[%rem3A_144, %dma_start3A_238, %dma_start3A_239] : memref<2x1280x16xf32, #tpu.memory_space<vmem>> -> memref<1x256x16xf32, #tpu.memory_space<vmem>>
      %dma_start3A_241 = tpu.memref_squeeze %dma_start3A_240 : memref<1x256x16xf32, #tpu.memory_space<vmem>> -> memref<256x16xf32, #tpu.memory_space<vmem>>
      %dma_start3A_242 = arith.constant 0 : i32
      %dma_start3A_243 = tpu.memref_slice %arg5[%dma_start3A_237, %add3A_236, %dma_start3A_242] : memref<2x40x256xi32, #tpu.memory_space<vmem>> -> memref<1x1x256xi32, #tpu.memory_space<vmem>>
      %dma_start3A_244 = tpu.memref_squeeze %dma_start3A_243 : memref<1x1x256xi32, #tpu.memory_space<vmem>> -> memref<256xi32, #tpu.memory_space<vmem>>
      %dma_start3A_245 = arith.constant 0 : i32
      %dma_start3A_246 = arith.constant 0 : i32
      %dma_start3A_247 = tpu.memref_slice %arg8[%dma_start3A_245, %dma_start3A_246] : memref<10240x16xf32, #tpu.memory_space<vmem_shared>> -> memref<10240x16xf32, #tpu.memory_space<vmem_shared>>
      tpu.enqueue_indirect_dma source(%dma_start3A_241 : memref<256x16xf32, #tpu.memory_space<vmem>>) target(%dma_start3A_247 : memref<10240x16xf32, #tpu.memory_space<vmem_shared>>) offsets(%dma_start3A_244 : memref<256xi32, #tpu.memory_space<vmem>>) semaphore(%arg10 : memref<!tpu.dma_semaphore, #tpu.memory_space<semaphore_mem>>) {add = true}
    }
    %sub3A_121 = arith.constant 1 : i32
    %sub3A_122 = arith.subi %select_n3A, %sub3A_121 : i32
    %rem3A = arith.constant 2 : i32
    %rem3A_123 = arith.remsi %sub3A_122, %rem3A : i32
    %dma_wait3A = arith.constant 0 : i32
    %dma_wait3A_124 = arith.constant 0 : i32
    %dma_wait3A_125 = tpu.memref_slice %arg6[%rem3A_123, %dma_wait3A, %dma_wait3A_124] : memref<2x1280x16xf32, #tpu.memory_space<vmem>> -> memref<1x1280x16xf32, #tpu.memory_space<vmem>>
    %dma_wait3A_126 = tpu.memref_squeeze %dma_wait3A_125 : memref<1x1280x16xf32, #tpu.memory_space<vmem>> -> memref<1280x16xf32, #tpu.memory_space<vmem>>
    %dma_wait3A_127 = arith.constant 0 : i32
    %dma_wait3A_128 = arith.constant 0 : i32
    %dma_wait3A_129 = tpu.memref_slice %arg2[%dma_wait3A_127, %dma_wait3A_128] : memref<10000x16xf32, #tpu.memory_space<hbm>> -> memref<1280x16xf32, #tpu.memory_space<hbm>>
    %dma_wait3A_130 = arith.constant 0 : i32
    %dma_wait3A_131 = arith.constant 0 : i32
    %dma_wait3A_132 = tpu.memref_slice %arg6[%rem3A_123, %dma_wait3A_130, %dma_wait3A_131] : memref<2x1280x16xf32, #tpu.memory_space<vmem>> -> memref<1x1280x16xf32, #tpu.memory_space<vmem>>
    %dma_wait3A_133 = tpu.memref_squeeze %dma_wait3A_132 : memref<1x1280x16xf32, #tpu.memory_space<vmem>> -> memref<1280x16xf32, #tpu.memory_space<vmem>>
    %dma_wait3A_134 = arith.constant 0 : i32
    %dma_wait3A_135 = arith.constant 0 : i32
    %dma_wait3A_136 = tpu.memref_slice %arg2[%dma_wait3A_134, %dma_wait3A_135] : memref<10000x16xf32, #tpu.memory_space<hbm>> -> memref<1280x16xf32, #tpu.memory_space<hbm>>
    tpu.wait_dma2 semaphore(%arg10 : memref<!tpu.dma_semaphore, #tpu.memory_space<semaphore_mem>>) src(%dma_wait3A_136 : memref<1280x16xf32, #tpu.memory_space<hbm>>) dst(%dma_wait3A_133 : memref<1280x16xf32, #tpu.memory_space<vmem>>)
    %barrier3A_137 = arith.constant 0 : index
    tpu.barrier barrier_id(%barrier3A_137)
    %mul3A_138 = arith.constant 640 : i32
    %mul3A_139 = arith.muli %arg1, %mul3A_138 : i32
    %mul3A_140 = arith.constant 640 : i32
    %mul3A_141 = arith.muli %arg1, %mul3A_140 : i32
    "tpu.region"() ({
      %run_scoped3A_142 = tpu.sem_alloc : memref<!tpu.dma_semaphore, #tpu.memory_space<semaphore_mem>>
      %dma_start3A_143 = arith.constant 0 : i32
      %dma_start3A_144 = tpu.memref_slice %arg4[%arg0, %mul3A_141, %dma_start3A_143] : memref<2x10240x16xf32, #tpu.memory_space<hbm>> -> memref<1x640x16xf32, #tpu.memory_space<hbm>>
      %dma_start3A_145 = tpu.memref_squeeze %dma_start3A_144 : memref<1x640x16xf32, #tpu.memory_space<hbm>> -> memref<640x16xf32, #tpu.memory_space<hbm>>
      %dma_start3A_146 = arith.constant 0 : i32
      %dma_start3A_147 = tpu.memref_slice %arg8[%mul3A_139, %dma_start3A_146] : memref<10240x16xf32, #tpu.memory_space<vmem_shared>> -> memref<640x16xf32, #tpu.memory_space<vmem_shared>>
      tpu.enqueue_dma source(%dma_start3A_147 : memref<640x16xf32, #tpu.memory_space<vmem_shared>>) target(%dma_start3A_145 : memref<640x16xf32, #tpu.memory_space<hbm>>) target_semaphore(%run_scoped3A_142 : memref<!tpu.dma_semaphore, #tpu.memory_space<semaphore_mem>>)
      %dma_wait3A_148 = arith.constant 0 : i32
      %dma_wait3A_149 = tpu.memref_slice %arg4[%arg0, %mul3A_141, %dma_wait3A_148] : memref<2x10240x16xf32, #tpu.memory_space<hbm>> -> memref<1x640x16xf32, #tpu.memory_space<hbm>>
      %dma_wait3A_150 = tpu.memref_squeeze %dma_wait3A_149 : memref<1x640x16xf32, #tpu.memory_space<hbm>> -> memref<640x16xf32, #tpu.memory_space<hbm>>
      %dma_wait3A_151 = arith.constant 0 : i32
      %dma_wait3A_152 = tpu.memref_slice %arg8[%mul3A_139, %dma_wait3A_151] : memref<10240x16xf32, #tpu.memory_space<vmem_shared>> -> memref<640x16xf32, #tpu.memory_space<vmem_shared>>
      tpu.wait_dma2 semaphore(%run_scoped3A_142 : memref<!tpu.dma_semaphore, #tpu.memory_space<semaphore_mem>>) src(%dma_wait3A_152 : memref<640x16xf32, #tpu.memory_space<vmem_shared>>) dst(%dma_wait3A_150 : memref<640x16xf32, #tpu.memory_space<hbm>>)
      tpu.yield
    }) : () -> ()
    return
  }
}

#map = affine_map<(d0, d1) -> (0, 0, 0)>
#map1 = affine_map<(d0, d1) -> (0, 0)>
module attributes {stable_mosaic.version = 14 : i64} {
  func.func @_deg_body(%arg0: i32, %arg1: i32, %arg2: memref<2x1250x256xi32, #tpu.memory_space<hbm>>, %arg3: memref<2x10240xf32, #tpu.memory_space<hbm>>, %arg4: memref<40x256xi32, #tpu.memory_space<vmem>>, %arg5: memref<256xf32, #tpu.memory_space<vmem>>, %arg6: memref<640xf32, #tpu.memory_space<vmem>>, %arg7: memref<10240xf32, #tpu.memory_space<vmem_shared>>, %arg8: memref<!tpu.dma_semaphore, #tpu.memory_space<semaphore_mem>>) attributes {dimension_semantics = [#tpu.dimension_semantics<core_parallel>, #tpu.dimension_semantics<subcore_parallel>], iteration_bounds = array<i64: 2, 16>, scalar_prefetch = 0 : i64, scratch_operands = 5 : i64, tpu.core_type = #tpu.core_type<sc_vector_subcore>, window_params = [{transform_indices = #map}, {transform_indices = #map1}]} {
    %broadcast_in_dim3A = arith.constant 1.000000e+00 : f32
    %broadcast_in_dim3A_0 = vector.broadcast %broadcast_in_dim3A : f32 to vector<16xf32>
    %swap3A = arith.constant 0 : index
    %swap3A_1 = tpu.vector_load %arg5[%swap3A] {strides = array<i32>} : memref<256xf32, #tpu.memory_space<vmem>>, vector<16xf32>,
    %swap3A_2 = vector.shape_cast %swap3A_1 : vector<16xf32> to vector<16xf32>
    %swap3A_3 = vector.shape_cast %broadcast_in_dim3A_0 : vector<16xf32> to vector<16xf32>
    tpu.vector_store %arg5[%swap3A], %swap3A_3 {strides = array<i32>} : memref<256xf32, #tpu.memory_space<vmem>>, vector<16xf32>,
    %broadcast_in_dim3A_4 = arith.constant 1.000000e+00 : f32
    %broadcast_in_dim3A_5 = vector.broadcast %broadcast_in_dim3A_4 : f32 to vector<16xf32>
    %swap3A_6 = arith.constant 16 : index
    %swap3A_7 = tpu.vector_load %arg5[%swap3A_6] {strides = array<i32>} : memref<256xf32, #tpu.memory_space<vmem>>, vector<16xf32>,
    %swap3A_8 = vector.shape_cast %swap3A_7 : vector<16xf32> to vector<16xf32>
    %swap3A_9 = vector.shape_cast %broadcast_in_dim3A_5 : vector<16xf32> to vector<16xf32>
    tpu.vector_store %arg5[%swap3A_6], %swap3A_9 {strides = array<i32>} : memref<256xf32, #tpu.memory_space<vmem>>, vector<16xf32>,
    %broadcast_in_dim3A_10 = arith.constant 1.000000e+00 : f32
    %broadcast_in_dim3A_11 = vector.broadcast %broadcast_in_dim3A_10 : f32 to vector<16xf32>
    %swap3A_12 = arith.constant 32 : index
    %swap3A_13 = tpu.vector_load %arg5[%swap3A_12] {strides = array<i32>} : memref<256xf32, #tpu.memory_space<vmem>>, vector<16xf32>,
    %swap3A_14 = vector.shape_cast %swap3A_13 : vector<16xf32> to vector<16xf32>
    %swap3A_15 = vector.shape_cast %broadcast_in_dim3A_11 : vector<16xf32> to vector<16xf32>
    tpu.vector_store %arg5[%swap3A_12], %swap3A_15 {strides = array<i32>} : memref<256xf32, #tpu.memory_space<vmem>>, vector<16xf32>,
    %broadcast_in_dim3A_16 = arith.constant 1.000000e+00 : f32
    %broadcast_in_dim3A_17 = vector.broadcast %broadcast_in_dim3A_16 : f32 to vector<16xf32>
    %swap3A_18 = arith.constant 48 : index
    %swap3A_19 = tpu.vector_load %arg5[%swap3A_18] {strides = array<i32>} : memref<256xf32, #tpu.memory_space<vmem>>, vector<16xf32>,
    %swap3A_20 = vector.shape_cast %swap3A_19 : vector<16xf32> to vector<16xf32>
    %swap3A_21 = vector.shape_cast %broadcast_in_dim3A_17 : vector<16xf32> to vector<16xf32>
    tpu.vector_store %arg5[%swap3A_18], %swap3A_21 {strides = array<i32>} : memref<256xf32, #tpu.memory_space<vmem>>, vector<16xf32>,
    %broadcast_in_dim3A_22 = arith.constant 1.000000e+00 : f32
    %broadcast_in_dim3A_23 = vector.broadcast %broadcast_in_dim3A_22 : f32 to vector<16xf32>
    %swap3A_24 = arith.constant 64 : index
    %swap3A_25 = tpu.vector_load %arg5[%swap3A_24] {strides = array<i32>} : memref<256xf32, #tpu.memory_space<vmem>>, vector<16xf32>,
    %swap3A_26 = vector.shape_cast %swap3A_25 : vector<16xf32> to vector<16xf32>
    %swap3A_27 = vector.shape_cast %broadcast_in_dim3A_23 : vector<16xf32> to vector<16xf32>
    tpu.vector_store %arg5[%swap3A_24], %swap3A_27 {strides = array<i32>} : memref<256xf32, #tpu.memory_space<vmem>>, vector<16xf32>,
    %broadcast_in_dim3A_28 = arith.constant 1.000000e+00 : f32
    %broadcast_in_dim3A_29 = vector.broadcast %broadcast_in_dim3A_28 : f32 to vector<16xf32>
    %swap3A_30 = arith.constant 80 : index
    %swap3A_31 = tpu.vector_load %arg5[%swap3A_30] {strides = array<i32>} : memref<256xf32, #tpu.memory_space<vmem>>, vector<16xf32>,
    %swap3A_32 = vector.shape_cast %swap3A_31 : vector<16xf32> to vector<16xf32>
    %swap3A_33 = vector.shape_cast %broadcast_in_dim3A_29 : vector<16xf32> to vector<16xf32>
    tpu.vector_store %arg5[%swap3A_30], %swap3A_33 {strides = array<i32>} : memref<256xf32, #tpu.memory_space<vmem>>, vector<16xf32>,
    %broadcast_in_dim3A_34 = arith.constant 1.000000e+00 : f32
    %broadcast_in_dim3A_35 = vector.broadcast %broadcast_in_dim3A_34 : f32 to vector<16xf32>
    %swap3A_36 = arith.constant 96 : index
    %swap3A_37 = tpu.vector_load %arg5[%swap3A_36] {strides = array<i32>} : memref<256xf32, #tpu.memory_space<vmem>>, vector<16xf32>,
    %swap3A_38 = vector.shape_cast %swap3A_37 : vector<16xf32> to vector<16xf32>
    %swap3A_39 = vector.shape_cast %broadcast_in_dim3A_35 : vector<16xf32> to vector<16xf32>
    tpu.vector_store %arg5[%swap3A_36], %swap3A_39 {strides = array<i32>} : memref<256xf32, #tpu.memory_space<vmem>>, vector<16xf32>,
    %broadcast_in_dim3A_40 = arith.constant 1.000000e+00 : f32
    %broadcast_in_dim3A_41 = vector.broadcast %broadcast_in_dim3A_40 : f32 to vector<16xf32>
    %swap3A_42 = arith.constant 112 : index
    %swap3A_43 = tpu.vector_load %arg5[%swap3A_42] {strides = array<i32>} : memref<256xf32, #tpu.memory_space<vmem>>, vector<16xf32>,
    %swap3A_44 = vector.shape_cast %swap3A_43 : vector<16xf32> to vector<16xf32>
    %swap3A_45 = vector.shape_cast %broadcast_in_dim3A_41 : vector<16xf32> to vector<16xf32>
    tpu.vector_store %arg5[%swap3A_42], %swap3A_45 {strides = array<i32>} : memref<256xf32, #tpu.memory_space<vmem>>, vector<16xf32>,
    %broadcast_in_dim3A_46 = arith.constant 1.000000e+00 : f32
    %broadcast_in_dim3A_47 = vector.broadcast %broadcast_in_dim3A_46 : f32 to vector<16xf32>
    %swap3A_48 = arith.constant 128 : index
    %swap3A_49 = tpu.vector_load %arg5[%swap3A_48] {strides = array<i32>} : memref<256xf32, #tpu.memory_space<vmem>>, vector<16xf32>,
    %swap3A_50 = vector.shape_cast %swap3A_49 : vector<16xf32> to vector<16xf32>
    %swap3A_51 = vector.shape_cast %broadcast_in_dim3A_47 : vector<16xf32> to vector<16xf32>
    tpu.vector_store %arg5[%swap3A_48], %swap3A_51 {strides = array<i32>} : memref<256xf32, #tpu.memory_space<vmem>>, vector<16xf32>,
    %broadcast_in_dim3A_52 = arith.constant 1.000000e+00 : f32
    %broadcast_in_dim3A_53 = vector.broadcast %broadcast_in_dim3A_52 : f32 to vector<16xf32>
    %swap3A_54 = arith.constant 144 : index
    %swap3A_55 = tpu.vector_load %arg5[%swap3A_54] {strides = array<i32>} : memref<256xf32, #tpu.memory_space<vmem>>, vector<16xf32>,
    %swap3A_56 = vector.shape_cast %swap3A_55 : vector<16xf32> to vector<16xf32>
    %swap3A_57 = vector.shape_cast %broadcast_in_dim3A_53 : vector<16xf32> to vector<16xf32>
    tpu.vector_store %arg5[%swap3A_54], %swap3A_57 {strides = array<i32>} : memref<256xf32, #tpu.memory_space<vmem>>, vector<16xf32>,
    %broadcast_in_dim3A_58 = arith.constant 1.000000e+00 : f32
    %broadcast_in_dim3A_59 = vector.broadcast %broadcast_in_dim3A_58 : f32 to vector<16xf32>
    %swap3A_60 = arith.constant 160 : index
    %swap3A_61 = tpu.vector_load %arg5[%swap3A_60] {strides = array<i32>} : memref<256xf32, #tpu.memory_space<vmem>>, vector<16xf32>,
    %swap3A_62 = vector.shape_cast %swap3A_61 : vector<16xf32> to vector<16xf32>
    %swap3A_63 = vector.shape_cast %broadcast_in_dim3A_59 : vector<16xf32> to vector<16xf32>
    tpu.vector_store %arg5[%swap3A_60], %swap3A_63 {strides = array<i32>} : memref<256xf32, #tpu.memory_space<vmem>>, vector<16xf32>,
    %broadcast_in_dim3A_64 = arith.constant 1.000000e+00 : f32
    %broadcast_in_dim3A_65 = vector.broadcast %broadcast_in_dim3A_64 : f32 to vector<16xf32>
    %swap3A_66 = arith.constant 176 : index
    %swap3A_67 = tpu.vector_load %arg5[%swap3A_66] {strides = array<i32>} : memref<256xf32, #tpu.memory_space<vmem>>, vector<16xf32>,
    %swap3A_68 = vector.shape_cast %swap3A_67 : vector<16xf32> to vector<16xf32>
    %swap3A_69 = vector.shape_cast %broadcast_in_dim3A_65 : vector<16xf32> to vector<16xf32>
    tpu.vector_store %arg5[%swap3A_66], %swap3A_69 {strides = array<i32>} : memref<256xf32, #tpu.memory_space<vmem>>, vector<16xf32>,
    %broadcast_in_dim3A_70 = arith.constant 1.000000e+00 : f32
    %broadcast_in_dim3A_71 = vector.broadcast %broadcast_in_dim3A_70 : f32 to vector<16xf32>
    %swap3A_72 = arith.constant 192 : index
    %swap3A_73 = tpu.vector_load %arg5[%swap3A_72] {strides = array<i32>} : memref<256xf32, #tpu.memory_space<vmem>>, vector<16xf32>,
    %swap3A_74 = vector.shape_cast %swap3A_73 : vector<16xf32> to vector<16xf32>
    %swap3A_75 = vector.shape_cast %broadcast_in_dim3A_71 : vector<16xf32> to vector<16xf32>
    tpu.vector_store %arg5[%swap3A_72], %swap3A_75 {strides = array<i32>} : memref<256xf32, #tpu.memory_space<vmem>>, vector<16xf32>,
    %broadcast_in_dim3A_76 = arith.constant 1.000000e+00 : f32
    %broadcast_in_dim3A_77 = vector.broadcast %broadcast_in_dim3A_76 : f32 to vector<16xf32>
    %swap3A_78 = arith.constant 208 : index
    %swap3A_79 = tpu.vector_load %arg5[%swap3A_78] {strides = array<i32>} : memref<256xf32, #tpu.memory_space<vmem>>, vector<16xf32>,
    %swap3A_80 = vector.shape_cast %swap3A_79 : vector<16xf32> to vector<16xf32>
    %swap3A_81 = vector.shape_cast %broadcast_in_dim3A_77 : vector<16xf32> to vector<16xf32>
    tpu.vector_store %arg5[%swap3A_78], %swap3A_81 {strides = array<i32>} : memref<256xf32, #tpu.memory_space<vmem>>, vector<16xf32>,
    %broadcast_in_dim3A_82 = arith.constant 1.000000e+00 : f32
    %broadcast_in_dim3A_83 = vector.broadcast %broadcast_in_dim3A_82 : f32 to vector<16xf32>
    %swap3A_84 = arith.constant 224 : index
    %swap3A_85 = tpu.vector_load %arg5[%swap3A_84] {strides = array<i32>} : memref<256xf32, #tpu.memory_space<vmem>>, vector<16xf32>,
    %swap3A_86 = vector.shape_cast %swap3A_85 : vector<16xf32> to vector<16xf32>
    %swap3A_87 = vector.shape_cast %broadcast_in_dim3A_83 : vector<16xf32> to vector<16xf32>
    tpu.vector_store %arg5[%swap3A_84], %swap3A_87 {strides = array<i32>} : memref<256xf32, #tpu.memory_space<vmem>>, vector<16xf32>,
    %broadcast_in_dim3A_88 = arith.constant 1.000000e+00 : f32
    %broadcast_in_dim3A_89 = vector.broadcast %broadcast_in_dim3A_88 : f32 to vector<16xf32>
    %swap3A_90 = arith.constant 240 : index
    %swap3A_91 = tpu.vector_load %arg5[%swap3A_90] {strides = array<i32>} : memref<256xf32, #tpu.memory_space<vmem>>, vector<16xf32>,
    %swap3A_92 = vector.shape_cast %swap3A_91 : vector<16xf32> to vector<16xf32>
    %swap3A_93 = vector.shape_cast %broadcast_in_dim3A_89 : vector<16xf32> to vector<16xf32>
    tpu.vector_store %arg5[%swap3A_90], %swap3A_93 {strides = array<i32>} : memref<256xf32, #tpu.memory_space<vmem>>, vector<16xf32>,
    %scan3A = arith.constant 0 : i32
    %scan3A_94 = arith.constant 0 : i32
    %scan3A_95 = arith.constant 40 : i32
    %scan3A_96 = arith.addi %scan3A_94, %scan3A_95 : i32
    %scan3A_97 = arith.constant 1 : i32
    scf.for %scan3A_153 = %scan3A_94 to %scan3A_96 step %scan3A_97  : i32 {
      %broadcast_in_dim3A_154 = arith.constant 0.000000e+00 : f32
      %broadcast_in_dim3A_155 = vector.broadcast %broadcast_in_dim3A_154 : f32 to vector<16xf32>
      %mul3A_156 = arith.constant 16 : i32
      %mul3A_157 = arith.muli %scan3A_153, %mul3A_156 : i32
      %swap3A_158 = arith.index_cast %mul3A_157 : i32 to index
      %swap3A_159 = tpu.vector_load %arg6[%swap3A_158] {strides = array<i32>} : memref<640xf32, #tpu.memory_space<vmem>>, vector<16xf32>,
      %swap3A_160 = vector.shape_cast %swap3A_159 : vector<16xf32> to vector<16xf32>
      %swap3A_161 = vector.shape_cast %broadcast_in_dim3A_155 : vector<16xf32> to vector<16xf32>
      tpu.vector_store %arg6[%swap3A_158], %swap3A_161 {strides = array<i32>} : memref<640xf32, #tpu.memory_space<vmem>>, vector<16xf32>,
    }
    %scan3A_98 = arith.constant 40 : i32
    %mul3A = arith.constant 640 : i32
    %mul3A_99 = arith.muli %arg1, %mul3A : i32
    "tpu.region"() ({
      %run_scoped3A_153 = tpu.sem_alloc : memref<!tpu.dma_semaphore, #tpu.memory_space<semaphore_mem>>
      %dma_start3A = tpu.memref_slice %arg7[%mul3A_99] : memref<10240xf32, #tpu.memory_space<vmem_shared>> -> memref<640xf32, #tpu.memory_space<vmem_shared>>
      %dma_start3A_154 = tpu.memref_slice %arg7[%mul3A_99] : memref<10240xf32, #tpu.memory_space<vmem_shared>> -> memref<640xf32, #tpu.memory_space<vmem_shared>>
      tpu.enqueue_dma source(%arg6 : memref<640xf32, #tpu.memory_space<vmem>>) target(%dma_start3A_154 : memref<640xf32, #tpu.memory_space<vmem_shared>>) target_semaphore(%run_scoped3A_153 : memref<!tpu.dma_semaphore, #tpu.memory_space<semaphore_mem>>)
      %dma_wait3A_155 = tpu.memref_slice %arg7[%mul3A_99] : memref<10240xf32, #tpu.memory_space<vmem_shared>> -> memref<640xf32, #tpu.memory_space<vmem_shared>>
      %dma_wait3A_156 = tpu.memref_slice %arg7[%mul3A_99] : memref<10240xf32, #tpu.memory_space<vmem_shared>> -> memref<640xf32, #tpu.memory_space<vmem_shared>>
      tpu.wait_dma2 semaphore(%run_scoped3A_153 : memref<!tpu.dma_semaphore, #tpu.memory_space<semaphore_mem>>) src(%arg6 : memref<640xf32, #tpu.memory_space<vmem>>) dst(%dma_wait3A_156 : memref<640xf32, #tpu.memory_space<vmem_shared>>)
      tpu.yield
    }) : () -> ()
    %barrier3A = arith.constant 0 : index
    tpu.barrier barrier_id(%barrier3A)
    %eq3A = arith.constant 0 : i32
    %eq3A_100 = arith.cmpi eq, %arg0, %eq3A : i32
    %lt3A = arith.constant 13 : i32
    %lt3A_101 = arith.cmpi slt, %arg1, %lt3A : i32
    %convert_element_type3A = arith.extui %lt3A_101 : i1 to i32
    %add3A = arith.constant 7 : i32
    %add3A_102 = arith.addi %add3A, %convert_element_type3A : i32
    %lt3A_103 = arith.constant 13 : i32
    %lt3A_104 = arith.cmpi slt, %arg1, %lt3A_103 : i32
    %convert_element_type3A_105 = arith.extui %lt3A_104 : i1 to i32
    %add3A_106 = arith.constant 7 : i32
    %add3A_107 = arith.addi %add3A_106, %convert_element_type3A_105 : i32
    %select_n3A = arith.select %eq3A_100, %add3A_102, %add3A_107 : i32
    %mul3A_108 = arith.constant 7 : i32
    %mul3A_109 = arith.muli %arg1, %mul3A_108 : i32
    %min3A = arith.constant 13 : i32
    %min3A_110 = arith.minsi %arg1, %min3A : i32
    %add3A_111 = arith.addi %mul3A_109, %min3A_110 : i32
    %mul3A_112 = arith.constant 7 : i32
    %mul3A_113 = arith.muli %arg1, %mul3A_112 : i32
    %add3A_114 = arith.constant 125 : i32
    %add3A_115 = arith.addi %add3A_114, %mul3A_113 : i32
    %min3A_116 = arith.constant 13 : i32
    %min3A_117 = arith.minsi %arg1, %min3A_116 : i32
    %add3A_118 = arith.addi %add3A_115, %min3A_117 : i32
    %select_n3A_119 = arith.select %eq3A_100, %add3A_111, %add3A_118 : i32
    %mul3A_120 = arith.constant 5 : i32
    %mul3A_121 = arith.muli %select_n3A_119, %mul3A_120 : i32
    %min3A_122 = arith.constant 1210 : i32
    %min3A_123 = arith.minsi %mul3A_121, %min3A_122 : i32
    %sub3A = arith.subi %mul3A_121, %min3A_123 : i32
    %run_scoped3A = arith.constant 1 : i32
    "tpu.region"() ({
      %run_scoped3A_153 = tpu.sem_alloc : memref<!tpu.dma_semaphore, #tpu.memory_space<semaphore_mem>>
      %dma_start3A = arith.constant 0 : i32
      %dma_start3A_154 = tpu.memref_slice %arg2[%run_scoped3A, %min3A_123, %dma_start3A] : memref<2x1250x256xi32, #tpu.memory_space<hbm>> -> memref<1x40x256xi32, #tpu.memory_space<hbm>>
      %dma_start3A_155 = tpu.memref_squeeze %dma_start3A_154 : memref<1x40x256xi32, #tpu.memory_space<hbm>> -> memref<40x256xi32, #tpu.memory_space<hbm>>
      %dma_start3A_156 = arith.constant 0 : i32
      %dma_start3A_157 = tpu.memref_slice %arg2[%run_scoped3A, %min3A_123, %dma_start3A_156] : memref<2x1250x256xi32, #tpu.memory_space<hbm>> -> memref<1x40x256xi32, #tpu.memory_space<hbm>>
      %dma_start3A_158 = tpu.memref_squeeze %dma_start3A_157 : memref<1x40x256xi32, #tpu.memory_space<hbm>> -> memref<40x256xi32, #tpu.memory_space<hbm>>
      tpu.enqueue_dma source(%dma_start3A_158 : memref<40x256xi32, #tpu.memory_space<hbm>>) target(%arg4 : memref<40x256xi32, #tpu.memory_space<vmem>>) target_semaphore(%run_scoped3A_153 : memref<!tpu.dma_semaphore, #tpu.memory_space<semaphore_mem>>)
      %dma_wait3A_159 = arith.constant 0 : i32
      %dma_wait3A_160 = tpu.memref_slice %arg2[%run_scoped3A, %min3A_123, %dma_wait3A_159] : memref<2x1250x256xi32, #tpu.memory_space<hbm>> -> memref<1x40x256xi32, #tpu.memory_space<hbm>>
      %dma_wait3A_161 = tpu.memref_squeeze %dma_wait3A_160 : memref<1x40x256xi32, #tpu.memory_space<hbm>> -> memref<40x256xi32, #tpu.memory_space<hbm>>
      %dma_wait3A_162 = arith.constant 0 : i32
      %dma_wait3A_163 = tpu.memref_slice %arg2[%run_scoped3A, %min3A_123, %dma_wait3A_162] : memref<2x1250x256xi32, #tpu.memory_space<hbm>> -> memref<1x40x256xi32, #tpu.memory_space<hbm>>
      %dma_wait3A_164 = tpu.memref_squeeze %dma_wait3A_163 : memref<1x40x256xi32, #tpu.memory_space<hbm>> -> memref<40x256xi32, #tpu.memory_space<hbm>>
      tpu.wait_dma2 semaphore(%run_scoped3A_153 : memref<!tpu.dma_semaphore, #tpu.memory_space<semaphore_mem>>) src(%dma_wait3A_164 : memref<40x256xi32, #tpu.memory_space<hbm>>) dst(%arg4 : memref<40x256xi32, #tpu.memory_space<vmem>>)
      tpu.yield
    }) : () -> ()
    %while3A = arith.constant 0 : i32
    %while3A_124 = arith.constant 1 : i32
    %while3A_125 = arith.constant 0 : i32
    %while3A_126 = arith.subi %select_n3A, %while3A_125 : i32
    %while3A_127 = arith.addi %while3A_125, %while3A_126 : i32
    %while3A_128 = arith.constant 1 : i32
    %while3A_129 = arith.divsi %while3A_126, %while3A_128 : i32
    %while3A_130 = arith.muli %while3A_129, %while3A_128 : i32
    %while3A_131 = arith.addi %while3A_125, %while3A_130 : i32
    %while3A_132 = arith.constant 1 : i32
    scf.for %while3A_153 = %while3A_125 to %while3A_131 step %while3A_132  : i32 {
      %ge3A = arith.constant 1 : i32
      %ge3A_154 = arith.cmpi sge, %while3A_153, %ge3A : i32
      %convert_element_type3A_155 = arith.extui %ge3A_154 : i1 to i32
      %cond3A = arith.constant 0 : i32
      %cond3A_156 = arith.cmpi ne, %convert_element_type3A_155, %cond3A : i32
      scf.if %cond3A_156 {
        %dma_wait3A_206 = arith.constant 0 : i32
        %dma_wait3A_207 = arith.constant 0 : i32
        %dma_wait3A_208 = tpu.memref_slice %arg4[%dma_wait3A_206, %dma_wait3A_207] : memref<40x256xi32, #tpu.memory_space<vmem>> -> memref<5x256xi32, #tpu.memory_space<vmem>>
        %dma_wait3A_209 = arith.constant 0 : i32
        %dma_wait3A_210 = arith.constant 0 : i32
        %dma_wait3A_211 = tpu.memref_slice %arg2[%while3A_124, %dma_wait3A_209, %dma_wait3A_210] : memref<2x1250x256xi32, #tpu.memory_space<hbm>> -> memref<1x5x256xi32, #tpu.memory_space<hbm>>
        %dma_wait3A_212 = tpu.memref_squeeze %dma_wait3A_211 : memref<1x5x256xi32, #tpu.memory_space<hbm>> -> memref<5x256xi32, #tpu.memory_space<hbm>>
        %dma_wait3A_213 = arith.constant 0 : i32
        %dma_wait3A_214 = arith.constant 0 : i32
        %dma_wait3A_215 = tpu.memref_slice %arg4[%dma_wait3A_213, %dma_wait3A_214] : memref<40x256xi32, #tpu.memory_space<vmem>> -> memref<5x256xi32, #tpu.memory_space<vmem>>
        %dma_wait3A_216 = arith.constant 0 : i32
        %dma_wait3A_217 = arith.constant 0 : i32
        %dma_wait3A_218 = tpu.memref_slice %arg2[%while3A_124, %dma_wait3A_216, %dma_wait3A_217] : memref<2x1250x256xi32, #tpu.memory_space<hbm>> -> memref<1x5x256xi32, #tpu.memory_space<hbm>>
        %dma_wait3A_219 = tpu.memref_squeeze %dma_wait3A_218 : memref<1x5x256xi32, #tpu.memory_space<hbm>> -> memref<5x256xi32, #tpu.memory_space<hbm>>
        tpu.wait_dma2 semaphore(%arg8 : memref<!tpu.dma_semaphore, #tpu.memory_space<semaphore_mem>>) src(%dma_wait3A_219 : memref<5x256xi32, #tpu.memory_space<hbm>>) dst(%dma_wait3A_215 : memref<5x256xi32, #tpu.memory_space<vmem>>)
      } else {
      }
      %mul3A_157 = arith.constant 5 : i32
      %mul3A_158 = arith.muli %while3A_153, %mul3A_157 : i32
      %add3A_159 = arith.addi %sub3A, %mul3A_158 : i32
      %add3A_160 = arith.constant 0 : i32
      %add3A_161 = arith.addi %add3A_159, %add3A_160 : i32
      %dma_start3A = arith.constant 0 : i32
      %dma_start3A_162 = tpu.memref_slice %arg4[%add3A_161, %dma_start3A] : memref<40x256xi32, #tpu.memory_space<vmem>> -> memref<1x256xi32, #tpu.memory_space<vmem>>
      %dma_start3A_163 = tpu.memref_squeeze %dma_start3A_162 : memref<1x256xi32, #tpu.memory_space<vmem>> -> memref<256xi32, #tpu.memory_space<vmem>>
      %dma_start3A_164 = arith.constant 0 : i32
      %dma_start3A_165 = tpu.memref_slice %arg7[%dma_start3A_164] : memref<10240xf32, #tpu.memory_space<vmem_shared>> -> memref<10240xf32, #tpu.memory_space<vmem_shared>>
      tpu.enqueue_indirect_dma source(%arg5 : memref<256xf32, #tpu.memory_space<vmem>>) target(%dma_start3A_165 : memref<10240xf32, #tpu.memory_space<vmem_shared>>) offsets(%dma_start3A_163 : memref<256xi32, #tpu.memory_space<vmem>>) semaphore(%arg8 : memref<!tpu.dma_semaphore, #tpu.memory_space<semaphore_mem>>) {add = true}
      %mul3A_166 = arith.constant 5 : i32
      %mul3A_167 = arith.muli %while3A_153, %mul3A_166 : i32
      %add3A_168 = arith.addi %sub3A, %mul3A_167 : i32
      %add3A_169 = arith.constant 1 : i32
      %add3A_170 = arith.addi %add3A_168, %add3A_169 : i32
      %dma_start3A_171 = arith.constant 0 : i32
      %dma_start3A_172 = tpu.memref_slice %arg4[%add3A_170, %dma_start3A_171] : memref<40x256xi32, #tpu.memory_space<vmem>> -> memref<1x256xi32, #tpu.memory_space<vmem>>
      %dma_start3A_173 = tpu.memref_squeeze %dma_start3A_172 : memref<1x256xi32, #tpu.memory_space<vmem>> -> memref<256xi32, #tpu.memory_space<vmem>>
      %dma_start3A_174 = arith.constant 0 : i32
      %dma_start3A_175 = tpu.memref_slice %arg7[%dma_start3A_174] : memref<10240xf32, #tpu.memory_space<vmem_shared>> -> memref<10240xf32, #tpu.memory_space<vmem_shared>>
      tpu.enqueue_indirect_dma source(%arg5 : memref<256xf32, #tpu.memory_space<vmem>>) target(%dma_start3A_175 : memref<10240xf32, #tpu.memory_space<vmem_shared>>) offsets(%dma_start3A_173 : memref<256xi32, #tpu.memory_space<vmem>>) semaphore(%arg8 : memref<!tpu.dma_semaphore, #tpu.memory_space<semaphore_mem>>) {add = true}
      %mul3A_176 = arith.constant 5 : i32
      %mul3A_177 = arith.muli %while3A_153, %mul3A_176 : i32
      %add3A_178 = arith.addi %sub3A, %mul3A_177 : i32
      %add3A_179 = arith.constant 2 : i32
      %add3A_180 = arith.addi %add3A_178, %add3A_179 : i32
      %dma_start3A_181 = arith.constant 0 : i32
      %dma_start3A_182 = tpu.memref_slice %arg4[%add3A_180, %dma_start3A_181] : memref<40x256xi32, #tpu.memory_space<vmem>> -> memref<1x256xi32, #tpu.memory_space<vmem>>
      %dma_start3A_183 = tpu.memref_squeeze %dma_start3A_182 : memref<1x256xi32, #tpu.memory_space<vmem>> -> memref<256xi32, #tpu.memory_space<vmem>>
      %dma_start3A_184 = arith.constant 0 : i32
      %dma_start3A_185 = tpu.memref_slice %arg7[%dma_start3A_184] : memref<10240xf32, #tpu.memory_space<vmem_shared>> -> memref<10240xf32, #tpu.memory_space<vmem_shared>>
      tpu.enqueue_indirect_dma source(%arg5 : memref<256xf32, #tpu.memory_space<vmem>>) target(%dma_start3A_185 : memref<10240xf32, #tpu.memory_space<vmem_shared>>) offsets(%dma_start3A_183 : memref<256xi32, #tpu.memory_space<vmem>>) semaphore(%arg8 : memref<!tpu.dma_semaphore, #tpu.memory_space<semaphore_mem>>) {add = true}
      %mul3A_186 = arith.constant 5 : i32
      %mul3A_187 = arith.muli %while3A_153, %mul3A_186 : i32
      %add3A_188 = arith.addi %sub3A, %mul3A_187 : i32
      %add3A_189 = arith.constant 3 : i32
      %add3A_190 = arith.addi %add3A_188, %add3A_189 : i32
      %dma_start3A_191 = arith.constant 0 : i32
      %dma_start3A_192 = tpu.memref_slice %arg4[%add3A_190, %dma_start3A_191] : memref<40x256xi32, #tpu.memory_space<vmem>> -> memref<1x256xi32, #tpu.memory_space<vmem>>
      %dma_start3A_193 = tpu.memref_squeeze %dma_start3A_192 : memref<1x256xi32, #tpu.memory_space<vmem>> -> memref<256xi32, #tpu.memory_space<vmem>>
      %dma_start3A_194 = arith.constant 0 : i32
      %dma_start3A_195 = tpu.memref_slice %arg7[%dma_start3A_194] : memref<10240xf32, #tpu.memory_space<vmem_shared>> -> memref<10240xf32, #tpu.memory_space<vmem_shared>>
      tpu.enqueue_indirect_dma source(%arg5 : memref<256xf32, #tpu.memory_space<vmem>>) target(%dma_start3A_195 : memref<10240xf32, #tpu.memory_space<vmem_shared>>) offsets(%dma_start3A_193 : memref<256xi32, #tpu.memory_space<vmem>>) semaphore(%arg8 : memref<!tpu.dma_semaphore, #tpu.memory_space<semaphore_mem>>) {add = true}
      %mul3A_196 = arith.constant 5 : i32
      %mul3A_197 = arith.muli %while3A_153, %mul3A_196 : i32
      %add3A_198 = arith.addi %sub3A, %mul3A_197 : i32
      %add3A_199 = arith.constant 4 : i32
      %add3A_200 = arith.addi %add3A_198, %add3A_199 : i32
      %dma_start3A_201 = arith.constant 0 : i32
      %dma_start3A_202 = tpu.memref_slice %arg4[%add3A_200, %dma_start3A_201] : memref<40x256xi32, #tpu.memory_space<vmem>> -> memref<1x256xi32, #tpu.memory_space<vmem>>
      %dma_start3A_203 = tpu.memref_squeeze %dma_start3A_202 : memref<1x256xi32, #tpu.memory_space<vmem>> -> memref<256xi32, #tpu.memory_space<vmem>>
      %dma_start3A_204 = arith.constant 0 : i32
      %dma_start3A_205 = tpu.memref_slice %arg7[%dma_start3A_204] : memref<10240xf32, #tpu.memory_space<vmem_shared>> -> memref<10240xf32, #tpu.memory_space<vmem_shared>>
      tpu.enqueue_indirect_dma source(%arg5 : memref<256xf32, #tpu.memory_space<vmem>>) target(%dma_start3A_205 : memref<10240xf32, #tpu.memory_space<vmem_shared>>) offsets(%dma_start3A_203 : memref<256xi32, #tpu.memory_space<vmem>>) semaphore(%arg8 : memref<!tpu.dma_semaphore, #tpu.memory_space<semaphore_mem>>) {add = true}
    }
    %while3A_133 = arith.constant 1 : i32
    scf.for %while3A_153 = %while3A_131 to %while3A_127 step %while3A_133  : i32 {
      %ge3A = arith.constant 1 : i32
      %ge3A_154 = arith.cmpi sge, %while3A_153, %ge3A : i32
      %convert_element_type3A_155 = arith.extui %ge3A_154 : i1 to i32
      %cond3A = arith.constant 0 : i32
      %cond3A_156 = arith.cmpi ne, %convert_element_type3A_155, %cond3A : i32
      scf.if %cond3A_156 {
        %dma_wait3A_206 = arith.constant 0 : i32
        %dma_wait3A_207 = arith.constant 0 : i32
        %dma_wait3A_208 = tpu.memref_slice %arg4[%dma_wait3A_206, %dma_wait3A_207] : memref<40x256xi32, #tpu.memory_space<vmem>> -> memref<5x256xi32, #tpu.memory_space<vmem>>
        %dma_wait3A_209 = arith.constant 0 : i32
        %dma_wait3A_210 = arith.constant 0 : i32
        %dma_wait3A_211 = tpu.memref_slice %arg2[%while3A_124, %dma_wait3A_209, %dma_wait3A_210] : memref<2x1250x256xi32, #tpu.memory_space<hbm>> -> memref<1x5x256xi32, #tpu.memory_space<hbm>>
        %dma_wait3A_212 = tpu.memref_squeeze %dma_wait3A_211 : memref<1x5x256xi32, #tpu.memory_space<hbm>> -> memref<5x256xi32, #tpu.memory_space<hbm>>
        %dma_wait3A_213 = arith.constant 0 : i32
        %dma_wait3A_214 = arith.constant 0 : i32
        %dma_wait3A_215 = tpu.memref_slice %arg4[%dma_wait3A_213, %dma_wait3A_214] : memref<40x256xi32, #tpu.memory_space<vmem>> -> memref<5x256xi32, #tpu.memory_space<vmem>>
        %dma_wait3A_216 = arith.constant 0 : i32
        %dma_wait3A_217 = arith.constant 0 : i32
        %dma_wait3A_218 = tpu.memref_slice %arg2[%while3A_124, %dma_wait3A_216, %dma_wait3A_217] : memref<2x1250x256xi32, #tpu.memory_space<hbm>> -> memref<1x5x256xi32, #tpu.memory_space<hbm>>
        %dma_wait3A_219 = tpu.memref_squeeze %dma_wait3A_218 : memref<1x5x256xi32, #tpu.memory_space<hbm>> -> memref<5x256xi32, #tpu.memory_space<hbm>>
        tpu.wait_dma2 semaphore(%arg8 : memref<!tpu.dma_semaphore, #tpu.memory_space<semaphore_mem>>) src(%dma_wait3A_219 : memref<5x256xi32, #tpu.memory_space<hbm>>) dst(%dma_wait3A_215 : memref<5x256xi32, #tpu.memory_space<vmem>>)
      } else {
      }
      %mul3A_157 = arith.constant 5 : i32
      %mul3A_158 = arith.muli %while3A_153, %mul3A_157 : i32
      %add3A_159 = arith.addi %sub3A, %mul3A_158 : i32
      %add3A_160 = arith.constant 0 : i32
      %add3A_161 = arith.addi %add3A_159, %add3A_160 : i32
      %dma_start3A = arith.constant 0 : i32
      %dma_start3A_162 = tpu.memref_slice %arg4[%add3A_161, %dma_start3A] : memref<40x256xi32, #tpu.memory_space<vmem>> -> memref<1x256xi32, #tpu.memory_space<vmem>>
      %dma_start3A_163 = tpu.memref_squeeze %dma_start3A_162 : memref<1x256xi32, #tpu.memory_space<vmem>> -> memref<256xi32, #tpu.memory_space<vmem>>
      %dma_start3A_164 = arith.constant 0 : i32
      %dma_start3A_165 = tpu.memref_slice %arg7[%dma_start3A_164] : memref<10240xf32, #tpu.memory_space<vmem_shared>> -> memref<10240xf32, #tpu.memory_space<vmem_shared>>
      tpu.enqueue_indirect_dma source(%arg5 : memref<256xf32, #tpu.memory_space<vmem>>) target(%dma_start3A_165 : memref<10240xf32, #tpu.memory_space<vmem_shared>>) offsets(%dma_start3A_163 : memref<256xi32, #tpu.memory_space<vmem>>) semaphore(%arg8 : memref<!tpu.dma_semaphore, #tpu.memory_space<semaphore_mem>>) {add = true}
      %mul3A_166 = arith.constant 5 : i32
      %mul3A_167 = arith.muli %while3A_153, %mul3A_166 : i32
      %add3A_168 = arith.addi %sub3A, %mul3A_167 : i32
      %add3A_169 = arith.constant 1 : i32
      %add3A_170 = arith.addi %add3A_168, %add3A_169 : i32
      %dma_start3A_171 = arith.constant 0 : i32
      %dma_start3A_172 = tpu.memref_slice %arg4[%add3A_170, %dma_start3A_171] : memref<40x256xi32, #tpu.memory_space<vmem>> -> memref<1x256xi32, #tpu.memory_space<vmem>>
      %dma_start3A_173 = tpu.memref_squeeze %dma_start3A_172 : memref<1x256xi32, #tpu.memory_space<vmem>> -> memref<256xi32, #tpu.memory_space<vmem>>
      %dma_start3A_174 = arith.constant 0 : i32
      %dma_start3A_175 = tpu.memref_slice %arg7[%dma_start3A_174] : memref<10240xf32, #tpu.memory_space<vmem_shared>> -> memref<10240xf32, #tpu.memory_space<vmem_shared>>
      tpu.enqueue_indirect_dma source(%arg5 : memref<256xf32, #tpu.memory_space<vmem>>) target(%dma_start3A_175 : memref<10240xf32, #tpu.memory_space<vmem_shared>>) offsets(%dma_start3A_173 : memref<256xi32, #tpu.memory_space<vmem>>) semaphore(%arg8 : memref<!tpu.dma_semaphore, #tpu.memory_space<semaphore_mem>>) {add = true}
      %mul3A_176 = arith.constant 5 : i32
      %mul3A_177 = arith.muli %while3A_153, %mul3A_176 : i32
      %add3A_178 = arith.addi %sub3A, %mul3A_177 : i32
      %add3A_179 = arith.constant 2 : i32
      %add3A_180 = arith.addi %add3A_178, %add3A_179 : i32
      %dma_start3A_181 = arith.constant 0 : i32
      %dma_start3A_182 = tpu.memref_slice %arg4[%add3A_180, %dma_start3A_181] : memref<40x256xi32, #tpu.memory_space<vmem>> -> memref<1x256xi32, #tpu.memory_space<vmem>>
      %dma_start3A_183 = tpu.memref_squeeze %dma_start3A_182 : memref<1x256xi32, #tpu.memory_space<vmem>> -> memref<256xi32, #tpu.memory_space<vmem>>
      %dma_start3A_184 = arith.constant 0 : i32
      %dma_start3A_185 = tpu.memref_slice %arg7[%dma_start3A_184] : memref<10240xf32, #tpu.memory_space<vmem_shared>> -> memref<10240xf32, #tpu.memory_space<vmem_shared>>
      tpu.enqueue_indirect_dma source(%arg5 : memref<256xf32, #tpu.memory_space<vmem>>) target(%dma_start3A_185 : memref<10240xf32, #tpu.memory_space<vmem_shared>>) offsets(%dma_start3A_183 : memref<256xi32, #tpu.memory_space<vmem>>) semaphore(%arg8 : memref<!tpu.dma_semaphore, #tpu.memory_space<semaphore_mem>>) {add = true}
      %mul3A_186 = arith.constant 5 : i32
      %mul3A_187 = arith.muli %while3A_153, %mul3A_186 : i32
      %add3A_188 = arith.addi %sub3A, %mul3A_187 : i32
      %add3A_189 = arith.constant 3 : i32
      %add3A_190 = arith.addi %add3A_188, %add3A_189 : i32
      %dma_start3A_191 = arith.constant 0 : i32
      %dma_start3A_192 = tpu.memref_slice %arg4[%add3A_190, %dma_start3A_191] : memref<40x256xi32, #tpu.memory_space<vmem>> -> memref<1x256xi32, #tpu.memory_space<vmem>>
      %dma_start3A_193 = tpu.memref_squeeze %dma_start3A_192 : memref<1x256xi32, #tpu.memory_space<vmem>> -> memref<256xi32, #tpu.memory_space<vmem>>
      %dma_start3A_194 = arith.constant 0 : i32
      %dma_start3A_195 = tpu.memref_slice %arg7[%dma_start3A_194] : memref<10240xf32, #tpu.memory_space<vmem_shared>> -> memref<10240xf32, #tpu.memory_space<vmem_shared>>
      tpu.enqueue_indirect_dma source(%arg5 : memref<256xf32, #tpu.memory_space<vmem>>) target(%dma_start3A_195 : memref<10240xf32, #tpu.memory_space<vmem_shared>>) offsets(%dma_start3A_193 : memref<256xi32, #tpu.memory_space<vmem>>) semaphore(%arg8 : memref<!tpu.dma_semaphore, #tpu.memory_space<semaphore_mem>>) {add = true}
      %mul3A_196 = arith.constant 5 : i32
      %mul3A_197 = arith.muli %while3A_153, %mul3A_196 : i32
      %add3A_198 = arith.addi %sub3A, %mul3A_197 : i32
      %add3A_199 = arith.constant 4 : i32
      %add3A_200 = arith.addi %add3A_198, %add3A_199 : i32
      %dma_start3A_201 = arith.constant 0 : i32
      %dma_start3A_202 = tpu.memref_slice %arg4[%add3A_200, %dma_start3A_201] : memref<40x256xi32, #tpu.memory_space<vmem>> -> memref<1x256xi32, #tpu.memory_space<vmem>>
      %dma_start3A_203 = tpu.memref_squeeze %dma_start3A_202 : memref<1x256xi32, #tpu.memory_space<vmem>> -> memref<256xi32, #tpu.memory_space<vmem>>
      %dma_start3A_204 = arith.constant 0 : i32
      %dma_start3A_205 = tpu.memref_slice %arg7[%dma_start3A_204] : memref<10240xf32, #tpu.memory_space<vmem_shared>> -> memref<10240xf32, #tpu.memory_space<vmem_shared>>
      tpu.enqueue_indirect_dma source(%arg5 : memref<256xf32, #tpu.memory_space<vmem>>) target(%dma_start3A_205 : memref<10240xf32, #tpu.memory_space<vmem_shared>>) offsets(%dma_start3A_203 : memref<256xi32, #tpu.memory_space<vmem>>) semaphore(%arg8 : memref<!tpu.dma_semaphore, #tpu.memory_space<semaphore_mem>>) {add = true}
    }
    %dma_wait3A = arith.constant 1 : i32
    %dma_wait3A_134 = arith.constant 0 : i32
    %dma_wait3A_135 = arith.constant 0 : i32
    %dma_wait3A_136 = tpu.memref_slice %arg4[%dma_wait3A_134, %dma_wait3A_135] : memref<40x256xi32, #tpu.memory_space<vmem>> -> memref<5x256xi32, #tpu.memory_space<vmem>>
    %dma_wait3A_137 = arith.constant 0 : i32
    %dma_wait3A_138 = arith.constant 0 : i32
    %dma_wait3A_139 = tpu.memref_slice %arg2[%dma_wait3A, %dma_wait3A_137, %dma_wait3A_138] : memref<2x1250x256xi32, #tpu.memory_space<hbm>> -> memref<1x5x256xi32, #tpu.memory_space<hbm>>
    %dma_wait3A_140 = tpu.memref_squeeze %dma_wait3A_139 : memref<1x5x256xi32, #tpu.memory_space<hbm>> -> memref<5x256xi32, #tpu.memory_space<hbm>>
    %dma_wait3A_141 = arith.constant 0 : i32
    %dma_wait3A_142 = arith.constant 0 : i32
    %dma_wait3A_143 = tpu.memref_slice %arg4[%dma_wait3A_141, %dma_wait3A_142] : memref<40x256xi32, #tpu.memory_space<vmem>> -> memref<5x256xi32, #tpu.memory_space<vmem>>
    %dma_wait3A_144 = arith.constant 0 : i32
    %dma_wait3A_145 = arith.constant 0 : i32
    %dma_wait3A_146 = tpu.memref_slice %arg2[%dma_wait3A, %dma_wait3A_144, %dma_wait3A_145] : memref<2x1250x256xi32, #tpu.memory_space<hbm>> -> memref<1x5x256xi32, #tpu.memory_space<hbm>>
    %dma_wait3A_147 = tpu.memref_squeeze %dma_wait3A_146 : memref<1x5x256xi32, #tpu.memory_space<hbm>> -> memref<5x256xi32, #tpu.memory_space<hbm>>
    tpu.wait_dma2 semaphore(%arg8 : memref<!tpu.dma_semaphore, #tpu.memory_space<semaphore_mem>>) src(%dma_wait3A_147 : memref<5x256xi32, #tpu.memory_space<hbm>>) dst(%dma_wait3A_143 : memref<5x256xi32, #tpu.memory_space<vmem>>)
    %barrier3A_148 = arith.constant 0 : index
    tpu.barrier barrier_id(%barrier3A_148)
    %mul3A_149 = arith.constant 640 : i32
    %mul3A_150 = arith.muli %arg1, %mul3A_149 : i32
    %mul3A_151 = arith.constant 640 : i32
    %mul3A_152 = arith.muli %arg1, %mul3A_151 : i32
    "tpu.region"() ({
      %run_scoped3A_153 = tpu.sem_alloc : memref<!tpu.dma_semaphore, #tpu.memory_space<semaphore_mem>>
      %dma_start3A = tpu.memref_slice %arg3[%arg0, %mul3A_152] : memref<2x10240xf32, #tpu.memory_space<hbm>> -> memref<1x640xf32, #tpu.memory_space<hbm>>
      %dma_start3A_154 = tpu.memref_squeeze %dma_start3A : memref<1x640xf32, #tpu.memory_space<hbm>> -> memref<640xf32, #tpu.memory_space<hbm>>
      %dma_start3A_155 = tpu.memref_slice %arg7[%mul3A_150] : memref<10240xf32, #tpu.memory_space<vmem_shared>> -> memref<640xf32, #tpu.memory_space<vmem_shared>>
      tpu.enqueue_dma source(%dma_start3A_155 : memref<640xf32, #tpu.memory_space<vmem_shared>>) target(%dma_start3A_154 : memref<640xf32, #tpu.memory_space<hbm>>) target_semaphore(%run_scoped3A_153 : memref<!tpu.dma_semaphore, #tpu.memory_space<semaphore_mem>>)
      %dma_wait3A_156 = tpu.memref_slice %arg3[%arg0, %mul3A_152] : memref<2x10240xf32, #tpu.memory_space<hbm>> -> memref<1x640xf32, #tpu.memory_space<hbm>>
      %dma_wait3A_157 = tpu.memref_squeeze %dma_wait3A_156 : memref<1x640xf32, #tpu.memory_space<hbm>> -> memref<640xf32, #tpu.memory_space<hbm>>
      %dma_wait3A_158 = tpu.memref_slice %arg7[%mul3A_150] : memref<10240xf32, #tpu.memory_space<vmem_shared>> -> memref<640xf32, #tpu.memory_space<vmem_shared>>
      tpu.wait_dma2 semaphore(%run_scoped3A_153 : memref<!tpu.dma_semaphore, #tpu.memory_space<semaphore_mem>>) src(%dma_wait3A_158 : memref<640xf32, #tpu.memory_space<vmem_shared>>) dst(%dma_wait3A_157 : memref<640xf32, #tpu.memory_space<hbm>>)
      tpu.yield
    }) : () -> ()
    return
  }
}

#map = affine_map<(d0, d1) -> (0, 0)>
#map1 = affine_map<(d0, d1) -> (0, 0, 0)>
module attributes {stable_mosaic.version = 14 : i64} {
  func.func @_scat_body(%arg0: i32, %arg1: i32, %arg2: memref<10000x16xf32, #tpu.memory_space<hbm>>, %arg3: memref<2x1250x256xi32, #tpu.memory_space<hbm>>, %arg4: memref<2x10240x16xf32, #tpu.memory_space<hbm>>, %arg5: memref<2x40x256xi32, #tpu.memory_space<vmem>>, %arg6: memref<2x1280x16xf32, #tpu.memory_space<vmem>>, %arg7: memref<640x16xf32, #tpu.memory_space<vmem>>, %arg8: memref<10240x16xf32, #tpu.memory_space<vmem_shared>>, %arg9: memref<!tpu.dma_semaphore, #tpu.memory_space<semaphore_mem>>, %arg10: memref<!tpu.dma_semaphore, #tpu.memory_space<semaphore_mem>>) attributes {dimension_semantics = [#tpu.dimension_semantics<core_parallel>, #tpu.dimension_semantics<subcore_parallel>], iteration_bounds = array<i64: 2, 16>, scalar_prefetch = 0 : i64, scratch_operands = 6 : i64, tpu.core_type = #tpu.core_type<sc_vector_subcore>, window_params = [{transform_indices = #map}, {transform_indices = #map1}, {transform_indices = #map1}]} {
    %scan3A = arith.constant 0 : i32
    %scan3A_0 = arith.constant 0 : i32
    %scan3A_1 = arith.constant 640 : i32
    %scan3A_2 = arith.addi %scan3A_0, %scan3A_1 : i32
    %scan3A_3 = arith.constant 1 : i32
    scf.for %scan3A_142 = %scan3A_0 to %scan3A_2 step %scan3A_3  : i32 {
      %broadcast_in_dim3A = arith.constant 0.000000e+00 : f32
      %broadcast_in_dim3A_143 = vector.broadcast %broadcast_in_dim3A : f32 to vector<16xf32>
      %swap3A = arith.index_cast %scan3A_142 : i32 to index
      %swap3A_144 = arith.constant 0 : index
      %swap3A_145 = tpu.vector_load %arg7[%swap3A, %swap3A_144] {strides = array<i32>} : memref<640x16xf32, #tpu.memory_space<vmem>>, vector<1x16xf32>,
      %swap3A_146 = vector.shape_cast %swap3A_145 : vector<1x16xf32> to vector<16xf32>
      %swap3A_147 = vector.shape_cast %broadcast_in_dim3A_143 : vector<16xf32> to vector<1x16xf32>
      tpu.vector_store %arg7[%swap3A, %swap3A_144], %swap3A_147 {strides = array<i32>} : memref<640x16xf32, #tpu.memory_space<vmem>>, vector<1x16xf32>,
    }
    %scan3A_4 = arith.constant 640 : i32
    %mul3A = arith.constant 640 : i32
    %mul3A_5 = arith.muli %arg1, %mul3A : i32
    "tpu.region"() ({
      %run_scoped3A_142 = tpu.sem_alloc : memref<!tpu.dma_semaphore, #tpu.memory_space<semaphore_mem>>
      %dma_start3A_143 = arith.constant 0 : i32
      %dma_start3A_144 = tpu.memref_slice %arg8[%mul3A_5, %dma_start3A_143] : memref<10240x16xf32, #tpu.memory_space<vmem_shared>> -> memref<640x16xf32, #tpu.memory_space<vmem_shared>>
      %dma_start3A_145 = arith.constant 0 : i32
      %dma_start3A_146 = tpu.memref_slice %arg8[%mul3A_5, %dma_start3A_145] : memref<10240x16xf32, #tpu.memory_space<vmem_shared>> -> memref<640x16xf32, #tpu.memory_space<vmem_shared>>
      tpu.enqueue_dma source(%arg7 : memref<640x16xf32, #tpu.memory_space<vmem>>) target(%dma_start3A_146 : memref<640x16xf32, #tpu.memory_space<vmem_shared>>) target_semaphore(%run_scoped3A_142 : memref<!tpu.dma_semaphore, #tpu.memory_space<semaphore_mem>>)
      %dma_wait3A_147 = arith.constant 0 : i32
      %dma_wait3A_148 = tpu.memref_slice %arg8[%mul3A_5, %dma_wait3A_147] : memref<10240x16xf32, #tpu.memory_space<vmem_shared>> -> memref<640x16xf32, #tpu.memory_space<vmem_shared>>
      %dma_wait3A_149 = arith.constant 0 : i32
      %dma_wait3A_150 = tpu.memref_slice %arg8[%mul3A_5, %dma_wait3A_149] : memref<10240x16xf32, #tpu.memory_space<vmem_shared>> -> memref<640x16xf32, #tpu.memory_space<vmem_shared>>
      tpu.wait_dma2 semaphore(%run_scoped3A_142 : memref<!tpu.dma_semaphore, #tpu.memory_space<semaphore_mem>>) src(%arg7 : memref<640x16xf32, #tpu.memory_space<vmem>>) dst(%dma_wait3A_150 : memref<640x16xf32, #tpu.memory_space<vmem_shared>>)
      tpu.yield
    }) : () -> ()
    %barrier3A = arith.constant 0 : index
    tpu.barrier barrier_id(%barrier3A)
    %eq3A = arith.constant 0 : i32
    %eq3A_6 = arith.cmpi eq, %arg0, %eq3A : i32
    %lt3A = arith.constant 13 : i32
    %lt3A_7 = arith.cmpi slt, %arg1, %lt3A : i32
    %convert_element_type3A = arith.extui %lt3A_7 : i1 to i32
    %add3A = arith.constant 7 : i32
    %add3A_8 = arith.addi %add3A, %convert_element_type3A : i32
    %lt3A_9 = arith.constant 13 : i32
    %lt3A_10 = arith.cmpi slt, %arg1, %lt3A_9 : i32
    %convert_element_type3A_11 = arith.extui %lt3A_10 : i1 to i32
    %add3A_12 = arith.constant 7 : i32
    %add3A_13 = arith.addi %add3A_12, %convert_element_type3A_11 : i32
    %select_n3A = arith.select %eq3A_6, %add3A_8, %add3A_13 : i32
    %mul3A_14 = arith.constant 7 : i32
    %mul3A_15 = arith.muli %arg1, %mul3A_14 : i32
    %min3A = arith.constant 13 : i32
    %min3A_16 = arith.minsi %arg1, %min3A : i32
    %add3A_17 = arith.addi %mul3A_15, %min3A_16 : i32
    %mul3A_18 = arith.constant 7 : i32
    %mul3A_19 = arith.muli %arg1, %mul3A_18 : i32
    %add3A_20 = arith.constant 125 : i32
    %add3A_21 = arith.addi %add3A_20, %mul3A_19 : i32
    %min3A_22 = arith.constant 13 : i32
    %min3A_23 = arith.minsi %arg1, %min3A_22 : i32
    %add3A_24 = arith.addi %add3A_21, %min3A_23 : i32
    %select_n3A_25 = arith.select %eq3A_6, %add3A_17, %add3A_24 : i32
    %mul3A_26 = arith.constant 5 : i32
    %mul3A_27 = arith.muli %select_n3A_25, %mul3A_26 : i32
    %min3A_28 = arith.constant 1210 : i32
    %min3A_29 = arith.minsi %mul3A_27, %min3A_28 : i32
    %sub3A = arith.subi %mul3A_27, %min3A_29 : i32
    %run_scoped3A = arith.constant 0 : i32
    %run_scoped3A_30 = arith.constant 0 : i32
    "tpu.region"() ({
      %run_scoped3A_142 = tpu.sem_alloc : memref<!tpu.dma_semaphore, #tpu.memory_space<semaphore_mem>>
      %dma_start3A_143 = arith.constant 0 : i32
      %dma_start3A_144 = arith.constant 0 : i32
      %dma_start3A_145 = tpu.memref_slice %arg5[%run_scoped3A_30, %dma_start3A_143, %dma_start3A_144] : memref<2x40x256xi32, #tpu.memory_space<vmem>> -> memref<1x40x256xi32, #tpu.memory_space<vmem>>
      %dma_start3A_146 = tpu.memref_squeeze %dma_start3A_145 : memref<1x40x256xi32, #tpu.memory_space<vmem>> -> memref<40x256xi32, #tpu.memory_space<vmem>>
      %dma_start3A_147 = arith.constant 0 : i32
      %dma_start3A_148 = tpu.memref_slice %arg3[%run_scoped3A, %min3A_29, %dma_start3A_147] : memref<2x1250x256xi32, #tpu.memory_space<hbm>> -> memref<1x40x256xi32, #tpu.memory_space<hbm>>
      %dma_start3A_149 = tpu.memref_squeeze %dma_start3A_148 : memref<1x40x256xi32, #tpu.memory_space<hbm>> -> memref<40x256xi32, #tpu.memory_space<hbm>>
      %dma_start3A_150 = arith.constant 0 : i32
      %dma_start3A_151 = arith.constant 0 : i32
      %dma_start3A_152 = tpu.memref_slice %arg5[%run_scoped3A_30, %dma_start3A_150, %dma_start3A_151] : memref<2x40x256xi32, #tpu.memory_space<vmem>> -> memref<1x40x256xi32, #tpu.memory_space<vmem>>
      %dma_start3A_153 = tpu.memref_squeeze %dma_start3A_152 : memref<1x40x256xi32, #tpu.memory_space<vmem>> -> memref<40x256xi32, #tpu.memory_space<vmem>>
      %dma_start3A_154 = arith.constant 0 : i32
      %dma_start3A_155 = tpu.memref_slice %arg3[%run_scoped3A, %min3A_29, %dma_start3A_154] : memref<2x1250x256xi32, #tpu.memory_space<hbm>> -> memref<1x40x256xi32, #tpu.memory_space<hbm>>
      %dma_start3A_156 = tpu.memref_squeeze %dma_start3A_155 : memref<1x40x256xi32, #tpu.memory_space<hbm>> -> memref<40x256xi32, #tpu.memory_space<hbm>>
      tpu.enqueue_dma source(%dma_start3A_156 : memref<40x256xi32, #tpu.memory_space<hbm>>) target(%dma_start3A_153 : memref<40x256xi32, #tpu.memory_space<vmem>>) target_semaphore(%run_scoped3A_142 : memref<!tpu.dma_semaphore, #tpu.memory_space<semaphore_mem>>)
      %dma_wait3A_157 = arith.constant 0 : i32
      %dma_wait3A_158 = arith.constant 0 : i32
      %dma_wait3A_159 = tpu.memref_slice %arg5[%run_scoped3A_30, %dma_wait3A_157, %dma_wait3A_158] : memref<2x40x256xi32, #tpu.memory_space<vmem>> -> memref<1x40x256xi32, #tpu.memory_space<vmem>>
      %dma_wait3A_160 = tpu.memref_squeeze %dma_wait3A_159 : memref<1x40x256xi32, #tpu.memory_space<vmem>> -> memref<40x256xi32, #tpu.memory_space<vmem>>
      %dma_wait3A_161 = arith.constant 0 : i32
      %dma_wait3A_162 = tpu.memref_slice %arg3[%run_scoped3A, %min3A_29, %dma_wait3A_161] : memref<2x1250x256xi32, #tpu.memory_space<hbm>> -> memref<1x40x256xi32, #tpu.memory_space<hbm>>
      %dma_wait3A_163 = tpu.memref_squeeze %dma_wait3A_162 : memref<1x40x256xi32, #tpu.memory_space<hbm>> -> memref<40x256xi32, #tpu.memory_space<hbm>>
      %dma_wait3A_164 = arith.constant 0 : i32
      %dma_wait3A_165 = arith.constant 0 : i32
      %dma_wait3A_166 = tpu.memref_slice %arg5[%run_scoped3A_30, %dma_wait3A_164, %dma_wait3A_165] : memref<2x40x256xi32, #tpu.memory_space<vmem>> -> memref<1x40x256xi32, #tpu.memory_space<vmem>>
      %dma_wait3A_167 = tpu.memref_squeeze %dma_wait3A_166 : memref<1x40x256xi32, #tpu.memory_space<vmem>> -> memref<40x256xi32, #tpu.memory_space<vmem>>
      %dma_wait3A_168 = arith.constant 0 : i32
      %dma_wait3A_169 = tpu.memref_slice %arg3[%run_scoped3A, %min3A_29, %dma_wait3A_168] : memref<2x1250x256xi32, #tpu.memory_space<hbm>> -> memref<1x40x256xi32, #tpu.memory_space<hbm>>
      %dma_wait3A_170 = tpu.memref_squeeze %dma_wait3A_169 : memref<1x40x256xi32, #tpu.memory_space<hbm>> -> memref<40x256xi32, #tpu.memory_space<hbm>>
      tpu.wait_dma2 semaphore(%run_scoped3A_142 : memref<!tpu.dma_semaphore, #tpu.memory_space<semaphore_mem>>) src(%dma_wait3A_170 : memref<40x256xi32, #tpu.memory_space<hbm>>) dst(%dma_wait3A_167 : memref<40x256xi32, #tpu.memory_space<vmem>>)
      tpu.yield
    }) : () -> ()
    %run_scoped3A_31 = arith.constant 1 : i32
    %run_scoped3A_32 = arith.constant 1 : i32
    "tpu.region"() ({
      %run_scoped3A_142 = tpu.sem_alloc : memref<!tpu.dma_semaphore, #tpu.memory_space<semaphore_mem>>
      %dma_start3A_143 = arith.constant 0 : i32
      %dma_start3A_144 = arith.constant 0 : i32
      %dma_start3A_145 = tpu.memref_slice %arg5[%run_scoped3A_32, %dma_start3A_143, %dma_start3A_144] : memref<2x40x256xi32, #tpu.memory_space<vmem>> -> memref<1x40x256xi32, #tpu.memory_space<vmem>>
      %dma_start3A_146 = tpu.memref_squeeze %dma_start3A_145 : memref<1x40x256xi32, #tpu.memory_space<vmem>> -> memref<40x256xi32, #tpu.memory_space<vmem>>
      %dma_start3A_147 = arith.constant 0 : i32
      %dma_start3A_148 = tpu.memref_slice %arg3[%run_scoped3A_31, %min3A_29, %dma_start3A_147] : memref<2x1250x256xi32, #tpu.memory_space<hbm>> -> memref<1x40x256xi32, #tpu.memory_space<hbm>>
      %dma_start3A_149 = tpu.memref_squeeze %dma_start3A_148 : memref<1x40x256xi32, #tpu.memory_space<hbm>> -> memref<40x256xi32, #tpu.memory_space<hbm>>
      %dma_start3A_150 = arith.constant 0 : i32
      %dma_start3A_151 = arith.constant 0 : i32
      %dma_start3A_152 = tpu.memref_slice %arg5[%run_scoped3A_32, %dma_start3A_150, %dma_start3A_151] : memref<2x40x256xi32, #tpu.memory_space<vmem>> -> memref<1x40x256xi32, #tpu.memory_space<vmem>>
      %dma_start3A_153 = tpu.memref_squeeze %dma_start3A_152 : memref<1x40x256xi32, #tpu.memory_space<vmem>> -> memref<40x256xi32, #tpu.memory_space<vmem>>
      %dma_start3A_154 = arith.constant 0 : i32
      %dma_start3A_155 = tpu.memref_slice %arg3[%run_scoped3A_31, %min3A_29, %dma_start3A_154] : memref<2x1250x256xi32, #tpu.memory_space<hbm>> -> memref<1x40x256xi32, #tpu.memory_space<hbm>>
      %dma_start3A_156 = tpu.memref_squeeze %dma_start3A_155 : memref<1x40x256xi32, #tpu.memory_space<hbm>> -> memref<40x256xi32, #tpu.memory_space<hbm>>
      tpu.enqueue_dma source(%dma_start3A_156 : memref<40x256xi32, #tpu.memory_space<hbm>>) target(%dma_start3A_153 : memref<40x256xi32, #tpu.memory_space<vmem>>) target_semaphore(%run_scoped3A_142 : memref<!tpu.dma_semaphore, #tpu.memory_space<semaphore_mem>>)
      %dma_wait3A_157 = arith.constant 0 : i32
      %dma_wait3A_158 = arith.constant 0 : i32
      %dma_wait3A_159 = tpu.memref_slice %arg5[%run_scoped3A_32, %dma_wait3A_157, %dma_wait3A_158] : memref<2x40x256xi32, #tpu.memory_space<vmem>> -> memref<1x40x256xi32, #tpu.memory_space<vmem>>
      %dma_wait3A_160 = tpu.memref_squeeze %dma_wait3A_159 : memref<1x40x256xi32, #tpu.memory_space<vmem>> -> memref<40x256xi32, #tpu.memory_space<vmem>>
      %dma_wait3A_161 = arith.constant 0 : i32
      %dma_wait3A_162 = tpu.memref_slice %arg3[%run_scoped3A_31, %min3A_29, %dma_wait3A_161] : memref<2x1250x256xi32, #tpu.memory_space<hbm>> -> memref<1x40x256xi32, #tpu.memory_space<hbm>>
      %dma_wait3A_163 = tpu.memref_squeeze %dma_wait3A_162 : memref<1x40x256xi32, #tpu.memory_space<hbm>> -> memref<40x256xi32, #tpu.memory_space<hbm>>
      %dma_wait3A_164 = arith.constant 0 : i32
      %dma_wait3A_165 = arith.constant 0 : i32
      %dma_wait3A_166 = tpu.memref_slice %arg5[%run_scoped3A_32, %dma_wait3A_164, %dma_wait3A_165] : memref<2x40x256xi32, #tpu.memory_space<vmem>> -> memref<1x40x256xi32, #tpu.memory_space<vmem>>
      %dma_wait3A_167 = tpu.memref_squeeze %dma_wait3A_166 : memref<1x40x256xi32, #tpu.memory_space<vmem>> -> memref<40x256xi32, #tpu.memory_space<vmem>>
      %dma_wait3A_168 = arith.constant 0 : i32
      %dma_wait3A_169 = tpu.memref_slice %arg3[%run_scoped3A_31, %min3A_29, %dma_wait3A_168] : memref<2x1250x256xi32, #tpu.memory_space<hbm>> -> memref<1x40x256xi32, #tpu.memory_space<hbm>>
      %dma_wait3A_170 = tpu.memref_squeeze %dma_wait3A_169 : memref<1x40x256xi32, #tpu.memory_space<hbm>> -> memref<40x256xi32, #tpu.memory_space<hbm>>
      tpu.wait_dma2 semaphore(%run_scoped3A_142 : memref<!tpu.dma_semaphore, #tpu.memory_space<semaphore_mem>>) src(%dma_wait3A_170 : memref<40x256xi32, #tpu.memory_space<hbm>>) dst(%dma_wait3A_167 : memref<40x256xi32, #tpu.memory_space<vmem>>)
      tpu.yield
    }) : () -> ()
    %add3A_33 = arith.constant 0 : i32
    %add3A_34 = arith.addi %sub3A, %add3A_33 : i32
    %add3A_35 = arith.constant 0 : i32
    %add3A_36 = arith.addi %add3A_34, %add3A_35 : i32
    %dma_start3A = arith.constant 0 : i32
    %dma_start3A_37 = arith.constant 0 : i32
    %dma_start3A_38 = arith.constant 0 : i32
    %dma_start3A_39 = arith.constant 0 : i32
    %dma_start3A_40 = tpu.memref_slice %arg6[%dma_start3A_37, %dma_start3A_38, %dma_start3A_39] : memref<2x1280x16xf32, #tpu.memory_space<vmem>> -> memref<1x256x16xf32, #tpu.memory_space<vmem>>
    %dma_start3A_41 = tpu.memref_squeeze %dma_start3A_40 : memref<1x256x16xf32, #tpu.memory_space<vmem>> -> memref<256x16xf32, #tpu.memory_space<vmem>>
    %dma_start3A_42 = arith.constant 0 : i32
    %dma_start3A_43 = tpu.memref_slice %arg5[%dma_start3A, %add3A_36, %dma_start3A_42] : memref<2x40x256xi32, #tpu.memory_space<vmem>> -> memref<1x1x256xi32, #tpu.memory_space<vmem>>
    %dma_start3A_44 = tpu.memref_squeeze %dma_start3A_43 : memref<1x1x256xi32, #tpu.memory_space<vmem>> -> memref<256xi32, #tpu.memory_space<vmem>>
    %dma_start3A_45 = arith.constant 0 : i32
    %dma_start3A_46 = arith.constant 0 : i32
    %dma_start3A_47 = tpu.memref_slice %arg2[%dma_start3A_45, %dma_start3A_46] : memref<10000x16xf32, #tpu.memory_space<hbm>> -> memref<10000x16xf32, #tpu.memory_space<hbm>>
    tpu.enqueue_indirect_dma source(%dma_start3A_47 : memref<10000x16xf32, #tpu.memory_space<hbm>>) target(%dma_start3A_41 : memref<256x16xf32, #tpu.memory_space<vmem>>) offsets(%dma_start3A_44 : memref<256xi32, #tpu.memory_space<vmem>>) semaphore(%arg9 : memref<!tpu.dma_semaphore, #tpu.memory_space<semaphore_mem>>)
    %add3A_48 = arith.constant 0 : i32
    %add3A_49 = arith.addi %sub3A, %add3A_48 : i32
    %add3A_50 = arith.constant 1 : i32
    %add3A_51 = arith.addi %add3A_49, %add3A_50 : i32
    %dma_start3A_52 = arith.constant 0 : i32
    %dma_start3A_53 = arith.constant 0 : i32
    %dma_start3A_54 = arith.constant 256 : i32
    %dma_start3A_55 = arith.constant 0 : i32
    %dma_start3A_56 = tpu.memref_slice %arg6[%dma_start3A_53, %dma_start3A_54, %dma_start3A_55] : memref<2x1280x16xf32, #tpu.memory_space<vmem>> -> memref<1x256x16xf32, #tpu.memory_space<vmem>>
    %dma_start3A_57 = tpu.memref_squeeze %dma_start3A_56 : memref<1x256x16xf32, #tpu.memory_space<vmem>> -> memref<256x16xf32, #tpu.memory_space<vmem>>
    %dma_start3A_58 = arith.constant 0 : i32
    %dma_start3A_59 = tpu.memref_slice %arg5[%dma_start3A_52, %add3A_51, %dma_start3A_58] : memref<2x40x256xi32, #tpu.memory_space<vmem>> -> memref<1x1x256xi32, #tpu.memory_space<vmem>>
    %dma_start3A_60 = tpu.memref_squeeze %dma_start3A_59 : memref<1x1x256xi32, #tpu.memory_space<vmem>> -> memref<256xi32, #tpu.memory_space<vmem>>
    %dma_start3A_61 = arith.constant 0 : i32
    %dma_start3A_62 = arith.constant 0 : i32
    %dma_start3A_63 = tpu.memref_slice %arg2[%dma_start3A_61, %dma_start3A_62] : memref<10000x16xf32, #tpu.memory_space<hbm>> -> memref<10000x16xf32, #tpu.memory_space<hbm>>
    tpu.enqueue_indirect_dma source(%dma_start3A_63 : memref<10000x16xf32, #tpu.memory_space<hbm>>) target(%dma_start3A_57 : memref<256x16xf32, #tpu.memory_space<vmem>>) offsets(%dma_start3A_60 : memref<256xi32, #tpu.memory_space<vmem>>) semaphore(%arg9 : memref<!tpu.dma_semaphore, #tpu.memory_space<semaphore_mem>>)
    %add3A_64 = arith.constant 0 : i32
    %add3A_65 = arith.addi %sub3A, %add3A_64 : i32
    %add3A_66 = arith.constant 2 : i32
    %add3A_67 = arith.addi %add3A_65, %add3A_66 : i32
    %dma_start3A_68 = arith.constant 0 : i32
    %dma_start3A_69 = arith.constant 0 : i32
    %dma_start3A_70 = arith.constant 512 : i32
    %dma_start3A_71 = arith.constant 0 : i32
    %dma_start3A_72 = tpu.memref_slice %arg6[%dma_start3A_69, %dma_start3A_70, %dma_start3A_71] : memref<2x1280x16xf32, #tpu.memory_space<vmem>> -> memref<1x256x16xf32, #tpu.memory_space<vmem>>
    %dma_start3A_73 = tpu.memref_squeeze %dma_start3A_72 : memref<1x256x16xf32, #tpu.memory_space<vmem>> -> memref<256x16xf32, #tpu.memory_space<vmem>>
    %dma_start3A_74 = arith.constant 0 : i32
    %dma_start3A_75 = tpu.memref_slice %arg5[%dma_start3A_68, %add3A_67, %dma_start3A_74] : memref<2x40x256xi32, #tpu.memory_space<vmem>> -> memref<1x1x256xi32, #tpu.memory_space<vmem>>
    %dma_start3A_76 = tpu.memref_squeeze %dma_start3A_75 : memref<1x1x256xi32, #tpu.memory_space<vmem>> -> memref<256xi32, #tpu.memory_space<vmem>>
    %dma_start3A_77 = arith.constant 0 : i32
    %dma_start3A_78 = arith.constant 0 : i32
    %dma_start3A_79 = tpu.memref_slice %arg2[%dma_start3A_77, %dma_start3A_78] : memref<10000x16xf32, #tpu.memory_space<hbm>> -> memref<10000x16xf32, #tpu.memory_space<hbm>>
    tpu.enqueue_indirect_dma source(%dma_start3A_79 : memref<10000x16xf32, #tpu.memory_space<hbm>>) target(%dma_start3A_73 : memref<256x16xf32, #tpu.memory_space<vmem>>) offsets(%dma_start3A_76 : memref<256xi32, #tpu.memory_space<vmem>>) semaphore(%arg9 : memref<!tpu.dma_semaphore, #tpu.memory_space<semaphore_mem>>)
    %add3A_80 = arith.constant 0 : i32
    %add3A_81 = arith.addi %sub3A, %add3A_80 : i32
    %add3A_82 = arith.constant 3 : i32
    %add3A_83 = arith.addi %add3A_81, %add3A_82 : i32
    %dma_start3A_84 = arith.constant 0 : i32
    %dma_start3A_85 = arith.constant 0 : i32
    %dma_start3A_86 = arith.constant 768 : i32
    %dma_start3A_87 = arith.constant 0 : i32
    %dma_start3A_88 = tpu.memref_slice %arg6[%dma_start3A_85, %dma_start3A_86, %dma_start3A_87] : memref<2x1280x16xf32, #tpu.memory_space<vmem>> -> memref<1x256x16xf32, #tpu.memory_space<vmem>>
    %dma_start3A_89 = tpu.memref_squeeze %dma_start3A_88 : memref<1x256x16xf32, #tpu.memory_space<vmem>> -> memref<256x16xf32, #tpu.memory_space<vmem>>
    %dma_start3A_90 = arith.constant 0 : i32
    %dma_start3A_91 = tpu.memref_slice %arg5[%dma_start3A_84, %add3A_83, %dma_start3A_90] : memref<2x40x256xi32, #tpu.memory_space<vmem>> -> memref<1x1x256xi32, #tpu.memory_space<vmem>>
    %dma_start3A_92 = tpu.memref_squeeze %dma_start3A_91 : memref<1x1x256xi32, #tpu.memory_space<vmem>> -> memref<256xi32, #tpu.memory_space<vmem>>
    %dma_start3A_93 = arith.constant 0 : i32
    %dma_start3A_94 = arith.constant 0 : i32
    %dma_start3A_95 = tpu.memref_slice %arg2[%dma_start3A_93, %dma_start3A_94] : memref<10000x16xf32, #tpu.memory_space<hbm>> -> memref<10000x16xf32, #tpu.memory_space<hbm>>
    tpu.enqueue_indirect_dma source(%dma_start3A_95 : memref<10000x16xf32, #tpu.memory_space<hbm>>) target(%dma_start3A_89 : memref<256x16xf32, #tpu.memory_space<vmem>>) offsets(%dma_start3A_92 : memref<256xi32, #tpu.memory_space<vmem>>) semaphore(%arg9 : memref<!tpu.dma_semaphore, #tpu.memory_space<semaphore_mem>>)
    %add3A_96 = arith.constant 0 : i32
    %add3A_97 = arith.addi %sub3A, %add3A_96 : i32
    %add3A_98 = arith.constant 4 : i32
    %add3A_99 = arith.addi %add3A_97, %add3A_98 : i32
    %dma_start3A_100 = arith.constant 0 : i32
    %dma_start3A_101 = arith.constant 0 : i32
    %dma_start3A_102 = arith.constant 1024 : i32
    %dma_start3A_103 = arith.constant 0 : i32
    %dma_start3A_104 = tpu.memref_slice %arg6[%dma_start3A_101, %dma_start3A_102, %dma_start3A_103] : memref<2x1280x16xf32, #tpu.memory_space<vmem>> -> memref<1x256x16xf32, #tpu.memory_space<vmem>>
    %dma_start3A_105 = tpu.memref_squeeze %dma_start3A_104 : memref<1x256x16xf32, #tpu.memory_space<vmem>> -> memref<256x16xf32, #tpu.memory_space<vmem>>
    %dma_start3A_106 = arith.constant 0 : i32
    %dma_start3A_107 = tpu.memref_slice %arg5[%dma_start3A_100, %add3A_99, %dma_start3A_106] : memref<2x40x256xi32, #tpu.memory_space<vmem>> -> memref<1x1x256xi32, #tpu.memory_space<vmem>>
    %dma_start3A_108 = tpu.memref_squeeze %dma_start3A_107 : memref<1x1x256xi32, #tpu.memory_space<vmem>> -> memref<256xi32, #tpu.memory_space<vmem>>
    %dma_start3A_109 = arith.constant 0 : i32
    %dma_start3A_110 = arith.constant 0 : i32
    %dma_start3A_111 = tpu.memref_slice %arg2[%dma_start3A_109, %dma_start3A_110] : memref<10000x16xf32, #tpu.memory_space<hbm>> -> memref<10000x16xf32, #tpu.memory_space<hbm>>
    tpu.enqueue_indirect_dma source(%dma_start3A_111 : memref<10000x16xf32, #tpu.memory_space<hbm>>) target(%dma_start3A_105 : memref<256x16xf32, #tpu.memory_space<vmem>>) offsets(%dma_start3A_108 : memref<256xi32, #tpu.memory_space<vmem>>) semaphore(%arg9 : memref<!tpu.dma_semaphore, #tpu.memory_space<semaphore_mem>>)
    %while3A = arith.constant 0 : i32
    %while3A_112 = arith.constant 0 : i32
    %while3A_113 = arith.subi %select_n3A, %while3A_112 : i32
    %while3A_114 = arith.addi %while3A_112, %while3A_113 : i32
    %while3A_115 = arith.constant 1 : i32
    %while3A_116 = arith.divsi %while3A_113, %while3A_115 : i32
    %while3A_117 = arith.muli %while3A_116, %while3A_115 : i32
    %while3A_118 = arith.addi %while3A_112, %while3A_117 : i32
    %while3A_119 = arith.constant 1 : i32
    scf.for %while3A_142 = %while3A_112 to %while3A_118 step %while3A_119  : i32 {
      %rem3A_143 = arith.constant 2 : i32
      %rem3A_144 = arith.remsi %while3A_142, %rem3A_143 : i32
      %ge3A = arith.constant 1 : i32
      %ge3A_145 = arith.cmpi sge, %while3A_142, %ge3A : i32
      %convert_element_type3A_146 = arith.extui %ge3A_145 : i1 to i32
      %cond3A = arith.constant 0 : i32
      %cond3A_147 = arith.cmpi ne, %convert_element_type3A_146, %cond3A : i32
      scf.if %cond3A_147 {
        %sub3A_248 = arith.constant 1 : i32
        %sub3A_249 = arith.subi %sub3A_248, %rem3A_144 : i32
        %dma_wait3A_250 = arith.constant 0 : i32
        %dma_wait3A_251 = arith.constant 0 : i32
        %dma_wait3A_252 = tpu.memref_slice %arg6[%sub3A_249, %dma_wait3A_250, %dma_wait3A_251] : memref<2x1280x16xf32, #tpu.memory_space<vmem>> -> memref<1x1280x16xf32, #tpu.memory_space<vmem>>
        %dma_wait3A_253 = tpu.memref_squeeze %dma_wait3A_252 : memref<1x1280x16xf32, #tpu.memory_space<vmem>> -> memref<1280x16xf32, #tpu.memory_space<vmem>>
        %dma_wait3A_254 = arith.constant 0 : i32
        %dma_wait3A_255 = arith.constant 0 : i32
        %dma_wait3A_256 = tpu.memref_slice %arg2[%dma_wait3A_254, %dma_wait3A_255] : memref<10000x16xf32, #tpu.memory_space<hbm>> -> memref<1280x16xf32, #tpu.memory_space<hbm>>
        %dma_wait3A_257 = arith.constant 0 : i32
        %dma_wait3A_258 = arith.constant 0 : i32
        %dma_wait3A_259 = tpu.memref_slice %arg6[%sub3A_249, %dma_wait3A_257, %dma_wait3A_258] : memref<2x1280x16xf32, #tpu.memory_space<vmem>> -> memref<1x1280x16xf32, #tpu.memory_space<vmem>>
        %dma_wait3A_260 = tpu.memref_squeeze %dma_wait3A_259 : memref<1x1280x16xf32, #tpu.memory_space<vmem>> -> memref<1280x16xf32, #tpu.memory_space<vmem>>
        %dma_wait3A_261 = arith.constant 0 : i32
        %dma_wait3A_262 = arith.constant 0 : i32
        %dma_wait3A_263 = tpu.memref_slice %arg2[%dma_wait3A_261, %dma_wait3A_262] : memref<10000x16xf32, #tpu.memory_space<hbm>> -> memref<1280x16xf32, #tpu.memory_space<hbm>>
        tpu.wait_dma2 semaphore(%arg10 : memref<!tpu.dma_semaphore, #tpu.memory_space<semaphore_mem>>) src(%dma_wait3A_263 : memref<1280x16xf32, #tpu.memory_space<hbm>>) dst(%dma_wait3A_260 : memref<1280x16xf32, #tpu.memory_space<vmem>>)
      } else {
      }
      %sub3A_148 = arith.constant 1 : i32
      %sub3A_149 = arith.subi %select_n3A, %sub3A_148 : i32
      %lt3A_150 = arith.cmpi slt, %while3A_142, %sub3A_149 : i32
      %convert_element_type3A_151 = arith.extui %lt3A_150 : i1 to i32
      %cond3A_152 = arith.constant 0 : i32
      %cond3A_153 = arith.cmpi ne, %convert_element_type3A_151, %cond3A_152 : i32
      scf.if %cond3A_153 {
        %add3A_248 = arith.constant 1 : i32
        %add3A_249 = arith.addi %while3A_142, %add3A_248 : i32
        %sub3A_250 = arith.constant 1 : i32
        %sub3A_251 = arith.subi %sub3A_250, %rem3A_144 : i32
        %mul3A_252 = arith.constant 5 : i32
        %mul3A_253 = arith.muli %add3A_249, %mul3A_252 : i32
        %add3A_254 = arith.addi %sub3A, %mul3A_253 : i32
        %add3A_255 = arith.constant 0 : i32
        %add3A_256 = arith.addi %add3A_254, %add3A_255 : i32
        %dma_start3A_257 = arith.constant 0 : i32
        %dma_start3A_258 = arith.constant 0 : i32
        %dma_start3A_259 = arith.constant 0 : i32
        %dma_start3A_260 = tpu.memref_slice %arg6[%sub3A_251, %dma_start3A_258, %dma_start3A_259] : memref<2x1280x16xf32, #tpu.memory_space<vmem>> -> memref<1x256x16xf32, #tpu.memory_space<vmem>>
        %dma_start3A_261 = tpu.memref_squeeze %dma_start3A_260 : memref<1x256x16xf32, #tpu.memory_space<vmem>> -> memref<256x16xf32, #tpu.memory_space<vmem>>
        %dma_start3A_262 = arith.constant 0 : i32
        %dma_start3A_263 = tpu.memref_slice %arg5[%dma_start3A_257, %add3A_256, %dma_start3A_262] : memref<2x40x256xi32, #tpu.memory_space<vmem>> -> memref<1x1x256xi32, #tpu.memory_space<vmem>>
        %dma_start3A_264 = tpu.memref_squeeze %dma_start3A_263 : memref<1x1x256xi32, #tpu.memory_space<vmem>> -> memref<256xi32, #tpu.memory_space<vmem>>
        %dma_start3A_265 = arith.constant 0 : i32
        %dma_start3A_266 = arith.constant 0 : i32
        %dma_start3A_267 = tpu.memref_slice %arg2[%dma_start3A_265, %dma_start3A_266] : memref<10000x16xf32, #tpu.memory_space<hbm>> -> memref<10000x16xf32, #tpu.memory_space<hbm>>
        tpu.enqueue_indirect_dma source(%dma_start3A_267 : memref<10000x16xf32, #tpu.memory_space<hbm>>) target(%dma_start3A_261 : memref<256x16xf32, #tpu.memory_space<vmem>>) offsets(%dma_start3A_264 : memref<256xi32, #tpu.memory_space<vmem>>) semaphore(%arg9 : memref<!tpu.dma_semaphore, #tpu.memory_space<semaphore_mem>>)
        %mul3A_268 = arith.constant 5 : i32
        %mul3A_269 = arith.muli %add3A_249, %mul3A_268 : i32
        %add3A_270 = arith.addi %sub3A, %mul3A_269 : i32
        %add3A_271 = arith.constant 1 : i32
        %add3A_272 = arith.addi %add3A_270, %add3A_271 : i32
        %dma_start3A_273 = arith.constant 0 : i32
        %dma_start3A_274 = arith.constant 256 : i32
        %dma_start3A_275 = arith.constant 0 : i32
        %dma_start3A_276 = tpu.memref_slice %arg6[%sub3A_251, %dma_start3A_274, %dma_start3A_275] : memref<2x1280x16xf32, #tpu.memory_space<vmem>> -> memref<1x256x16xf32, #tpu.memory_space<vmem>>
        %dma_start3A_277 = tpu.memref_squeeze %dma_start3A_276 : memref<1x256x16xf32, #tpu.memory_space<vmem>> -> memref<256x16xf32, #tpu.memory_space<vmem>>
        %dma_start3A_278 = arith.constant 0 : i32
        %dma_start3A_279 = tpu.memref_slice %arg5[%dma_start3A_273, %add3A_272, %dma_start3A_278] : memref<2x40x256xi32, #tpu.memory_space<vmem>> -> memref<1x1x256xi32, #tpu.memory_space<vmem>>
        %dma_start3A_280 = tpu.memref_squeeze %dma_start3A_279 : memref<1x1x256xi32, #tpu.memory_space<vmem>> -> memref<256xi32, #tpu.memory_space<vmem>>
        %dma_start3A_281 = arith.constant 0 : i32
        %dma_start3A_282 = arith.constant 0 : i32
        %dma_start3A_283 = tpu.memref_slice %arg2[%dma_start3A_281, %dma_start3A_282] : memref<10000x16xf32, #tpu.memory_space<hbm>> -> memref<10000x16xf32, #tpu.memory_space<hbm>>
        tpu.enqueue_indirect_dma source(%dma_start3A_283 : memref<10000x16xf32, #tpu.memory_space<hbm>>) target(%dma_start3A_277 : memref<256x16xf32, #tpu.memory_space<vmem>>) offsets(%dma_start3A_280 : memref<256xi32, #tpu.memory_space<vmem>>) semaphore(%arg9 : memref<!tpu.dma_semaphore, #tpu.memory_space<semaphore_mem>>)
        %mul3A_284 = arith.constant 5 : i32
        %mul3A_285 = arith.muli %add3A_249, %mul3A_284 : i32
        %add3A_286 = arith.addi %sub3A, %mul3A_285 : i32
        %add3A_287 = arith.constant 2 : i32
        %add3A_288 = arith.addi %add3A_286, %add3A_287 : i32
        %dma_start3A_289 = arith.constant 0 : i32
        %dma_start3A_290 = arith.constant 512 : i32
        %dma_start3A_291 = arith.constant 0 : i32
        %dma_start3A_292 = tpu.memref_slice %arg6[%sub3A_251, %dma_start3A_290, %dma_start3A_291] : memref<2x1280x16xf32, #tpu.memory_space<vmem>> -> memref<1x256x16xf32, #tpu.memory_space<vmem>>
        %dma_start3A_293 = tpu.memref_squeeze %dma_start3A_292 : memref<1x256x16xf32, #tpu.memory_space<vmem>> -> memref<256x16xf32, #tpu.memory_space<vmem>>
        %dma_start3A_294 = arith.constant 0 : i32
        %dma_start3A_295 = tpu.memref_slice %arg5[%dma_start3A_289, %add3A_288, %dma_start3A_294] : memref<2x40x256xi32, #tpu.memory_space<vmem>> -> memref<1x1x256xi32, #tpu.memory_space<vmem>>
        %dma_start3A_296 = tpu.memref_squeeze %dma_start3A_295 : memref<1x1x256xi32, #tpu.memory_space<vmem>> -> memref<256xi32, #tpu.memory_space<vmem>>
        %dma_start3A_297 = arith.constant 0 : i32
        %dma_start3A_298 = arith.constant 0 : i32
        %dma_start3A_299 = tpu.memref_slice %arg2[%dma_start3A_297, %dma_start3A_298] : memref<10000x16xf32, #tpu.memory_space<hbm>> -> memref<10000x16xf32, #tpu.memory_space<hbm>>
        tpu.enqueue_indirect_dma source(%dma_start3A_299 : memref<10000x16xf32, #tpu.memory_space<hbm>>) target(%dma_start3A_293 : memref<256x16xf32, #tpu.memory_space<vmem>>) offsets(%dma_start3A_296 : memref<256xi32, #tpu.memory_space<vmem>>) semaphore(%arg9 : memref<!tpu.dma_semaphore, #tpu.memory_space<semaphore_mem>>)
        %mul3A_300 = arith.constant 5 : i32
        %mul3A_301 = arith.muli %add3A_249, %mul3A_300 : i32
        %add3A_302 = arith.addi %sub3A, %mul3A_301 : i32
        %add3A_303 = arith.constant 3 : i32
        %add3A_304 = arith.addi %add3A_302, %add3A_303 : i32
        %dma_start3A_305 = arith.constant 0 : i32
        %dma_start3A_306 = arith.constant 768 : i32
        %dma_start3A_307 = arith.constant 0 : i32
        %dma_start3A_308 = tpu.memref_slice %arg6[%sub3A_251, %dma_start3A_306, %dma_start3A_307] : memref<2x1280x16xf32, #tpu.memory_space<vmem>> -> memref<1x256x16xf32, #tpu.memory_space<vmem>>
        %dma_start3A_309 = tpu.memref_squeeze %dma_start3A_308 : memref<1x256x16xf32, #tpu.memory_space<vmem>> -> memref<256x16xf32, #tpu.memory_space<vmem>>
        %dma_start3A_310 = arith.constant 0 : i32
        %dma_start3A_311 = tpu.memref_slice %arg5[%dma_start3A_305, %add3A_304, %dma_start3A_310] : memref<2x40x256xi32, #tpu.memory_space<vmem>> -> memref<1x1x256xi32, #tpu.memory_space<vmem>>
        %dma_start3A_312 = tpu.memref_squeeze %dma_start3A_311 : memref<1x1x256xi32, #tpu.memory_space<vmem>> -> memref<256xi32, #tpu.memory_space<vmem>>
        %dma_start3A_313 = arith.constant 0 : i32
        %dma_start3A_314 = arith.constant 0 : i32
        %dma_start3A_315 = tpu.memref_slice %arg2[%dma_start3A_313, %dma_start3A_314] : memref<10000x16xf32, #tpu.memory_space<hbm>> -> memref<10000x16xf32, #tpu.memory_space<hbm>>
        tpu.enqueue_indirect_dma source(%dma_start3A_315 : memref<10000x16xf32, #tpu.memory_space<hbm>>) target(%dma_start3A_309 : memref<256x16xf32, #tpu.memory_space<vmem>>) offsets(%dma_start3A_312 : memref<256xi32, #tpu.memory_space<vmem>>) semaphore(%arg9 : memref<!tpu.dma_semaphore, #tpu.memory_space<semaphore_mem>>)
        %mul3A_316 = arith.constant 5 : i32
        %mul3A_317 = arith.muli %add3A_249, %mul3A_316 : i32
        %add3A_318 = arith.addi %sub3A, %mul3A_317 : i32
        %add3A_319 = arith.constant 4 : i32
        %add3A_320 = arith.addi %add3A_318, %add3A_319 : i32
        %dma_start3A_321 = arith.constant 0 : i32
        %dma_start3A_322 = arith.constant 1024 : i32
        %dma_start3A_323 = arith.constant 0 : i32
        %dma_start3A_324 = tpu.memref_slice %arg6[%sub3A_251, %dma_start3A_322, %dma_start3A_323] : memref<2x1280x16xf32, #tpu.memory_space<vmem>> -> memref<1x256x16xf32, #tpu.memory_space<vmem>>
        %dma_start3A_325 = tpu.memref_squeeze %dma_start3A_324 : memref<1x256x16xf32, #tpu.memory_space<vmem>> -> memref<256x16xf32, #tpu.memory_space<vmem>>
        %dma_start3A_326 = arith.constant 0 : i32
        %dma_start3A_327 = tpu.memref_slice %arg5[%dma_start3A_321, %add3A_320, %dma_start3A_326] : memref<2x40x256xi32, #tpu.memory_space<vmem>> -> memref<1x1x256xi32, #tpu.memory_space<vmem>>
        %dma_start3A_328 = tpu.memref_squeeze %dma_start3A_327 : memref<1x1x256xi32, #tpu.memory_space<vmem>> -> memref<256xi32, #tpu.memory_space<vmem>>
        %dma_start3A_329 = arith.constant 0 : i32
        %dma_start3A_330 = arith.constant 0 : i32
        %dma_start3A_331 = tpu.memref_slice %arg2[%dma_start3A_329, %dma_start3A_330] : memref<10000x16xf32, #tpu.memory_space<hbm>> -> memref<10000x16xf32, #tpu.memory_space<hbm>>
        tpu.enqueue_indirect_dma source(%dma_start3A_331 : memref<10000x16xf32, #tpu.memory_space<hbm>>) target(%dma_start3A_325 : memref<256x16xf32, #tpu.memory_space<vmem>>) offsets(%dma_start3A_328 : memref<256xi32, #tpu.memory_space<vmem>>) semaphore(%arg9 : memref<!tpu.dma_semaphore, #tpu.memory_space<semaphore_mem>>)
      } else {
      }
      %dma_wait3A_154 = arith.constant 0 : i32
      %dma_wait3A_155 = arith.constant 0 : i32
      %dma_wait3A_156 = tpu.memref_slice %arg6[%rem3A_144, %dma_wait3A_154, %dma_wait3A_155] : memref<2x1280x16xf32, #tpu.memory_space<vmem>> -> memref<1x1280x16xf32, #tpu.memory_space<vmem>>
      %dma_wait3A_157 = tpu.memref_squeeze %dma_wait3A_156 : memref<1x1280x16xf32, #tpu.memory_space<vmem>> -> memref<1280x16xf32, #tpu.memory_space<vmem>>
      %dma_wait3A_158 = arith.constant 0 : i32
      %dma_wait3A_159 = arith.constant 0 : i32
      %dma_wait3A_160 = tpu.memref_slice %arg2[%dma_wait3A_158, %dma_wait3A_159] : memref<10000x16xf32, #tpu.memory_space<hbm>> -> memref<1280x16xf32, #tpu.memory_space<hbm>>
      %dma_wait3A_161 = arith.constant 0 : i32
      %dma_wait3A_162 = arith.constant 0 : i32
      %dma_wait3A_163 = tpu.memref_slice %arg6[%rem3A_144, %dma_wait3A_161, %dma_wait3A_162] : memref<2x1280x16xf32, #tpu.memory_space<vmem>> -> memref<1x1280x16xf32, #tpu.memory_space<vmem>>
      %dma_wait3A_164 = tpu.memref_squeeze %dma_wait3A_163 : memref<1x1280x16xf32, #tpu.memory_space<vmem>> -> memref<1280x16xf32, #tpu.memory_space<vmem>>
      %dma_wait3A_165 = arith.constant 0 : i32
      %dma_wait3A_166 = arith.constant 0 : i32
      %dma_wait3A_167 = tpu.memref_slice %arg2[%dma_wait3A_165, %dma_wait3A_166] : memref<10000x16xf32, #tpu.memory_space<hbm>> -> memref<1280x16xf32, #tpu.memory_space<hbm>>
      tpu.wait_dma2 semaphore(%arg9 : memref<!tpu.dma_semaphore, #tpu.memory_space<semaphore_mem>>) src(%dma_wait3A_167 : memref<1280x16xf32, #tpu.memory_space<hbm>>) dst(%dma_wait3A_164 : memref<1280x16xf32, #tpu.memory_space<vmem>>)
      %mul3A_168 = arith.constant 5 : i32
      %mul3A_169 = arith.muli %while3A_142, %mul3A_168 : i32
      %add3A_170 = arith.addi %sub3A, %mul3A_169 : i32
      %add3A_171 = arith.constant 0 : i32
      %add3A_172 = arith.addi %add3A_170, %add3A_171 : i32
      %dma_start3A_173 = arith.constant 1 : i32
      %dma_start3A_174 = arith.constant 0 : i32
      %dma_start3A_175 = arith.constant 0 : i32
      %dma_start3A_176 = tpu.memref_slice %arg6[%rem3A_144, %dma_start3A_174, %dma_start3A_175] : memref<2x1280x16xf32, #tpu.memory_space<vmem>> -> memref<1x256x16xf32, #tpu.memory_space<vmem>>
      %dma_start3A_177 = tpu.memref_squeeze %dma_start3A_176 : memref<1x256x16xf32, #tpu.memory_space<vmem>> -> memref<256x16xf32, #tpu.memory_space<vmem>>
      %dma_start3A_178 = arith.constant 0 : i32
      %dma_start3A_179 = tpu.memref_slice %arg5[%dma_start3A_173, %add3A_172, %dma_start3A_178] : memref<2x40x256xi32, #tpu.memory_space<vmem>> -> memref<1x1x256xi32, #tpu.memory_space<vmem>>
      %dma_start3A_180 = tpu.memref_squeeze %dma_start3A_179 : memref<1x1x256xi32, #tpu.memory_space<vmem>> -> memref<256xi32, #tpu.memory_space<vmem>>
      %dma_start3A_181 = arith.constant 0 : i32
      %dma_start3A_182 = arith.constant 0 : i32
      %dma_start3A_183 = tpu.memref_slice %arg8[%dma_start3A_181, %dma_start3A_182] : memref<10240x16xf32, #tpu.memory_space<vmem_shared>> -> memref<10240x16xf32, #tpu.memory_space<vmem_shared>>
      tpu.enqueue_indirect_dma source(%dma_start3A_177 : memref<256x16xf32, #tpu.memory_space<vmem>>) target(%dma_start3A_183 : memref<10240x16xf32, #tpu.memory_space<vmem_shared>>) offsets(%dma_start3A_180 : memref<256xi32, #tpu.memory_space<vmem>>) semaphore(%arg10 : memref<!tpu.dma_semaphore, #tpu.memory_space<semaphore_mem>>) {add = true}
      %mul3A_184 = arith.constant 5 : i32
      %mul3A_185 = arith.muli %while3A_142, %mul3A_184 : i32
      %add3A_186 = arith.addi %sub3A, %mul3A_185 : i32
      %add3A_187 = arith.constant 1 : i32
      %add3A_188 = arith.addi %add3A_186, %add3A_187 : i32
      %dma_start3A_189 = arith.constant 1 : i32
      %dma_start3A_190 = arith.constant 256 : i32
      %dma_start3A_191 = arith.constant 0 : i32
      %dma_start3A_192 = tpu.memref_slice %arg6[%rem3A_144, %dma_start3A_190, %dma_start3A_191] : memref<2x1280x16xf32, #tpu.memory_space<vmem>> -> memref<1x256x16xf32, #tpu.memory_space<vmem>>
      %dma_start3A_193 = tpu.memref_squeeze %dma_start3A_192 : memref<1x256x16xf32, #tpu.memory_space<vmem>> -> memref<256x16xf32, #tpu.memory_space<vmem>>
      %dma_start3A_194 = arith.constant 0 : i32
      %dma_start3A_195 = tpu.memref_slice %arg5[%dma_start3A_189, %add3A_188, %dma_start3A_194] : memref<2x40x256xi32, #tpu.memory_space<vmem>> -> memref<1x1x256xi32, #tpu.memory_space<vmem>>
      %dma_start3A_196 = tpu.memref_squeeze %dma_start3A_195 : memref<1x1x256xi32, #tpu.memory_space<vmem>> -> memref<256xi32, #tpu.memory_space<vmem>>
      %dma_start3A_197 = arith.constant 0 : i32
      %dma_start3A_198 = arith.constant 0 : i32
      %dma_start3A_199 = tpu.memref_slice %arg8[%dma_start3A_197, %dma_start3A_198] : memref<10240x16xf32, #tpu.memory_space<vmem_shared>> -> memref<10240x16xf32, #tpu.memory_space<vmem_shared>>
      tpu.enqueue_indirect_dma source(%dma_start3A_193 : memref<256x16xf32, #tpu.memory_space<vmem>>) target(%dma_start3A_199 : memref<10240x16xf32, #tpu.memory_space<vmem_shared>>) offsets(%dma_start3A_196 : memref<256xi32, #tpu.memory_space<vmem>>) semaphore(%arg10 : memref<!tpu.dma_semaphore, #tpu.memory_space<semaphore_mem>>) {add = true}
      %mul3A_200 = arith.constant 5 : i32
      %mul3A_201 = arith.muli %while3A_142, %mul3A_200 : i32
      %add3A_202 = arith.addi %sub3A, %mul3A_201 : i32
      %add3A_203 = arith.constant 2 : i32
      %add3A_204 = arith.addi %add3A_202, %add3A_203 : i32
      %dma_start3A_205 = arith.constant 1 : i32
      %dma_start3A_206 = arith.constant 512 : i32
      %dma_start3A_207 = arith.constant 0 : i32
      %dma_start3A_208 = tpu.memref_slice %arg6[%rem3A_144, %dma_start3A_206, %dma_start3A_207] : memref<2x1280x16xf32, #tpu.memory_space<vmem>> -> memref<1x256x16xf32, #tpu.memory_space<vmem>>
      %dma_start3A_209 = tpu.memref_squeeze %dma_start3A_208 : memref<1x256x16xf32, #tpu.memory_space<vmem>> -> memref<256x16xf32, #tpu.memory_space<vmem>>
      %dma_start3A_210 = arith.constant 0 : i32
      %dma_start3A_211 = tpu.memref_slice %arg5[%dma_start3A_205, %add3A_204, %dma_start3A_210] : memref<2x40x256xi32, #tpu.memory_space<vmem>> -> memref<1x1x256xi32, #tpu.memory_space<vmem>>
      %dma_start3A_212 = tpu.memref_squeeze %dma_start3A_211 : memref<1x1x256xi32, #tpu.memory_space<vmem>> -> memref<256xi32, #tpu.memory_space<vmem>>
      %dma_start3A_213 = arith.constant 0 : i32
      %dma_start3A_214 = arith.constant 0 : i32
      %dma_start3A_215 = tpu.memref_slice %arg8[%dma_start3A_213, %dma_start3A_214] : memref<10240x16xf32, #tpu.memory_space<vmem_shared>> -> memref<10240x16xf32, #tpu.memory_space<vmem_shared>>
      tpu.enqueue_indirect_dma source(%dma_start3A_209 : memref<256x16xf32, #tpu.memory_space<vmem>>) target(%dma_start3A_215 : memref<10240x16xf32, #tpu.memory_space<vmem_shared>>) offsets(%dma_start3A_212 : memref<256xi32, #tpu.memory_space<vmem>>) semaphore(%arg10 : memref<!tpu.dma_semaphore, #tpu.memory_space<semaphore_mem>>) {add = true}
      %mul3A_216 = arith.constant 5 : i32
      %mul3A_217 = arith.muli %while3A_142, %mul3A_216 : i32
      %add3A_218 = arith.addi %sub3A, %mul3A_217 : i32
      %add3A_219 = arith.constant 3 : i32
      %add3A_220 = arith.addi %add3A_218, %add3A_219 : i32
      %dma_start3A_221 = arith.constant 1 : i32
      %dma_start3A_222 = arith.constant 768 : i32
      %dma_start3A_223 = arith.constant 0 : i32
      %dma_start3A_224 = tpu.memref_slice %arg6[%rem3A_144, %dma_start3A_222, %dma_start3A_223] : memref<2x1280x16xf32, #tpu.memory_space<vmem>> -> memref<1x256x16xf32, #tpu.memory_space<vmem>>
      %dma_start3A_225 = tpu.memref_squeeze %dma_start3A_224 : memref<1x256x16xf32, #tpu.memory_space<vmem>> -> memref<256x16xf32, #tpu.memory_space<vmem>>
      %dma_start3A_226 = arith.constant 0 : i32
      %dma_start3A_227 = tpu.memref_slice %arg5[%dma_start3A_221, %add3A_220, %dma_start3A_226] : memref<2x40x256xi32, #tpu.memory_space<vmem>> -> memref<1x1x256xi32, #tpu.memory_space<vmem>>
      %dma_start3A_228 = tpu.memref_squeeze %dma_start3A_227 : memref<1x1x256xi32, #tpu.memory_space<vmem>> -> memref<256xi32, #tpu.memory_space<vmem>>
      %dma_start3A_229 = arith.constant 0 : i32
      %dma_start3A_230 = arith.constant 0 : i32
      %dma_start3A_231 = tpu.memref_slice %arg8[%dma_start3A_229, %dma_start3A_230] : memref<10240x16xf32, #tpu.memory_space<vmem_shared>> -> memref<10240x16xf32, #tpu.memory_space<vmem_shared>>
      tpu.enqueue_indirect_dma source(%dma_start3A_225 : memref<256x16xf32, #tpu.memory_space<vmem>>) target(%dma_start3A_231 : memref<10240x16xf32, #tpu.memory_space<vmem_shared>>) offsets(%dma_start3A_228 : memref<256xi32, #tpu.memory_space<vmem>>) semaphore(%arg10 : memref<!tpu.dma_semaphore, #tpu.memory_space<semaphore_mem>>) {add = true}
      %mul3A_232 = arith.constant 5 : i32
      %mul3A_233 = arith.muli %while3A_142, %mul3A_232 : i32
      %add3A_234 = arith.addi %sub3A, %mul3A_233 : i32
      %add3A_235 = arith.constant 4 : i32
      %add3A_236 = arith.addi %add3A_234, %add3A_235 : i32
      %dma_start3A_237 = arith.constant 1 : i32
      %dma_start3A_238 = arith.constant 1024 : i32
      %dma_start3A_239 = arith.constant 0 : i32
      %dma_start3A_240 = tpu.memref_slice %arg6[%rem3A_144, %dma_start3A_238, %dma_start3A_239] : memref<2x1280x16xf32, #tpu.memory_space<vmem>> -> memref<1x256x16xf32, #tpu.memory_space<vmem>>
      %dma_start3A_241 = tpu.memref_squeeze %dma_start3A_240 : memref<1x256x16xf32, #tpu.memory_space<vmem>> -> memref<256x16xf32, #tpu.memory_space<vmem>>
      %dma_start3A_242 = arith.constant 0 : i32
      %dma_start3A_243 = tpu.memref_slice %arg5[%dma_start3A_237, %add3A_236, %dma_start3A_242] : memref<2x40x256xi32, #tpu.memory_space<vmem>> -> memref<1x1x256xi32, #tpu.memory_space<vmem>>
      %dma_start3A_244 = tpu.memref_squeeze %dma_start3A_243 : memref<1x1x256xi32, #tpu.memory_space<vmem>> -> memref<256xi32, #tpu.memory_space<vmem>>
      %dma_start3A_245 = arith.constant 0 : i32
      %dma_start3A_246 = arith.constant 0 : i32
      %dma_start3A_247 = tpu.memref_slice %arg8[%dma_start3A_245, %dma_start3A_246] : memref<10240x16xf32, #tpu.memory_space<vmem_shared>> -> memref<10240x16xf32, #tpu.memory_space<vmem_shared>>
      tpu.enqueue_indirect_dma source(%dma_start3A_241 : memref<256x16xf32, #tpu.memory_space<vmem>>) target(%dma_start3A_247 : memref<10240x16xf32, #tpu.memory_space<vmem_shared>>) offsets(%dma_start3A_244 : memref<256xi32, #tpu.memory_space<vmem>>) semaphore(%arg10 : memref<!tpu.dma_semaphore, #tpu.memory_space<semaphore_mem>>) {add = true}
    }
    %while3A_120 = arith.constant 1 : i32
    scf.for %while3A_142 = %while3A_118 to %while3A_114 step %while3A_120  : i32 {
      %rem3A_143 = arith.constant 2 : i32
      %rem3A_144 = arith.remsi %while3A_142, %rem3A_143 : i32
      %ge3A = arith.constant 1 : i32
      %ge3A_145 = arith.cmpi sge, %while3A_142, %ge3A : i32
      %convert_element_type3A_146 = arith.extui %ge3A_145 : i1 to i32
      %cond3A = arith.constant 0 : i32
      %cond3A_147 = arith.cmpi ne, %convert_element_type3A_146, %cond3A : i32
      scf.if %cond3A_147 {
        %sub3A_248 = arith.constant 1 : i32
        %sub3A_249 = arith.subi %sub3A_248, %rem3A_144 : i32
        %dma_wait3A_250 = arith.constant 0 : i32
        %dma_wait3A_251 = arith.constant 0 : i32
        %dma_wait3A_252 = tpu.memref_slice %arg6[%sub3A_249, %dma_wait3A_250, %dma_wait3A_251] : memref<2x1280x16xf32, #tpu.memory_space<vmem>> -> memref<1x1280x16xf32, #tpu.memory_space<vmem>>
        %dma_wait3A_253 = tpu.memref_squeeze %dma_wait3A_252 : memref<1x1280x16xf32, #tpu.memory_space<vmem>> -> memref<1280x16xf32, #tpu.memory_space<vmem>>
        %dma_wait3A_254 = arith.constant 0 : i32
        %dma_wait3A_255 = arith.constant 0 : i32
        %dma_wait3A_256 = tpu.memref_slice %arg2[%dma_wait3A_254, %dma_wait3A_255] : memref<10000x16xf32, #tpu.memory_space<hbm>> -> memref<1280x16xf32, #tpu.memory_space<hbm>>
        %dma_wait3A_257 = arith.constant 0 : i32
        %dma_wait3A_258 = arith.constant 0 : i32
        %dma_wait3A_259 = tpu.memref_slice %arg6[%sub3A_249, %dma_wait3A_257, %dma_wait3A_258] : memref<2x1280x16xf32, #tpu.memory_space<vmem>> -> memref<1x1280x16xf32, #tpu.memory_space<vmem>>
        %dma_wait3A_260 = tpu.memref_squeeze %dma_wait3A_259 : memref<1x1280x16xf32, #tpu.memory_space<vmem>> -> memref<1280x16xf32, #tpu.memory_space<vmem>>
        %dma_wait3A_261 = arith.constant 0 : i32
        %dma_wait3A_262 = arith.constant 0 : i32
        %dma_wait3A_263 = tpu.memref_slice %arg2[%dma_wait3A_261, %dma_wait3A_262] : memref<10000x16xf32, #tpu.memory_space<hbm>> -> memref<1280x16xf32, #tpu.memory_space<hbm>>
        tpu.wait_dma2 semaphore(%arg10 : memref<!tpu.dma_semaphore, #tpu.memory_space<semaphore_mem>>) src(%dma_wait3A_263 : memref<1280x16xf32, #tpu.memory_space<hbm>>) dst(%dma_wait3A_260 : memref<1280x16xf32, #tpu.memory_space<vmem>>)
      } else {
      }
      %sub3A_148 = arith.constant 1 : i32
      %sub3A_149 = arith.subi %select_n3A, %sub3A_148 : i32
      %lt3A_150 = arith.cmpi slt, %while3A_142, %sub3A_149 : i32
      %convert_element_type3A_151 = arith.extui %lt3A_150 : i1 to i32
      %cond3A_152 = arith.constant 0 : i32
      %cond3A_153 = arith.cmpi ne, %convert_element_type3A_151, %cond3A_152 : i32
      scf.if %cond3A_153 {
        %add3A_248 = arith.constant 1 : i32
        %add3A_249 = arith.addi %while3A_142, %add3A_248 : i32
        %sub3A_250 = arith.constant 1 : i32
        %sub3A_251 = arith.subi %sub3A_250, %rem3A_144 : i32
        %mul3A_252 = arith.constant 5 : i32
        %mul3A_253 = arith.muli %add3A_249, %mul3A_252 : i32
        %add3A_254 = arith.addi %sub3A, %mul3A_253 : i32
        %add3A_255 = arith.constant 0 : i32
        %add3A_256 = arith.addi %add3A_254, %add3A_255 : i32
        %dma_start3A_257 = arith.constant 0 : i32
        %dma_start3A_258 = arith.constant 0 : i32
        %dma_start3A_259 = arith.constant 0 : i32
        %dma_start3A_260 = tpu.memref_slice %arg6[%sub3A_251, %dma_start3A_258, %dma_start3A_259] : memref<2x1280x16xf32, #tpu.memory_space<vmem>> -> memref<1x256x16xf32, #tpu.memory_space<vmem>>
        %dma_start3A_261 = tpu.memref_squeeze %dma_start3A_260 : memref<1x256x16xf32, #tpu.memory_space<vmem>> -> memref<256x16xf32, #tpu.memory_space<vmem>>
        %dma_start3A_262 = arith.constant 0 : i32
        %dma_start3A_263 = tpu.memref_slice %arg5[%dma_start3A_257, %add3A_256, %dma_start3A_262] : memref<2x40x256xi32, #tpu.memory_space<vmem>> -> memref<1x1x256xi32, #tpu.memory_space<vmem>>
        %dma_start3A_264 = tpu.memref_squeeze %dma_start3A_263 : memref<1x1x256xi32, #tpu.memory_space<vmem>> -> memref<256xi32, #tpu.memory_space<vmem>>
        %dma_start3A_265 = arith.constant 0 : i32
        %dma_start3A_266 = arith.constant 0 : i32
        %dma_start3A_267 = tpu.memref_slice %arg2[%dma_start3A_265, %dma_start3A_266] : memref<10000x16xf32, #tpu.memory_space<hbm>> -> memref<10000x16xf32, #tpu.memory_space<hbm>>
        tpu.enqueue_indirect_dma source(%dma_start3A_267 : memref<10000x16xf32, #tpu.memory_space<hbm>>) target(%dma_start3A_261 : memref<256x16xf32, #tpu.memory_space<vmem>>) offsets(%dma_start3A_264 : memref<256xi32, #tpu.memory_space<vmem>>) semaphore(%arg9 : memref<!tpu.dma_semaphore, #tpu.memory_space<semaphore_mem>>)
        %mul3A_268 = arith.constant 5 : i32
        %mul3A_269 = arith.muli %add3A_249, %mul3A_268 : i32
        %add3A_270 = arith.addi %sub3A, %mul3A_269 : i32
        %add3A_271 = arith.constant 1 : i32
        %add3A_272 = arith.addi %add3A_270, %add3A_271 : i32
        %dma_start3A_273 = arith.constant 0 : i32
        %dma_start3A_274 = arith.constant 256 : i32
        %dma_start3A_275 = arith.constant 0 : i32
        %dma_start3A_276 = tpu.memref_slice %arg6[%sub3A_251, %dma_start3A_274, %dma_start3A_275] : memref<2x1280x16xf32, #tpu.memory_space<vmem>> -> memref<1x256x16xf32, #tpu.memory_space<vmem>>
        %dma_start3A_277 = tpu.memref_squeeze %dma_start3A_276 : memref<1x256x16xf32, #tpu.memory_space<vmem>> -> memref<256x16xf32, #tpu.memory_space<vmem>>
        %dma_start3A_278 = arith.constant 0 : i32
        %dma_start3A_279 = tpu.memref_slice %arg5[%dma_start3A_273, %add3A_272, %dma_start3A_278] : memref<2x40x256xi32, #tpu.memory_space<vmem>> -> memref<1x1x256xi32, #tpu.memory_space<vmem>>
        %dma_start3A_280 = tpu.memref_squeeze %dma_start3A_279 : memref<1x1x256xi32, #tpu.memory_space<vmem>> -> memref<256xi32, #tpu.memory_space<vmem>>
        %dma_start3A_281 = arith.constant 0 : i32
        %dma_start3A_282 = arith.constant 0 : i32
        %dma_start3A_283 = tpu.memref_slice %arg2[%dma_start3A_281, %dma_start3A_282] : memref<10000x16xf32, #tpu.memory_space<hbm>> -> memref<10000x16xf32, #tpu.memory_space<hbm>>
        tpu.enqueue_indirect_dma source(%dma_start3A_283 : memref<10000x16xf32, #tpu.memory_space<hbm>>) target(%dma_start3A_277 : memref<256x16xf32, #tpu.memory_space<vmem>>) offsets(%dma_start3A_280 : memref<256xi32, #tpu.memory_space<vmem>>) semaphore(%arg9 : memref<!tpu.dma_semaphore, #tpu.memory_space<semaphore_mem>>)
        %mul3A_284 = arith.constant 5 : i32
        %mul3A_285 = arith.muli %add3A_249, %mul3A_284 : i32
        %add3A_286 = arith.addi %sub3A, %mul3A_285 : i32
        %add3A_287 = arith.constant 2 : i32
        %add3A_288 = arith.addi %add3A_286, %add3A_287 : i32
        %dma_start3A_289 = arith.constant 0 : i32
        %dma_start3A_290 = arith.constant 512 : i32
        %dma_start3A_291 = arith.constant 0 : i32
        %dma_start3A_292 = tpu.memref_slice %arg6[%sub3A_251, %dma_start3A_290, %dma_start3A_291] : memref<2x1280x16xf32, #tpu.memory_space<vmem>> -> memref<1x256x16xf32, #tpu.memory_space<vmem>>
        %dma_start3A_293 = tpu.memref_squeeze %dma_start3A_292 : memref<1x256x16xf32, #tpu.memory_space<vmem>> -> memref<256x16xf32, #tpu.memory_space<vmem>>
        %dma_start3A_294 = arith.constant 0 : i32
        %dma_start3A_295 = tpu.memref_slice %arg5[%dma_start3A_289, %add3A_288, %dma_start3A_294] : memref<2x40x256xi32, #tpu.memory_space<vmem>> -> memref<1x1x256xi32, #tpu.memory_space<vmem>>
        %dma_start3A_296 = tpu.memref_squeeze %dma_start3A_295 : memref<1x1x256xi32, #tpu.memory_space<vmem>> -> memref<256xi32, #tpu.memory_space<vmem>>
        %dma_start3A_297 = arith.constant 0 : i32
        %dma_start3A_298 = arith.constant 0 : i32
        %dma_start3A_299 = tpu.memref_slice %arg2[%dma_start3A_297, %dma_start3A_298] : memref<10000x16xf32, #tpu.memory_space<hbm>> -> memref<10000x16xf32, #tpu.memory_space<hbm>>
        tpu.enqueue_indirect_dma source(%dma_start3A_299 : memref<10000x16xf32, #tpu.memory_space<hbm>>) target(%dma_start3A_293 : memref<256x16xf32, #tpu.memory_space<vmem>>) offsets(%dma_start3A_296 : memref<256xi32, #tpu.memory_space<vmem>>) semaphore(%arg9 : memref<!tpu.dma_semaphore, #tpu.memory_space<semaphore_mem>>)
        %mul3A_300 = arith.constant 5 : i32
        %mul3A_301 = arith.muli %add3A_249, %mul3A_300 : i32
        %add3A_302 = arith.addi %sub3A, %mul3A_301 : i32
        %add3A_303 = arith.constant 3 : i32
        %add3A_304 = arith.addi %add3A_302, %add3A_303 : i32
        %dma_start3A_305 = arith.constant 0 : i32
        %dma_start3A_306 = arith.constant 768 : i32
        %dma_start3A_307 = arith.constant 0 : i32
        %dma_start3A_308 = tpu.memref_slice %arg6[%sub3A_251, %dma_start3A_306, %dma_start3A_307] : memref<2x1280x16xf32, #tpu.memory_space<vmem>> -> memref<1x256x16xf32, #tpu.memory_space<vmem>>
        %dma_start3A_309 = tpu.memref_squeeze %dma_start3A_308 : memref<1x256x16xf32, #tpu.memory_space<vmem>> -> memref<256x16xf32, #tpu.memory_space<vmem>>
        %dma_start3A_310 = arith.constant 0 : i32
        %dma_start3A_311 = tpu.memref_slice %arg5[%dma_start3A_305, %add3A_304, %dma_start3A_310] : memref<2x40x256xi32, #tpu.memory_space<vmem>> -> memref<1x1x256xi32, #tpu.memory_space<vmem>>
        %dma_start3A_312 = tpu.memref_squeeze %dma_start3A_311 : memref<1x1x256xi32, #tpu.memory_space<vmem>> -> memref<256xi32, #tpu.memory_space<vmem>>
        %dma_start3A_313 = arith.constant 0 : i32
        %dma_start3A_314 = arith.constant 0 : i32
        %dma_start3A_315 = tpu.memref_slice %arg2[%dma_start3A_313, %dma_start3A_314] : memref<10000x16xf32, #tpu.memory_space<hbm>> -> memref<10000x16xf32, #tpu.memory_space<hbm>>
        tpu.enqueue_indirect_dma source(%dma_start3A_315 : memref<10000x16xf32, #tpu.memory_space<hbm>>) target(%dma_start3A_309 : memref<256x16xf32, #tpu.memory_space<vmem>>) offsets(%dma_start3A_312 : memref<256xi32, #tpu.memory_space<vmem>>) semaphore(%arg9 : memref<!tpu.dma_semaphore, #tpu.memory_space<semaphore_mem>>)
        %mul3A_316 = arith.constant 5 : i32
        %mul3A_317 = arith.muli %add3A_249, %mul3A_316 : i32
        %add3A_318 = arith.addi %sub3A, %mul3A_317 : i32
        %add3A_319 = arith.constant 4 : i32
        %add3A_320 = arith.addi %add3A_318, %add3A_319 : i32
        %dma_start3A_321 = arith.constant 0 : i32
        %dma_start3A_322 = arith.constant 1024 : i32
        %dma_start3A_323 = arith.constant 0 : i32
        %dma_start3A_324 = tpu.memref_slice %arg6[%sub3A_251, %dma_start3A_322, %dma_start3A_323] : memref<2x1280x16xf32, #tpu.memory_space<vmem>> -> memref<1x256x16xf32, #tpu.memory_space<vmem>>
        %dma_start3A_325 = tpu.memref_squeeze %dma_start3A_324 : memref<1x256x16xf32, #tpu.memory_space<vmem>> -> memref<256x16xf32, #tpu.memory_space<vmem>>
        %dma_start3A_326 = arith.constant 0 : i32
        %dma_start3A_327 = tpu.memref_slice %arg5[%dma_start3A_321, %add3A_320, %dma_start3A_326] : memref<2x40x256xi32, #tpu.memory_space<vmem>> -> memref<1x1x256xi32, #tpu.memory_space<vmem>>
        %dma_start3A_328 = tpu.memref_squeeze %dma_start3A_327 : memref<1x1x256xi32, #tpu.memory_space<vmem>> -> memref<256xi32, #tpu.memory_space<vmem>>
        %dma_start3A_329 = arith.constant 0 : i32
        %dma_start3A_330 = arith.constant 0 : i32
        %dma_start3A_331 = tpu.memref_slice %arg2[%dma_start3A_329, %dma_start3A_330] : memref<10000x16xf32, #tpu.memory_space<hbm>> -> memref<10000x16xf32, #tpu.memory_space<hbm>>
        tpu.enqueue_indirect_dma source(%dma_start3A_331 : memref<10000x16xf32, #tpu.memory_space<hbm>>) target(%dma_start3A_325 : memref<256x16xf32, #tpu.memory_space<vmem>>) offsets(%dma_start3A_328 : memref<256xi32, #tpu.memory_space<vmem>>) semaphore(%arg9 : memref<!tpu.dma_semaphore, #tpu.memory_space<semaphore_mem>>)
      } else {
      }
      %dma_wait3A_154 = arith.constant 0 : i32
      %dma_wait3A_155 = arith.constant 0 : i32
      %dma_wait3A_156 = tpu.memref_slice %arg6[%rem3A_144, %dma_wait3A_154, %dma_wait3A_155] : memref<2x1280x16xf32, #tpu.memory_space<vmem>> -> memref<1x1280x16xf32, #tpu.memory_space<vmem>>
      %dma_wait3A_157 = tpu.memref_squeeze %dma_wait3A_156 : memref<1x1280x16xf32, #tpu.memory_space<vmem>> -> memref<1280x16xf32, #tpu.memory_space<vmem>>
      %dma_wait3A_158 = arith.constant 0 : i32
      %dma_wait3A_159 = arith.constant 0 : i32
      %dma_wait3A_160 = tpu.memref_slice %arg2[%dma_wait3A_158, %dma_wait3A_159] : memref<10000x16xf32, #tpu.memory_space<hbm>> -> memref<1280x16xf32, #tpu.memory_space<hbm>>
      %dma_wait3A_161 = arith.constant 0 : i32
      %dma_wait3A_162 = arith.constant 0 : i32
      %dma_wait3A_163 = tpu.memref_slice %arg6[%rem3A_144, %dma_wait3A_161, %dma_wait3A_162] : memref<2x1280x16xf32, #tpu.memory_space<vmem>> -> memref<1x1280x16xf32, #tpu.memory_space<vmem>>
      %dma_wait3A_164 = tpu.memref_squeeze %dma_wait3A_163 : memref<1x1280x16xf32, #tpu.memory_space<vmem>> -> memref<1280x16xf32, #tpu.memory_space<vmem>>
      %dma_wait3A_165 = arith.constant 0 : i32
      %dma_wait3A_166 = arith.constant 0 : i32
      %dma_wait3A_167 = tpu.memref_slice %arg2[%dma_wait3A_165, %dma_wait3A_166] : memref<10000x16xf32, #tpu.memory_space<hbm>> -> memref<1280x16xf32, #tpu.memory_space<hbm>>
      tpu.wait_dma2 semaphore(%arg9 : memref<!tpu.dma_semaphore, #tpu.memory_space<semaphore_mem>>) src(%dma_wait3A_167 : memref<1280x16xf32, #tpu.memory_space<hbm>>) dst(%dma_wait3A_164 : memref<1280x16xf32, #tpu.memory_space<vmem>>)
      %mul3A_168 = arith.constant 5 : i32
      %mul3A_169 = arith.muli %while3A_142, %mul3A_168 : i32
      %add3A_170 = arith.addi %sub3A, %mul3A_169 : i32
      %add3A_171 = arith.constant 0 : i32
      %add3A_172 = arith.addi %add3A_170, %add3A_171 : i32
      %dma_start3A_173 = arith.constant 1 : i32
      %dma_start3A_174 = arith.constant 0 : i32
      %dma_start3A_175 = arith.constant 0 : i32
      %dma_start3A_176 = tpu.memref_slice %arg6[%rem3A_144, %dma_start3A_174, %dma_start3A_175] : memref<2x1280x16xf32, #tpu.memory_space<vmem>> -> memref<1x256x16xf32, #tpu.memory_space<vmem>>
      %dma_start3A_177 = tpu.memref_squeeze %dma_start3A_176 : memref<1x256x16xf32, #tpu.memory_space<vmem>> -> memref<256x16xf32, #tpu.memory_space<vmem>>
      %dma_start3A_178 = arith.constant 0 : i32
      %dma_start3A_179 = tpu.memref_slice %arg5[%dma_start3A_173, %add3A_172, %dma_start3A_178] : memref<2x40x256xi32, #tpu.memory_space<vmem>> -> memref<1x1x256xi32, #tpu.memory_space<vmem>>
      %dma_start3A_180 = tpu.memref_squeeze %dma_start3A_179 : memref<1x1x256xi32, #tpu.memory_space<vmem>> -> memref<256xi32, #tpu.memory_space<vmem>>
      %dma_start3A_181 = arith.constant 0 : i32
      %dma_start3A_182 = arith.constant 0 : i32
      %dma_start3A_183 = tpu.memref_slice %arg8[%dma_start3A_181, %dma_start3A_182] : memref<10240x16xf32, #tpu.memory_space<vmem_shared>> -> memref<10240x16xf32, #tpu.memory_space<vmem_shared>>
      tpu.enqueue_indirect_dma source(%dma_start3A_177 : memref<256x16xf32, #tpu.memory_space<vmem>>) target(%dma_start3A_183 : memref<10240x16xf32, #tpu.memory_space<vmem_shared>>) offsets(%dma_start3A_180 : memref<256xi32, #tpu.memory_space<vmem>>) semaphore(%arg10 : memref<!tpu.dma_semaphore, #tpu.memory_space<semaphore_mem>>) {add = true}
      %mul3A_184 = arith.constant 5 : i32
      %mul3A_185 = arith.muli %while3A_142, %mul3A_184 : i32
      %add3A_186 = arith.addi %sub3A, %mul3A_185 : i32
      %add3A_187 = arith.constant 1 : i32
      %add3A_188 = arith.addi %add3A_186, %add3A_187 : i32
      %dma_start3A_189 = arith.constant 1 : i32
      %dma_start3A_190 = arith.constant 256 : i32
      %dma_start3A_191 = arith.constant 0 : i32
      %dma_start3A_192 = tpu.memref_slice %arg6[%rem3A_144, %dma_start3A_190, %dma_start3A_191] : memref<2x1280x16xf32, #tpu.memory_space<vmem>> -> memref<1x256x16xf32, #tpu.memory_space<vmem>>
      %dma_start3A_193 = tpu.memref_squeeze %dma_start3A_192 : memref<1x256x16xf32, #tpu.memory_space<vmem>> -> memref<256x16xf32, #tpu.memory_space<vmem>>
      %dma_start3A_194 = arith.constant 0 : i32
      %dma_start3A_195 = tpu.memref_slice %arg5[%dma_start3A_189, %add3A_188, %dma_start3A_194] : memref<2x40x256xi32, #tpu.memory_space<vmem>> -> memref<1x1x256xi32, #tpu.memory_space<vmem>>
      %dma_start3A_196 = tpu.memref_squeeze %dma_start3A_195 : memref<1x1x256xi32, #tpu.memory_space<vmem>> -> memref<256xi32, #tpu.memory_space<vmem>>
      %dma_start3A_197 = arith.constant 0 : i32
      %dma_start3A_198 = arith.constant 0 : i32
      %dma_start3A_199 = tpu.memref_slice %arg8[%dma_start3A_197, %dma_start3A_198] : memref<10240x16xf32, #tpu.memory_space<vmem_shared>> -> memref<10240x16xf32, #tpu.memory_space<vmem_shared>>
      tpu.enqueue_indirect_dma source(%dma_start3A_193 : memref<256x16xf32, #tpu.memory_space<vmem>>) target(%dma_start3A_199 : memref<10240x16xf32, #tpu.memory_space<vmem_shared>>) offsets(%dma_start3A_196 : memref<256xi32, #tpu.memory_space<vmem>>) semaphore(%arg10 : memref<!tpu.dma_semaphore, #tpu.memory_space<semaphore_mem>>) {add = true}
      %mul3A_200 = arith.constant 5 : i32
      %mul3A_201 = arith.muli %while3A_142, %mul3A_200 : i32
      %add3A_202 = arith.addi %sub3A, %mul3A_201 : i32
      %add3A_203 = arith.constant 2 : i32
      %add3A_204 = arith.addi %add3A_202, %add3A_203 : i32
      %dma_start3A_205 = arith.constant 1 : i32
      %dma_start3A_206 = arith.constant 512 : i32
      %dma_start3A_207 = arith.constant 0 : i32
      %dma_start3A_208 = tpu.memref_slice %arg6[%rem3A_144, %dma_start3A_206, %dma_start3A_207] : memref<2x1280x16xf32, #tpu.memory_space<vmem>> -> memref<1x256x16xf32, #tpu.memory_space<vmem>>
      %dma_start3A_209 = tpu.memref_squeeze %dma_start3A_208 : memref<1x256x16xf32, #tpu.memory_space<vmem>> -> memref<256x16xf32, #tpu.memory_space<vmem>>
      %dma_start3A_210 = arith.constant 0 : i32
      %dma_start3A_211 = tpu.memref_slice %arg5[%dma_start3A_205, %add3A_204, %dma_start3A_210] : memref<2x40x256xi32, #tpu.memory_space<vmem>> -> memref<1x1x256xi32, #tpu.memory_space<vmem>>
      %dma_start3A_212 = tpu.memref_squeeze %dma_start3A_211 : memref<1x1x256xi32, #tpu.memory_space<vmem>> -> memref<256xi32, #tpu.memory_space<vmem>>
      %dma_start3A_213 = arith.constant 0 : i32
      %dma_start3A_214 = arith.constant 0 : i32
      %dma_start3A_215 = tpu.memref_slice %arg8[%dma_start3A_213, %dma_start3A_214] : memref<10240x16xf32, #tpu.memory_space<vmem_shared>> -> memref<10240x16xf32, #tpu.memory_space<vmem_shared>>
      tpu.enqueue_indirect_dma source(%dma_start3A_209 : memref<256x16xf32, #tpu.memory_space<vmem>>) target(%dma_start3A_215 : memref<10240x16xf32, #tpu.memory_space<vmem_shared>>) offsets(%dma_start3A_212 : memref<256xi32, #tpu.memory_space<vmem>>) semaphore(%arg10 : memref<!tpu.dma_semaphore, #tpu.memory_space<semaphore_mem>>) {add = true}
      %mul3A_216 = arith.constant 5 : i32
      %mul3A_217 = arith.muli %while3A_142, %mul3A_216 : i32
      %add3A_218 = arith.addi %sub3A, %mul3A_217 : i32
      %add3A_219 = arith.constant 3 : i32
      %add3A_220 = arith.addi %add3A_218, %add3A_219 : i32
      %dma_start3A_221 = arith.constant 1 : i32
      %dma_start3A_222 = arith.constant 768 : i32
      %dma_start3A_223 = arith.constant 0 : i32
      %dma_start3A_224 = tpu.memref_slice %arg6[%rem3A_144, %dma_start3A_222, %dma_start3A_223] : memref<2x1280x16xf32, #tpu.memory_space<vmem>> -> memref<1x256x16xf32, #tpu.memory_space<vmem>>
      %dma_start3A_225 = tpu.memref_squeeze %dma_start3A_224 : memref<1x256x16xf32, #tpu.memory_space<vmem>> -> memref<256x16xf32, #tpu.memory_space<vmem>>
      %dma_start3A_226 = arith.constant 0 : i32
      %dma_start3A_227 = tpu.memref_slice %arg5[%dma_start3A_221, %add3A_220, %dma_start3A_226] : memref<2x40x256xi32, #tpu.memory_space<vmem>> -> memref<1x1x256xi32, #tpu.memory_space<vmem>>
      %dma_start3A_228 = tpu.memref_squeeze %dma_start3A_227 : memref<1x1x256xi32, #tpu.memory_space<vmem>> -> memref<256xi32, #tpu.memory_space<vmem>>
      %dma_start3A_229 = arith.constant 0 : i32
      %dma_start3A_230 = arith.constant 0 : i32
      %dma_start3A_231 = tpu.memref_slice %arg8[%dma_start3A_229, %dma_start3A_230] : memref<10240x16xf32, #tpu.memory_space<vmem_shared>> -> memref<10240x16xf32, #tpu.memory_space<vmem_shared>>
      tpu.enqueue_indirect_dma source(%dma_start3A_225 : memref<256x16xf32, #tpu.memory_space<vmem>>) target(%dma_start3A_231 : memref<10240x16xf32, #tpu.memory_space<vmem_shared>>) offsets(%dma_start3A_228 : memref<256xi32, #tpu.memory_space<vmem>>) semaphore(%arg10 : memref<!tpu.dma_semaphore, #tpu.memory_space<semaphore_mem>>) {add = true}
      %mul3A_232 = arith.constant 5 : i32
      %mul3A_233 = arith.muli %while3A_142, %mul3A_232 : i32
      %add3A_234 = arith.addi %sub3A, %mul3A_233 : i32
      %add3A_235 = arith.constant 4 : i32
      %add3A_236 = arith.addi %add3A_234, %add3A_235 : i32
      %dma_start3A_237 = arith.constant 1 : i32
      %dma_start3A_238 = arith.constant 1024 : i32
      %dma_start3A_239 = arith.constant 0 : i32
      %dma_start3A_240 = tpu.memref_slice %arg6[%rem3A_144, %dma_start3A_238, %dma_start3A_239] : memref<2x1280x16xf32, #tpu.memory_space<vmem>> -> memref<1x256x16xf32, #tpu.memory_space<vmem>>
      %dma_start3A_241 = tpu.memref_squeeze %dma_start3A_240 : memref<1x256x16xf32, #tpu.memory_space<vmem>> -> memref<256x16xf32, #tpu.memory_space<vmem>>
      %dma_start3A_242 = arith.constant 0 : i32
      %dma_start3A_243 = tpu.memref_slice %arg5[%dma_start3A_237, %add3A_236, %dma_start3A_242] : memref<2x40x256xi32, #tpu.memory_space<vmem>> -> memref<1x1x256xi32, #tpu.memory_space<vmem>>
      %dma_start3A_244 = tpu.memref_squeeze %dma_start3A_243 : memref<1x1x256xi32, #tpu.memory_space<vmem>> -> memref<256xi32, #tpu.memory_space<vmem>>
      %dma_start3A_245 = arith.constant 0 : i32
      %dma_start3A_246 = arith.constant 0 : i32
      %dma_start3A_247 = tpu.memref_slice %arg8[%dma_start3A_245, %dma_start3A_246] : memref<10240x16xf32, #tpu.memory_space<vmem_shared>> -> memref<10240x16xf32, #tpu.memory_space<vmem_shared>>
      tpu.enqueue_indirect_dma source(%dma_start3A_241 : memref<256x16xf32, #tpu.memory_space<vmem>>) target(%dma_start3A_247 : memref<10240x16xf32, #tpu.memory_space<vmem_shared>>) offsets(%dma_start3A_244 : memref<256xi32, #tpu.memory_space<vmem>>) semaphore(%arg10 : memref<!tpu.dma_semaphore, #tpu.memory_space<semaphore_mem>>) {add = true}
    }
    %sub3A_121 = arith.constant 1 : i32
    %sub3A_122 = arith.subi %select_n3A, %sub3A_121 : i32
    %rem3A = arith.constant 2 : i32
    %rem3A_123 = arith.remsi %sub3A_122, %rem3A : i32
    %dma_wait3A = arith.constant 0 : i32
    %dma_wait3A_124 = arith.constant 0 : i32
    %dma_wait3A_125 = tpu.memref_slice %arg6[%rem3A_123, %dma_wait3A, %dma_wait3A_124] : memref<2x1280x16xf32, #tpu.memory_space<vmem>> -> memref<1x1280x16xf32, #tpu.memory_space<vmem>>
    %dma_wait3A_126 = tpu.memref_squeeze %dma_wait3A_125 : memref<1x1280x16xf32, #tpu.memory_space<vmem>> -> memref<1280x16xf32, #tpu.memory_space<vmem>>
    %dma_wait3A_127 = arith.constant 0 : i32
    %dma_wait3A_128 = arith.constant 0 : i32
    %dma_wait3A_129 = tpu.memref_slice %arg2[%dma_wait3A_127, %dma_wait3A_128] : memref<10000x16xf32, #tpu.memory_space<hbm>> -> memref<1280x16xf32, #tpu.memory_space<hbm>>
    %dma_wait3A_130 = arith.constant 0 : i32
    %dma_wait3A_131 = arith.constant 0 : i32
    %dma_wait3A_132 = tpu.memref_slice %arg6[%rem3A_123, %dma_wait3A_130, %dma_wait3A_131] : memref<2x1280x16xf32, #tpu.memory_space<vmem>> -> memref<1x1280x16xf32, #tpu.memory_space<vmem>>
    %dma_wait3A_133 = tpu.memref_squeeze %dma_wait3A_132 : memref<1x1280x16xf32, #tpu.memory_space<vmem>> -> memref<1280x16xf32, #tpu.memory_space<vmem>>
    %dma_wait3A_134 = arith.constant 0 : i32
    %dma_wait3A_135 = arith.constant 0 : i32
    %dma_wait3A_136 = tpu.memref_slice %arg2[%dma_wait3A_134, %dma_wait3A_135] : memref<10000x16xf32, #tpu.memory_space<hbm>> -> memref<1280x16xf32, #tpu.memory_space<hbm>>
    tpu.wait_dma2 semaphore(%arg10 : memref<!tpu.dma_semaphore, #tpu.memory_space<semaphore_mem>>) src(%dma_wait3A_136 : memref<1280x16xf32, #tpu.memory_space<hbm>>) dst(%dma_wait3A_133 : memref<1280x16xf32, #tpu.memory_space<vmem>>)
    %barrier3A_137 = arith.constant 0 : index
    tpu.barrier barrier_id(%barrier3A_137)
    %mul3A_138 = arith.constant 640 : i32
    %mul3A_139 = arith.muli %arg1, %mul3A_138 : i32
    %mul3A_140 = arith.constant 640 : i32
    %mul3A_141 = arith.muli %arg1, %mul3A_140 : i32
    "tpu.region"() ({
      %run_scoped3A_142 = tpu.sem_alloc : memref<!tpu.dma_semaphore, #tpu.memory_space<semaphore_mem>>
      %dma_start3A_143 = arith.constant 0 : i32
      %dma_start3A_144 = tpu.memref_slice %arg4[%arg0, %mul3A_141, %dma_start3A_143] : memref<2x10240x16xf32, #tpu.memory_space<hbm>> -> memref<1x640x16xf32, #tpu.memory_space<hbm>>
      %dma_start3A_145 = tpu.memref_squeeze %dma_start3A_144 : memref<1x640x16xf32, #tpu.memory_space<hbm>> -> memref<640x16xf32, #tpu.memory_space<hbm>>
      %dma_start3A_146 = arith.constant 0 : i32
      %dma_start3A_147 = tpu.memref_slice %arg8[%mul3A_139, %dma_start3A_146] : memref<10240x16xf32, #tpu.memory_space<vmem_shared>> -> memref<640x16xf32, #tpu.memory_space<vmem_shared>>
      tpu.enqueue_dma source(%dma_start3A_147 : memref<640x16xf32, #tpu.memory_space<vmem_shared>>) target(%dma_start3A_145 : memref<640x16xf32, #tpu.memory_space<hbm>>) target_semaphore(%run_scoped3A_142 : memref<!tpu.dma_semaphore, #tpu.memory_space<semaphore_mem>>)
      %dma_wait3A_148 = arith.constant 0 : i32
      %dma_wait3A_149 = tpu.memref_slice %arg4[%arg0, %mul3A_141, %dma_wait3A_148] : memref<2x10240x16xf32, #tpu.memory_space<hbm>> -> memref<1x640x16xf32, #tpu.memory_space<hbm>>
      %dma_wait3A_150 = tpu.memref_squeeze %dma_wait3A_149 : memref<1x640x16xf32, #tpu.memory_space<hbm>> -> memref<640x16xf32, #tpu.memory_space<hbm>>
      %dma_wait3A_151 = arith.constant 0 : i32
      %dma_wait3A_152 = tpu.memref_slice %arg8[%mul3A_139, %dma_wait3A_151] : memref<10240x16xf32, #tpu.memory_space<vmem_shared>> -> memref<640x16xf32, #tpu.memory_space<vmem_shared>>
      tpu.wait_dma2 semaphore(%run_scoped3A_142 : memref<!tpu.dma_semaphore, #tpu.memory_space<semaphore_mem>>) src(%dma_wait3A_152 : memref<640x16xf32, #tpu.memory_space<vmem_shared>>) dst(%dma_wait3A_150 : memref<640x16xf32, #tpu.memory_space<hbm>>)
      tpu.yield
    }) : () -> ()
    return
  }
}

module attributes {stable_mosaic.version = 14 : i64} {
  func.func @_tc1_body(%arg0: memref<10000x128xf32, #tpu.memory_space<vmem>>, %arg1: memref<128x16xf32, #tpu.memory_space<vmem>>, %arg2: memref<2x10240xf32, #tpu.memory_space<vmem>>, %arg3: memref<10000x16xf32, #tpu.memory_space<vmem>>, %arg4: memref<10000x16xf32, #tpu.memory_space<vmem>>) attributes {dimension_semantics = [], scalar_prefetch = 0 : i64, scratch_operands = 0 : i64, tpu.core_type = #tpu.core_type<tc>} {
    %get3A = arith.constant 0 : index
    %get3A_0 = arith.constant 0 : index
    %get3A_1 = vector.load %arg2[%get3A, %get3A_0] : memref<2x10240xf32, #tpu.memory_space<vmem>>, vector<1x10240xf32>
    %get3A_2 = vector.shape_cast %get3A_1 : vector<1x10240xf32> to vector<10240xf32>
    %get3A_3 = arith.constant 1 : index
    %get3A_4 = arith.constant 0 : index
    %get3A_5 = vector.load %arg2[%get3A_3, %get3A_4] : memref<2x10240xf32, #tpu.memory_space<vmem>>, vector<1x10240xf32>
    %get3A_6 = vector.shape_cast %get3A_5 : vector<1x10240xf32> to vector<10240xf32>
    %add3A = arith.addf %get3A_2, %get3A_6 : vector<10240xf32>
    %add3A_7 = arith.constant 1.000000e+00 : f32
    %add3A_8 = vector.broadcast %add3A_7 : f32 to vector<10240xf32>
    %add3A_9 = arith.addf %add3A, %add3A_8 : vector<10240xf32>
    %rsqrt3A = math.rsqrt %add3A_9 : vector<10240xf32>
    %slice3A = vector.extract_strided_slice %rsqrt3A {offsets = [0], sizes = [10000], strides = [1]} : vector<10240xf32> to vector<10000xf32>
    %reshape3A = vector.shape_cast %slice3A : vector<10000xf32> to vector<10000x1xf32>
    %get3A_10 = arith.constant 0 : index
    %get3A_11 = arith.constant 0 : index
    %get3A_12 = vector.load %arg0[%get3A_10, %get3A_11] : memref<10000x128xf32, #tpu.memory_space<vmem>>, vector<10000x128xf32>
    %get3A_13 = arith.constant 0 : index
    %get3A_14 = arith.constant 0 : index
    %get3A_15 = vector.load %arg1[%get3A_13, %get3A_14] : memref<128x16xf32, #tpu.memory_space<vmem>>, vector<128x16xf32>
    %dot_general3A = arith.constant dense<0.000000e+00> : vector<10000x16xf32>
    %dot_general3A_16 = tpu.matmul %get3A_12, %get3A_15, %dot_general3A {dimension_numbers = #tpu.dot_dimension_numbers<[1], [0], [0], [1], [0, 0, 1, 1], [], []>, transpose_lhs_hint = false} : vector<10000x128xf32>, vector<128x16xf32>, vector<10000x16xf32> -> vector<10000x16xf32>
    %mul3A = vector.broadcast %reshape3A : vector<10000x1xf32> to vector<10000x16xf32>
    %mul3A_17 = arith.mulf %dot_general3A_16, %mul3A : vector<10000x16xf32>
    %swap3A = arith.constant 0 : index
    %swap3A_18 = arith.constant 0 : index
    %swap3A_19 = vector.load %arg3[%swap3A, %swap3A_18] : memref<10000x16xf32, #tpu.memory_space<vmem>>, vector<10000x16xf32>
    tpu.vector_store %arg3[%swap3A, %swap3A_18], %mul3A_17 {strides = array<i32>} : memref<10000x16xf32, #tpu.memory_space<vmem>>, vector<10000x16xf32>,
    %broadcast_in_dim3A = vector.shape_cast %reshape3A : vector<10000x1xf32> to vector<10000x1xf32>
    %broadcast_in_dim3A_20 = vector.broadcast %broadcast_in_dim3A : vector<10000x1xf32> to vector<10000x16xf32>
    %swap3A_21 = arith.constant 0 : index
    %swap3A_22 = arith.constant 0 : index
    %swap3A_23 = vector.load %arg4[%swap3A_21, %swap3A_22] : memref<10000x16xf32, #tpu.memory_space<vmem>>, vector<10000x16xf32>
    tpu.vector_store %arg4[%swap3A_21, %swap3A_22], %broadcast_in_dim3A_20 {strides = array<i32>} : memref<10000x16xf32, #tpu.memory_space<vmem>>, vector<10000x16xf32>,
    return
  }
}

module attributes {stable_mosaic.version = 14 : i64} {
  func.func @_tc2_body(%arg0: memref<2560x128xf32, #tpu.memory_space<vmem>>, %arg1: memref<1250x128xf32, #tpu.memory_space<vmem>>, %arg2: memref<1250x128xf32, #tpu.memory_space<vmem>>, %arg3: memref<1x128xf32, #tpu.memory_space<vmem>>, %arg4: memref<128x128xf32, #tpu.memory_space<vmem>>, %arg5: memref<1250x128xf32, #tpu.memory_space<vmem>>) attributes {dimension_semantics = [], scalar_prefetch = 0 : i64, scratch_operands = 0 : i64, tpu.core_type = #tpu.core_type<tc>} {
    %get3A = arith.constant 0 : index
    %get3A_0 = arith.constant 0 : index
    %get3A_1 = vector.load %arg0[%get3A, %get3A_0] : memref<2560x128xf32, #tpu.memory_space<vmem>>, vector<2560x128xf32>
    %slice3A = vector.extract_strided_slice %get3A_1 {offsets = [0, 0], sizes = [1250, 128], strides = [1, 1]} : vector<2560x128xf32> to vector<1250x128xf32>
    %slice3A_2 = vector.extract_strided_slice %get3A_1 {offsets = [1280, 0], sizes = [1250, 128], strides = [1, 1]} : vector<2560x128xf32> to vector<1250x128xf32>
    %add3A = arith.addf %slice3A, %slice3A_2 : vector<1250x128xf32>
    %get3A_3 = arith.constant 0 : index
    %get3A_4 = arith.constant 0 : index
    %get3A_5 = vector.load %arg2[%get3A_3, %get3A_4] : memref<1250x128xf32, #tpu.memory_space<vmem>>, vector<1250x128xf32>
    %get3A_6 = arith.constant 0 : index
    %get3A_7 = arith.constant 0 : index
    %get3A_8 = vector.load %arg1[%get3A_6, %get3A_7] : memref<1250x128xf32, #tpu.memory_space<vmem>>, vector<1250x128xf32>
    %add3A_9 = arith.addf %add3A, %get3A_8 : vector<1250x128xf32>
    %mul3A = arith.mulf %get3A_5, %add3A_9 : vector<1250x128xf32>
    %get3A_10 = arith.constant 0 : index
    %get3A_11 = arith.constant 0 : index
    %get3A_12 = vector.load %arg3[%get3A_10, %get3A_11] : memref<1x128xf32, #tpu.memory_space<vmem>>, vector<1x128xf32>
    %add3A_13 = vector.broadcast %get3A_12 : vector<1x128xf32> to vector<1250x128xf32>
    %add3A_14 = arith.addf %mul3A, %add3A_13 : vector<1250x128xf32>
    %max3A = arith.constant 0.000000e+00 : f32
    %max3A_15 = vector.broadcast %max3A : f32 to vector<1250x128xf32>
    %max3A_16 = arith.maximumf %add3A_14, %max3A_15 : vector<1250x128xf32>
    %get3A_17 = arith.constant 0 : index
    %get3A_18 = arith.constant 0 : index
    %get3A_19 = vector.load %arg4[%get3A_17, %get3A_18] : memref<128x128xf32, #tpu.memory_space<vmem>>, vector<128x128xf32>
    %dot_general3A = arith.constant dense<0.000000e+00> : vector<1250x128xf32>
    %dot_general3A_20 = tpu.matmul %max3A_16, %get3A_19, %dot_general3A {dimension_numbers = #tpu.dot_dimension_numbers<[1], [0], [0], [1], [0, 0, 1, 1], [], []>, transpose_lhs_hint = false} : vector<1250x128xf32>, vector<128x128xf32>, vector<1250x128xf32> -> vector<1250x128xf32>
    %mul3A_21 = arith.mulf %dot_general3A_20, %get3A_5 : vector<1250x128xf32>
    %swap3A = arith.constant 0 : index
    %swap3A_22 = arith.constant 0 : index
    %swap3A_23 = vector.load %arg5[%swap3A, %swap3A_22] : memref<1250x128xf32, #tpu.memory_space<vmem>>, vector<1250x128xf32>
    tpu.vector_store %arg5[%swap3A, %swap3A_22], %mul3A_21 {strides = array<i32>} : memref<1250x128xf32, #tpu.memory_space<vmem>>, vector<1250x128xf32>,
    return
  }
}

module attributes {stable_mosaic.version = 14 : i64} {
  func.func @_tc3_body(%arg0: memref<2560x128xf32, #tpu.memory_space<vmem>>, %arg1: memref<1250x128xf32, #tpu.memory_space<vmem>>, %arg2: memref<1250x128xf32, #tpu.memory_space<vmem>>, %arg3: memref<1x128xf32, #tpu.memory_space<vmem>>, %arg4: memref<1250x8xi32, #tpu.memory_space<vmem>>, %arg5: memref<16x16xf32, #tpu.memory_space<vmem>>, %arg6: memref<1x16xf32, #tpu.memory_space<vmem>>, %arg7: memref<16x2xf32, #tpu.memory_space<vmem>>, %arg8: memref<1x2xf32, #tpu.memory_space<vmem>>, %arg9: memref<128x2xf32, #tpu.memory_space<vmem>>) attributes {dimension_semantics = [], scalar_prefetch = 0 : i64, scratch_operands = 0 : i64, tpu.core_type = #tpu.core_type<tc>} {
    %get3A = arith.constant 0 : index
    %get3A_0 = arith.constant 0 : index
    %get3A_1 = vector.load %arg0[%get3A, %get3A_0] : memref<2560x128xf32, #tpu.memory_space<vmem>>, vector<2560x128xf32>
    %slice3A = vector.extract_strided_slice %get3A_1 {offsets = [0, 0], sizes = [1250, 128], strides = [1, 1]} : vector<2560x128xf32> to vector<1250x128xf32>
    %slice3A_2 = vector.extract_strided_slice %get3A_1 {offsets = [1280, 0], sizes = [1250, 128], strides = [1, 1]} : vector<2560x128xf32> to vector<1250x128xf32>
    %add3A = arith.addf %slice3A, %slice3A_2 : vector<1250x128xf32>
    %get3A_3 = arith.constant 0 : index
    %get3A_4 = arith.constant 0 : index
    %get3A_5 = vector.load %arg2[%get3A_3, %get3A_4] : memref<1250x128xf32, #tpu.memory_space<vmem>>, vector<1250x128xf32>
    %get3A_6 = arith.constant 0 : index
    %get3A_7 = arith.constant 0 : index
    %get3A_8 = vector.load %arg1[%get3A_6, %get3A_7] : memref<1250x128xf32, #tpu.memory_space<vmem>>, vector<1250x128xf32>
    %add3A_9 = arith.addf %add3A, %get3A_8 : vector<1250x128xf32>
    %mul3A = arith.mulf %get3A_5, %add3A_9 : vector<1250x128xf32>
    %get3A_10 = arith.constant 0 : index
    %get3A_11 = arith.constant 0 : index
    %get3A_12 = vector.load %arg3[%get3A_10, %get3A_11] : memref<1x128xf32, #tpu.memory_space<vmem>>, vector<1x128xf32>
    %add3A_13 = vector.broadcast %get3A_12 : vector<1x128xf32> to vector<1250x128xf32>
    %add3A_14 = arith.addf %mul3A, %add3A_13 : vector<1250x128xf32>
    %max3A = arith.constant 0.000000e+00 : f32
    %max3A_15 = vector.broadcast %max3A : f32 to vector<1250x128xf32>
    %max3A_16 = arith.maximumf %add3A_14, %max3A_15 : vector<1250x128xf32>
    %get3A_17 = arith.constant 0 : index
    %get3A_18 = arith.constant 0 : index
    %get3A_19 = vector.load %arg4[%get3A_17, %get3A_18] : memref<1250x8xi32, #tpu.memory_space<vmem>>, vector<1250x8xi32>
    %iota3A = tpu.iota {dimensions = array<i32: 1>} : vector<1250x128xi32>
    %broadcast_in_dim3A = arith.constant 1.000000e+00 : f32
    %broadcast_in_dim3A_20 = vector.broadcast %broadcast_in_dim3A : f32 to vector<1250x1xf32>
    %broadcast_in_dim3A_21 = arith.constant 0.000000e+00 : f32
    %broadcast_in_dim3A_22 = vector.broadcast %broadcast_in_dim3A_21 : f32 to vector<128x16xf32>
    %broadcast_in_dim3A_23 = arith.constant 0.000000e+00 : f32
    %broadcast_in_dim3A_24 = vector.broadcast %broadcast_in_dim3A_23 : f32 to vector<128x1xf32>
    %slice3A_25 = vector.extract_strided_slice %get3A_19 {offsets = [0, 0], sizes = [1250, 1], strides = [1, 1]} : vector<1250x8xi32> to vector<1250x1xi32>
    %eq3A = vector.broadcast %slice3A_25 : vector<1250x1xi32> to vector<1250x128xi32>
    %eq3A_26 = arith.cmpi eq, %eq3A, %iota3A : vector<1250x128xi32>
    %jit3A = arith.constant 1.000000e+00 : f32
    %jit3A_27 = arith.constant 0.000000e+00 : f32
    %broadcast_in_dim3A_28 = vector.broadcast %jit3A : f32 to vector<1250x128xf32>
    %broadcast_in_dim3A_29 = vector.broadcast %jit3A_27 : f32 to vector<1250x128xf32>
    %select_n3A = arith.select %eq3A_26, %broadcast_in_dim3A_28, %broadcast_in_dim3A_29 : vector<1250x128xi1>, vector<1250x128xf32>
    %slice3A_30 = vector.extract_strided_slice %max3A_16 {offsets = [0, 0], sizes = [1250, 16], strides = [1, 1]} : vector<1250x128xf32> to vector<1250x16xf32>
    %dot_general3A = arith.constant dense<0.000000e+00> : vector<128x16xf32>
    %dot_general3A_31 = tpu.matmul %select_n3A, %slice3A_30, %dot_general3A {dimension_numbers = #tpu.dot_dimension_numbers<[0], [0], [1], [1], [0, 1, 1, 1], [], []>, transpose_lhs_hint = false} : vector<1250x128xf32>, vector<1250x16xf32>, vector<128x16xf32> -> vector<128x16xf32>
    %add3A_32 = arith.addf %broadcast_in_dim3A_22, %dot_general3A_31 : vector<128x16xf32>
    %dot_general3A_33 = arith.constant dense<0.000000e+00> : vector<128x1xf32>
    %dot_general3A_34 = tpu.matmul %select_n3A, %broadcast_in_dim3A_20, %dot_general3A_33 {dimension_numbers = #tpu.dot_dimension_numbers<[0], [0], [1], [1], [0, 1, 1, 1], [], []>, transpose_lhs_hint = false} : vector<1250x128xf32>, vector<1250x1xf32>, vector<128x1xf32> -> vector<128x1xf32>
    %add3A_35 = arith.addf %broadcast_in_dim3A_24, %dot_general3A_34 : vector<128x1xf32>
    %slice3A_36 = vector.extract_strided_slice %get3A_19 {offsets = [0, 1], sizes = [1250, 1], strides = [1, 1]} : vector<1250x8xi32> to vector<1250x1xi32>
    %eq3A_37 = vector.broadcast %slice3A_36 : vector<1250x1xi32> to vector<1250x128xi32>
    %eq3A_38 = arith.cmpi eq, %eq3A_37, %iota3A : vector<1250x128xi32>
    %jit3A_39 = arith.constant 1.000000e+00 : f32
    %jit3A_40 = arith.constant 0.000000e+00 : f32
    %broadcast_in_dim3A_41 = vector.broadcast %jit3A_39 : f32 to vector<1250x128xf32>
    %broadcast_in_dim3A_42 = vector.broadcast %jit3A_40 : f32 to vector<1250x128xf32>
    %select_n3A_43 = arith.select %eq3A_38, %broadcast_in_dim3A_41, %broadcast_in_dim3A_42 : vector<1250x128xi1>, vector<1250x128xf32>
    %slice3A_44 = vector.extract_strided_slice %max3A_16 {offsets = [0, 16], sizes = [1250, 16], strides = [1, 1]} : vector<1250x128xf32> to vector<1250x16xf32>
    %dot_general3A_45 = arith.constant dense<0.000000e+00> : vector<128x16xf32>
    %dot_general3A_46 = tpu.matmul %select_n3A_43, %slice3A_44, %dot_general3A_45 {dimension_numbers = #tpu.dot_dimension_numbers<[0], [0], [1], [1], [0, 1, 1, 1], [], []>, transpose_lhs_hint = false} : vector<1250x128xf32>, vector<1250x16xf32>, vector<128x16xf32> -> vector<128x16xf32>
    %add3A_47 = arith.addf %add3A_32, %dot_general3A_46 : vector<128x16xf32>
    %dot_general3A_48 = arith.constant dense<0.000000e+00> : vector<128x1xf32>
    %dot_general3A_49 = tpu.matmul %select_n3A_43, %broadcast_in_dim3A_20, %dot_general3A_48 {dimension_numbers = #tpu.dot_dimension_numbers<[0], [0], [1], [1], [0, 1, 1, 1], [], []>, transpose_lhs_hint = false} : vector<1250x128xf32>, vector<1250x1xf32>, vector<128x1xf32> -> vector<128x1xf32>
    %add3A_50 = arith.addf %add3A_35, %dot_general3A_49 : vector<128x1xf32>
    %slice3A_51 = vector.extract_strided_slice %get3A_19 {offsets = [0, 2], sizes = [1250, 1], strides = [1, 1]} : vector<1250x8xi32> to vector<1250x1xi32>
    %eq3A_52 = vector.broadcast %slice3A_51 : vector<1250x1xi32> to vector<1250x128xi32>
    %eq3A_53 = arith.cmpi eq, %eq3A_52, %iota3A : vector<1250x128xi32>
    %jit3A_54 = arith.constant 1.000000e+00 : f32
    %jit3A_55 = arith.constant 0.000000e+00 : f32
    %broadcast_in_dim3A_56 = vector.broadcast %jit3A_54 : f32 to vector<1250x128xf32>
    %broadcast_in_dim3A_57 = vector.broadcast %jit3A_55 : f32 to vector<1250x128xf32>
    %select_n3A_58 = arith.select %eq3A_53, %broadcast_in_dim3A_56, %broadcast_in_dim3A_57 : vector<1250x128xi1>, vector<1250x128xf32>
    %slice3A_59 = vector.extract_strided_slice %max3A_16 {offsets = [0, 32], sizes = [1250, 16], strides = [1, 1]} : vector<1250x128xf32> to vector<1250x16xf32>
    %dot_general3A_60 = arith.constant dense<0.000000e+00> : vector<128x16xf32>
    %dot_general3A_61 = tpu.matmul %select_n3A_58, %slice3A_59, %dot_general3A_60 {dimension_numbers = #tpu.dot_dimension_numbers<[0], [0], [1], [1], [0, 1, 1, 1], [], []>, transpose_lhs_hint = false} : vector<1250x128xf32>, vector<1250x16xf32>, vector<128x16xf32> -> vector<128x16xf32>
    %add3A_62 = arith.addf %add3A_47, %dot_general3A_61 : vector<128x16xf32>
    %dot_general3A_63 = arith.constant dense<0.000000e+00> : vector<128x1xf32>
    %dot_general3A_64 = tpu.matmul %select_n3A_58, %broadcast_in_dim3A_20, %dot_general3A_63 {dimension_numbers = #tpu.dot_dimension_numbers<[0], [0], [1], [1], [0, 1, 1, 1], [], []>, transpose_lhs_hint = false} : vector<1250x128xf32>, vector<1250x1xf32>, vector<128x1xf32> -> vector<128x1xf32>
    %add3A_65 = arith.addf %add3A_50, %dot_general3A_64 : vector<128x1xf32>
    %slice3A_66 = vector.extract_strided_slice %get3A_19 {offsets = [0, 3], sizes = [1250, 1], strides = [1, 1]} : vector<1250x8xi32> to vector<1250x1xi32>
    %eq3A_67 = vector.broadcast %slice3A_66 : vector<1250x1xi32> to vector<1250x128xi32>
    %eq3A_68 = arith.cmpi eq, %eq3A_67, %iota3A : vector<1250x128xi32>
    %jit3A_69 = arith.constant 1.000000e+00 : f32
    %jit3A_70 = arith.constant 0.000000e+00 : f32
    %broadcast_in_dim3A_71 = vector.broadcast %jit3A_69 : f32 to vector<1250x128xf32>
    %broadcast_in_dim3A_72 = vector.broadcast %jit3A_70 : f32 to vector<1250x128xf32>
    %select_n3A_73 = arith.select %eq3A_68, %broadcast_in_dim3A_71, %broadcast_in_dim3A_72 : vector<1250x128xi1>, vector<1250x128xf32>
    %slice3A_74 = vector.extract_strided_slice %max3A_16 {offsets = [0, 48], sizes = [1250, 16], strides = [1, 1]} : vector<1250x128xf32> to vector<1250x16xf32>
    %dot_general3A_75 = arith.constant dense<0.000000e+00> : vector<128x16xf32>
    %dot_general3A_76 = tpu.matmul %select_n3A_73, %slice3A_74, %dot_general3A_75 {dimension_numbers = #tpu.dot_dimension_numbers<[0], [0], [1], [1], [0, 1, 1, 1], [], []>, transpose_lhs_hint = false} : vector<1250x128xf32>, vector<1250x16xf32>, vector<128x16xf32> -> vector<128x16xf32>
    %add3A_77 = arith.addf %add3A_62, %dot_general3A_76 : vector<128x16xf32>
    %dot_general3A_78 = arith.constant dense<0.000000e+00> : vector<128x1xf32>
    %dot_general3A_79 = tpu.matmul %select_n3A_73, %broadcast_in_dim3A_20, %dot_general3A_78 {dimension_numbers = #tpu.dot_dimension_numbers<[0], [0], [1], [1], [0, 1, 1, 1], [], []>, transpose_lhs_hint = false} : vector<1250x128xf32>, vector<1250x1xf32>, vector<128x1xf32> -> vector<128x1xf32>
    %add3A_80 = arith.addf %add3A_65, %dot_general3A_79 : vector<128x1xf32>
    %slice3A_81 = vector.extract_strided_slice %get3A_19 {offsets = [0, 4], sizes = [1250, 1], strides = [1, 1]} : vector<1250x8xi32> to vector<1250x1xi32>
    %eq3A_82 = vector.broadcast %slice3A_81 : vector<1250x1xi32> to vector<1250x128xi32>
    %eq3A_83 = arith.cmpi eq, %eq3A_82, %iota3A : vector<1250x128xi32>
    %jit3A_84 = arith.constant 1.000000e+00 : f32
    %jit3A_85 = arith.constant 0.000000e+00 : f32
    %broadcast_in_dim3A_86 = vector.broadcast %jit3A_84 : f32 to vector<1250x128xf32>
    %broadcast_in_dim3A_87 = vector.broadcast %jit3A_85 : f32 to vector<1250x128xf32>
    %select_n3A_88 = arith.select %eq3A_83, %broadcast_in_dim3A_86, %broadcast_in_dim3A_87 : vector<1250x128xi1>, vector<1250x128xf32>
    %slice3A_89 = vector.extract_strided_slice %max3A_16 {offsets = [0, 64], sizes = [1250, 16], strides = [1, 1]} : vector<1250x128xf32> to vector<1250x16xf32>
    %dot_general3A_90 = arith.constant dense<0.000000e+00> : vector<128x16xf32>
    %dot_general3A_91 = tpu.matmul %select_n3A_88, %slice3A_89, %dot_general3A_90 {dimension_numbers = #tpu.dot_dimension_numbers<[0], [0], [1], [1], [0, 1, 1, 1], [], []>, transpose_lhs_hint = false} : vector<1250x128xf32>, vector<1250x16xf32>, vector<128x16xf32> -> vector<128x16xf32>
    %add3A_92 = arith.addf %add3A_77, %dot_general3A_91 : vector<128x16xf32>
    %dot_general3A_93 = arith.constant dense<0.000000e+00> : vector<128x1xf32>
    %dot_general3A_94 = tpu.matmul %select_n3A_88, %broadcast_in_dim3A_20, %dot_general3A_93 {dimension_numbers = #tpu.dot_dimension_numbers<[0], [0], [1], [1], [0, 1, 1, 1], [], []>, transpose_lhs_hint = false} : vector<1250x128xf32>, vector<1250x1xf32>, vector<128x1xf32> -> vector<128x1xf32>
    %add3A_95 = arith.addf %add3A_80, %dot_general3A_94 : vector<128x1xf32>
    %slice3A_96 = vector.extract_strided_slice %get3A_19 {offsets = [0, 5], sizes = [1250, 1], strides = [1, 1]} : vector<1250x8xi32> to vector<1250x1xi32>
    %eq3A_97 = vector.broadcast %slice3A_96 : vector<1250x1xi32> to vector<1250x128xi32>
    %eq3A_98 = arith.cmpi eq, %eq3A_97, %iota3A : vector<1250x128xi32>
    %jit3A_99 = arith.constant 1.000000e+00 : f32
    %jit3A_100 = arith.constant 0.000000e+00 : f32
    %broadcast_in_dim3A_101 = vector.broadcast %jit3A_99 : f32 to vector<1250x128xf32>
    %broadcast_in_dim3A_102 = vector.broadcast %jit3A_100 : f32 to vector<1250x128xf32>
    %select_n3A_103 = arith.select %eq3A_98, %broadcast_in_dim3A_101, %broadcast_in_dim3A_102 : vector<1250x128xi1>, vector<1250x128xf32>
    %slice3A_104 = vector.extract_strided_slice %max3A_16 {offsets = [0, 80], sizes = [1250, 16], strides = [1, 1]} : vector<1250x128xf32> to vector<1250x16xf32>
    %dot_general3A_105 = arith.constant dense<0.000000e+00> : vector<128x16xf32>
    %dot_general3A_106 = tpu.matmul %select_n3A_103, %slice3A_104, %dot_general3A_105 {dimension_numbers = #tpu.dot_dimension_numbers<[0], [0], [1], [1], [0, 1, 1, 1], [], []>, transpose_lhs_hint = false} : vector<1250x128xf32>, vector<1250x16xf32>, vector<128x16xf32> -> vector<128x16xf32>
    %add3A_107 = arith.addf %add3A_92, %dot_general3A_106 : vector<128x16xf32>
    %dot_general3A_108 = arith.constant dense<0.000000e+00> : vector<128x1xf32>
    %dot_general3A_109 = tpu.matmul %select_n3A_103, %broadcast_in_dim3A_20, %dot_general3A_108 {dimension_numbers = #tpu.dot_dimension_numbers<[0], [0], [1], [1], [0, 1, 1, 1], [], []>, transpose_lhs_hint = false} : vector<1250x128xf32>, vector<1250x1xf32>, vector<128x1xf32> -> vector<128x1xf32>
    %add3A_110 = arith.addf %add3A_95, %dot_general3A_109 : vector<128x1xf32>
    %slice3A_111 = vector.extract_strided_slice %get3A_19 {offsets = [0, 6], sizes = [1250, 1], strides = [1, 1]} : vector<1250x8xi32> to vector<1250x1xi32>
    %eq3A_112 = vector.broadcast %slice3A_111 : vector<1250x1xi32> to vector<1250x128xi32>
    %eq3A_113 = arith.cmpi eq, %eq3A_112, %iota3A : vector<1250x128xi32>
    %jit3A_114 = arith.constant 1.000000e+00 : f32
    %jit3A_115 = arith.constant 0.000000e+00 : f32
    %broadcast_in_dim3A_116 = vector.broadcast %jit3A_114 : f32 to vector<1250x128xf32>
    %broadcast_in_dim3A_117 = vector.broadcast %jit3A_115 : f32 to vector<1250x128xf32>
    %select_n3A_118 = arith.select %eq3A_113, %broadcast_in_dim3A_116, %broadcast_in_dim3A_117 : vector<1250x128xi1>, vector<1250x128xf32>
    %slice3A_119 = vector.extract_strided_slice %max3A_16 {offsets = [0, 96], sizes = [1250, 16], strides = [1, 1]} : vector<1250x128xf32> to vector<1250x16xf32>
    %dot_general3A_120 = arith.constant dense<0.000000e+00> : vector<128x16xf32>
    %dot_general3A_121 = tpu.matmul %select_n3A_118, %slice3A_119, %dot_general3A_120 {dimension_numbers = #tpu.dot_dimension_numbers<[0], [0], [1], [1], [0, 1, 1, 1], [], []>, transpose_lhs_hint = false} : vector<1250x128xf32>, vector<1250x16xf32>, vector<128x16xf32> -> vector<128x16xf32>
    %add3A_122 = arith.addf %add3A_107, %dot_general3A_121 : vector<128x16xf32>
    %dot_general3A_123 = arith.constant dense<0.000000e+00> : vector<128x1xf32>
    %dot_general3A_124 = tpu.matmul %select_n3A_118, %broadcast_in_dim3A_20, %dot_general3A_123 {dimension_numbers = #tpu.dot_dimension_numbers<[0], [0], [1], [1], [0, 1, 1, 1], [], []>, transpose_lhs_hint = false} : vector<1250x128xf32>, vector<1250x1xf32>, vector<128x1xf32> -> vector<128x1xf32>
    %add3A_125 = arith.addf %add3A_110, %dot_general3A_124 : vector<128x1xf32>
    %slice3A_126 = vector.extract_strided_slice %get3A_19 {offsets = [0, 7], sizes = [1250, 1], strides = [1, 1]} : vector<1250x8xi32> to vector<1250x1xi32>
    %eq3A_127 = vector.broadcast %slice3A_126 : vector<1250x1xi32> to vector<1250x128xi32>
    %eq3A_128 = arith.cmpi eq, %eq3A_127, %iota3A : vector<1250x128xi32>
    %jit3A_129 = arith.constant 1.000000e+00 : f32
    %jit3A_130 = arith.constant 0.000000e+00 : f32
    %broadcast_in_dim3A_131 = vector.broadcast %jit3A_129 : f32 to vector<1250x128xf32>
    %broadcast_in_dim3A_132 = vector.broadcast %jit3A_130 : f32 to vector<1250x128xf32>
    %select_n3A_133 = arith.select %eq3A_128, %broadcast_in_dim3A_131, %broadcast_in_dim3A_132 : vector<1250x128xi1>, vector<1250x128xf32>
    %slice3A_134 = vector.extract_strided_slice %max3A_16 {offsets = [0, 112], sizes = [1250, 16], strides = [1, 1]} : vector<1250x128xf32> to vector<1250x16xf32>
    %dot_general3A_135 = arith.constant dense<0.000000e+00> : vector<128x16xf32>
    %dot_general3A_136 = tpu.matmul %select_n3A_133, %slice3A_134, %dot_general3A_135 {dimension_numbers = #tpu.dot_dimension_numbers<[0], [0], [1], [1], [0, 1, 1, 1], [], []>, transpose_lhs_hint = false} : vector<1250x128xf32>, vector<1250x16xf32>, vector<128x16xf32> -> vector<128x16xf32>
    %add3A_137 = arith.addf %add3A_122, %dot_general3A_136 : vector<128x16xf32>
    %dot_general3A_138 = arith.constant dense<0.000000e+00> : vector<128x1xf32>
    %dot_general3A_139 = tpu.matmul %select_n3A_133, %broadcast_in_dim3A_20, %dot_general3A_138 {dimension_numbers = #tpu.dot_dimension_numbers<[0], [0], [1], [1], [0, 1, 1, 1], [], []>, transpose_lhs_hint = false} : vector<1250x128xf32>, vector<1250x1xf32>, vector<128x1xf32> -> vector<128x1xf32>
    %add3A_140 = arith.addf %add3A_125, %dot_general3A_139 : vector<128x1xf32>
    %max3A_141 = arith.constant 1.000000e+00 : f32
    %max3A_142 = vector.broadcast %max3A_141 : f32 to vector<128x1xf32>
    %max3A_143 = arith.maximumf %add3A_140, %max3A_142 : vector<128x1xf32>
    %div3A = vector.broadcast %max3A_143 : vector<128x1xf32> to vector<128x16xf32>
    %div3A_144 = arith.divf %add3A_137, %div3A : vector<128x16xf32>
    %get3A_145 = arith.constant 0 : index
    %get3A_146 = arith.constant 0 : index
    %get3A_147 = vector.load %arg5[%get3A_145, %get3A_146] : memref<16x16xf32, #tpu.memory_space<vmem>>, vector<16x16xf32>
    %dot_general3A_148 = arith.constant dense<0.000000e+00> : vector<128x16xf32>
    %dot_general3A_149 = tpu.matmul %div3A_144, %get3A_147, %dot_general3A_148 {dimension_numbers = #tpu.dot_dimension_numbers<[1], [0], [0], [1], [0, 0, 1, 1], [], []>, transpose_lhs_hint = false} : vector<128x16xf32>, vector<16x16xf32>, vector<128x16xf32> -> vector<128x16xf32>
    %get3A_150 = arith.constant 0 : index
    %get3A_151 = arith.constant 0 : index
    %get3A_152 = vector.load %arg6[%get3A_150, %get3A_151] : memref<1x16xf32, #tpu.memory_space<vmem>>, vector<1x16xf32>
    %add3A_153 = vector.broadcast %get3A_152 : vector<1x16xf32> to vector<128x16xf32>
    %add3A_154 = arith.addf %dot_general3A_149, %add3A_153 : vector<128x16xf32>
    %max3A_155 = arith.constant 0.000000e+00 : f32
    %max3A_156 = vector.broadcast %max3A_155 : f32 to vector<128x16xf32>
    %max3A_157 = arith.maximumf %add3A_154, %max3A_156 : vector<128x16xf32>
    %get3A_158 = arith.constant 0 : index
    %get3A_159 = arith.constant 0 : index
    %get3A_160 = vector.load %arg7[%get3A_158, %get3A_159] : memref<16x2xf32, #tpu.memory_space<vmem>>, vector<16x2xf32>
    %dot_general3A_161 = arith.constant dense<0.000000e+00> : vector<128x2xf32>
    %dot_general3A_162 = tpu.matmul %max3A_157, %get3A_160, %dot_general3A_161 {dimension_numbers = #tpu.dot_dimension_numbers<[1], [0], [0], [1], [0, 0, 1, 1], [], []>, transpose_lhs_hint = false} : vector<128x16xf32>, vector<16x2xf32>, vector<128x2xf32> -> vector<128x2xf32>
    %get3A_163 = arith.constant 0 : index
    %get3A_164 = arith.constant 0 : index
    %get3A_165 = vector.load %arg8[%get3A_163, %get3A_164] : memref<1x2xf32, #tpu.memory_space<vmem>>, vector<1x2xf32>
    %add3A_166 = vector.broadcast %get3A_165 : vector<1x2xf32> to vector<128x2xf32>
    %add3A_167 = arith.addf %dot_general3A_162, %add3A_166 : vector<128x2xf32>
    %swap3A = arith.constant 0 : index
    %swap3A_168 = arith.constant 0 : index
    %swap3A_169 = vector.load %arg9[%swap3A, %swap3A_168] : memref<128x2xf32, #tpu.memory_space<vmem>>, vector<128x2xf32>
    tpu.vector_store %arg9[%swap3A, %swap3A_168], %add3A_167 {strides = array<i32>} : memref<128x2xf32, #tpu.memory_space<vmem>>, vector<128x2xf32>,
    return
  }
}

</mosaic_0001>

<sc_bundles>
// kernel: kernel.11.cloned.1.call-start
scs
__scs_entry_jumppad:
0x0: {  	(pc) =	sbr.rel $0x88, $3  }
0x1: {  	(tag) =	ssettag $0x0;
	lr =	simm.s32 $0x1  }
0x2: {  	[smem:$0x3F96] =	sst lr;
	_ =	strace $0xD0000000  }
0x3: {  	_ = 	snop  }
0x4: {  	_ = 	snop  }
0x5: {  	_ = 	snop  }
0x6: {  	_ = 	snop  }
0x7: {  	_ = 	snop  }
__scs_overlays_trampoline_lowered:
0x8: {  	[smem:$0x3FA5] =	sst s0  }
0x9: {  	[smem:$0x3FA6] =	sst s1  }
0xa: {  	[smem:$0x3FA7] =	sst s2  }
0xb: {  	[smem:$0x3FA8] =	sst s3  }
0xc: {  	[smem:$0x3FA9] =	sst s4  }
0xd: {  	[smem:$0x3FAA] =	sst s5  }
0xe: {  	[smem:$0x3FAB] =	sst s6  }
0xf: {  	[smem:$0x3FAC] =	sst s7  }
0x10: {  	[smem:$0x3FAD] =	sst s8  }
0x11: {  	[smem:$0x3FAE] =	sst s9;
	s0 =	simm.s32 @!p0 $0x0  }
0x12: {  	s1 =	sld [smem:$0x3F94];
	s0 =	simm.s32 @p0 $0x1  }
0x13: {  	[smem:$0x3FAF] =	sst s0;
	s0 =	simm.s32 @!p1 $0x0  }
0x14: {  	s2 =	sld [smem:$0x3F93];
	s0 =	simm.s32 @p1 $0x1  }
0x15: {  	[smem:$0x3FB0] =	sst s0;
	s0 =	simm.s32 @!p2 $0x0  }
0x16: {  	s3 =	sld [smem:$0x3FDB];
	s0 =	simm.s32 @p2 $0x1  }
0x17: {  	s4 =	simm.s32 $0x1BF5;
	[smem:$0x3FB2] =	sst s0  }
0x18: {  	s0 =	sld [smem:$0x3F95];
	_ =	swait.ge [sflag:s4], $0x0  }
0x19: {  	s7 =	sld [smem:$0x3F96]  }
0x1a: {  	s8 =	sadd.s32 $0xFFFFE003, lr  }
0x1b: {  	s9 =	sadd.s32 $0xFFFFFEF7, lr;
	s5 =	simm.s32 $0xFFFFFFFF;
	p2 =	slt.u32 s8, $0xFFFFF086  }
0x1c: {  	p1 =	slt.u32 s9, $0xF7A;
	s5 =	simm.s32 @!p2 $0x0  }
0x1d: {  	s5 =	simm.s32 @p1 $0x1;
	p0 =	seq.s32 s7, s2  }
0x1e: {  	s7 =	smul.u32 @!p0 $0xF7A, s2;
	p2 =	seq.s32 @!p0 s5, $0x0  }
0x1f: {  	s9 =	smul.u32 $0xF7A, s1;
	s8 =	simm.s32 @!p0 $0x1BF5;
	p2 =	por !p2, p0  }
0x20: {  	[sflag:s8] =	ssyncset.s32 @!p0 $0xFFFFF086;
	s6 =	sadd.s32 @!p0 s3, s7;
	s7 =	simm.s32 @!p0 $0x108  }
0x21: {  	s3 =	sadd.s32 s3, s9;
	s6 =	sadd.s32 @!p0 $0x88, s6;
	s7 =	simm.s32 @p2 $0x1082  }
0x22: {  	[simem:s7], [sflag:s8] =	dma.local @!p0 [hbm:s6], $0xF7A  }
0x23: {  	s9 =	sor.u32 $0xD0000000, s2;
	s6 =	simm.s32 $0x108;
	_ =	swait.ge @!p0 [sflag:s8], $0x0  }
0x24: {  	s3 =	sadd.s32 $0x88, s3;
	s6 =	simm.s32 @!p1 $0x1082;
	[sflag:s4] =	ssyncset.s32 $0xFFFFF086  }
0x25: {  	[simem:s6], [sflag:s4] =	dma.local [hbm:s3], $0xF7A  }
0x26: {  	[smem:$0x3F96] =	sst s1;
	(tag) =	ssettag s2;
	_ =	strace s9  }
0x27: {  	s1 =	sld [smem:$0x3FA6]  }
0x28: {  	s2 =	sld [smem:$0x3FA7]  }
0x29: {  	s4 =	sld [smem:$0x3FA9]  }
0x2a: {  	p0 =	seq.s32 s5, $0x0;
	s5 =	sld [smem:$0x3FAA]  }
0x2b: {  	s6 =	sld [smem:$0x3FAB]  }
0x2c: {  	s7 =	sld [smem:$0x3FAC]  }
0x2d: {  	s3 =	simm.s32 $0x108;
	s8 =	sld [smem:$0x3FAD]  }
0x2e: {  	s3 =	simm.s32 @!p0 $0x1082;
	s9 =	sld [smem:$0x3FAE]  }
0x2f: {  	lr =	sadd.s32 s0, s3;
	s0 =	sld [smem:$0x3FA5]  }
0x30: {  	s3 =	sld [smem:$0x3FA8]  }
0x31: {  	[smem:$0x3FB1] =	sst s10  }
0x32: {  	s10 =	sld [smem:$0x3FAF];
	_ =	sdelay $0x3  }
0x33: {  	p0 =	seq.s32 s10, $0x1;
	s10 =	sld [smem:$0x3FB1];
	_ =	sdelay $0x3  }
0x34: {  	[smem:$0x3FB1] =	sst s10  }
0x35: {  	s10 =	sld [smem:$0x3FB0];
	_ =	sdelay $0x3  }
0x36: {  	p1 =	seq.s32 s10, $0x1;
	s10 =	sld [smem:$0x3FB1];
	_ =	sdelay $0x3  }
0x37: {  	[smem:$0x3FB1] =	sst s10  }
0x38: {  	s10 =	sld [smem:$0x3FB2]  }
0x39: {  	_ = 	snop;
	(pc) =	sbr.ind lr, $3  }
0x3a: {  	_ = 	snop  }
0x3b: {  	_ = 	snop  }
0x3c: {  	p2 =	seq.s32 s10, $0x1;
	s10 =	sld [smem:$0x3FB1]  }
0x3d: {  	_ =	shalt  }
0x3e: {  	_ =	shalt  }
0x3f: {  	_ =	shalt  }
0x40: {  	_ =	shalt  }
0x41: {  	_ =	shalt  }
0x42: {  	_ =	shalt  }
0x43: {  	_ =	shalt  }
0x44: {  	_ =	shalt  }
0x45: {  	_ =	shalt  }
0x46: {  	_ =	shalt  }
0x47: {  	_ =	shalt  }
0x48: {  	_ =	shalt  }
0x49: {  	_ =	shalt  }
0x4a: {  	_ =	shalt  }
0x4b: {  	_ =	shalt  }
0x4c: {  	_ =	shalt  }
0x4d: {  	_ =	shalt  }
0x4e: {  	_ =	shalt  }
0x4f: {  	_ =	shalt  }
0x50: {  	_ =	shalt  }
0x51: {  	_ =	shalt  }
0x52: {  	_ =	shalt  }
0x53: {  	_ =	shalt  }
0x54: {  	_ =	shalt  }
0x55: {  	_ =	shalt  }
0x56: {  	_ =	shalt  }
0x57: {  	_ =	shalt  }
0x58: {  	_ =	shalt  }
0x59: {  	_ =	shalt  }
0x5a: {  	_ =	shalt  }
0x5b: {  	_ =	shalt  }
0x5c: {  	_ =	shalt  }
0x5d: {  	_ =	shalt  }
0x5e: {  	_ =	shalt  }
0x5f: {  	_ =	shalt  }
0x60: {  	_ =	shalt  }
0x61: {  	_ =	shalt  }
0x62: {  	_ =	shalt  }
0x63: {  	_ =	shalt  }
0x64: {  	_ =	shalt  }
0x65: {  	_ =	shalt  }
0x66: {  	_ =	shalt  }
0x67: {  	_ =	shalt  }
0x68: {  	_ =	shalt  }
0x69: {  	_ =	shalt  }
0x6a: {  	_ =	shalt  }
0x6b: {  	_ =	shalt  }
0x6c: {  	_ =	shalt  }
0x6d: {  	_ =	shalt  }
0x6e: {  	_ =	shalt  }
0x6f: {  	_ =	shalt  }
0x70: {  	_ =	shalt  }
0x71: {  	_ =	shalt  }
0x72: {  	_ =	shalt  }
0x73: {  	_ =	shalt  }
0x74: {  	_ =	shalt  }
0x75: {  	_ =	shalt  }
0x76: {  	_ =	shalt  }
0x77: {  	_ =	shalt  }
0x78: {  	_ =	shalt  }
0x79: {  	_ =	shalt  }
0x7a: {  	_ =	shalt  }
0x7b: {  	_ =	shalt  }
0x7c: {  	_ =	shalt  }
0x7d: {  	_ =	shalt  }
0x7e: {  	_ =	shalt  }
0x7f: {  	_ =	shalt  }
0x80: {  	_ =	shalt  }
0x81: {  	_ =	shalt  }
0x82: {  	_ =	shalt  }
0x83: {  	_ =	shalt  }
0x84: {  	_ =	shalt  }
0x85: {  	_ =	shalt  }
0x86: {  	_ =	shalt  }
0x87: {  	_ =	shalt  }
.Lfunc_end0:
.L_simem_size_0:
called_computation.1_lowered:
.L_overlay_start_0:
0x88: {  	s2 =	sld [smem:$0x3FD9]  }
0x89: {  	s3 =	sld [smem:$0x3FFE];
	_ =	sdelay $0x1  }
0x8a: {  	s1 =	srdreg.scid  }
0x8b: {  	s0 =	sand.u32 $0x1, s1  }
0x8c: {  	s16 =	sshll.u32 s0, $0xA;
	s2 =	sadd.s32 s3, s2  }
0x8d: {  	s2 =	sadd.s32 s2, s16  }
0x8e: {  	[smem:$0x3FBD] =	sst s2  }
0x8f: {  	_ = 	snop  }
0x90: {  	(tm) =	ssettm $0x1  }
0x91: {  	s17 =	sld [smem:$0x3FFB];
	_ =	sdelay $0x3  }
0x92: {  	_ =	strace s17  }
0x93: {  	s2 =	sld [smem:$0x3FFC];
	_ =	sdelay $0x3  }
0x94: {  	_ =	strace s2  }
0x95: {  	s2 =	sld [smem:$0x3FFD];
	_ =	sdelay $0x3  }
0x96: {  	_ =	strace s2  }
0x97: {  	_ =	strace $0x8FFFFFFF  }
0x98: {  	s18 =	sld [smem:$0x3FDB];
	_ =	sdelay $0x1  }
0x99: {  	s19 =	simm.s32 $_scs_section_size  }
0x9a: {  	s4 =	simm.s32 $_size__tile_overlayer_lowered;
	s5 =	simm.s32 $_tile_overlayer_lowered  }
0x9b: {  	s22 =	simm.s32 $0x1BFF;
	s21 =	sshll.u32 s5, $0x1;
	s2 =	sadd.s32 s19, s18  }
0x9c: {  	s6 =	simm.s32 $0x0;
	s20 =	sshll.u32 s4, $0x1;
	s4 =	sadd.s32 s21, s2  }
0x9d: {  	[timem:s6], [sflag:s22] =	dma.local [hbm:s4], s20  }
0x9e: {  	_ =	swait.ge [sflag:s22], s20  }
0x9f: {  	s3 =	ssub.s32 $0x0, s20;
	[sflag:s22] =	ssyncset.done $0x0  }
0xa0: {  	[sflag:s22] =	ssyncadd.s32 s3;
	_ =	sdelay $0x1  }
0xa1: {  	s23 =	simm.s32 $0x1B8B  }
0xa2: {  	_ =	swait.ge [sflag:s23], $0x1  }
0xa3: {  	[sflag:s23] =	ssyncset.done $0x0  }
0xa4: {  	s25 =	simm.s32 $0x1B8E;
	s24 =	sld [smem:$0x3FFE];
	[sflag:s23] =	ssyncadd.s32 $0xFFFFFFFF  }
0xa5: {  	s26 =	simm.s32 $execute0_lowered;
	[smem:$0x3FD2] =	sst s25  }
0xa6: {  	s4 =	sshll.u32 s26, $0x1;
	_ =	strace $0x80000049;
	[dreg:$0x1] =	wrdreg $0xFFFFFFFF  }
0xa7: {  	s28 =	simm.s32 $_size_execute0_lowered;
	s2 =	sadd.s32 s2, s4;
	[dreg:$0x0] =	wrdreg $0x0  }
0xa8: {  	s4 =	sshll.u32 s28, $0x1;
	[dreg:$0x2] =	wrdreg s2  }
0xa9: {  	[dreg:$0x3] =	wrdreg s4  }
0xaa: {  	[dreg:$0x4] =	wrdreg $0xC0  }
0xab: {  	_ =	task [dreg:s6], $0x5FFFF  }
0xac: {  	[dreg:$0x1] =	wrdreg $0xFFFFFFFF  }
0xad: {  	[dreg:$0x0] =	wrdreg $0x60  }
0xae: {  	[dreg:$0x2] =	wrdreg s24  }
0xaf: {  	[dreg:$0x3] =	wrdreg $0x118000  }
0xb0: {  	[dreg:$0x4] =	wrdreg $0x9  }
0xb1: {  	_ =	task.clear_ibuf [dreg:s6], $0x5FFFF;
	_ =	strace $0x90000049  }
0xb2: {  	s29 =	simm.s32 $0x9;
	_ =	strace $0x8000004B  }
0xb3: {  	_ =	swait.ge [sflag:s29], $0x1  }
0xb4: {  	[sflag:s29] =	ssyncadd.s32 $0xFFFFFFFF  }
0xb5: {  	_ =	strace $0x9000004B  }
0xb6: {  	_ =	sfence  }
0xb7: {  	s30 =	sld [smem:$0x0];
	_ =	sdelay $0x2  }
0xb8: {  	s31 =	sshll.u32 s1, $0xD;
	s1 =	sshrl.u32 s1, $0x2  }
0xb9: {  	s3 =	sand.u32 $0x4000, s31;
	s1 =	sadd.s32 s1, s30  }
0xba: {  	s0 =	sor.u32 s3, s0;
	s1 =	sshll.u32 s1, $0x11  }
0xbb: {  	s0 =	sor.u32 s1, s0  }
0xbc: {  	s0 =	sadd.s32 $0x8F2B, s0  }
0xbd: {  	[sflag:s0] =	ssyncadd.remote.s32 $0x1  }
0xbe: {  	_ =	sfence.sel $0xFFFF  }
0xbf: {  	[dreg:$0x0] =	wrdreg $0xFFFFFFFF;
	(pc) =	sbr.abs _section_cstart, $3  }
0xc0: {  	[dreg:$0x1] =	wrdreg $0xFFFFFFFF  }
0xc1: {  	_ =	task.clear_ibuf [dreg:s6], $0x2FFFF;
	_ =	strace $0x9FFFFFFF  }
0xc2: {  	(tm) =	ssettm $0x7FFFFFFF  }
0xc3: {  	_ =	shalt  }
tec
execute0_lowered:
.L_overlay_start_1:
0x0: {  	(tag) =	ssettag $0x1  }
0x1: {  	s11 =	stileid.u32  }
0x2: {  	s0 =	srdreg.scid;
	s12 =	rddreg [dreg:$0x0]  }
0x3: {  	s4 =	simm.s32 $0x0;
	s29 =	simm.s32 $0x3;
	s31 =	simm.s32 $0x100  }
0x4: {  	s28 =	simm.s32 $0x7000;
	s30 =	simm.s32 $0x8000;
	s1 =	smul.u32 $0x7, s11  }
0x5: {  	s0 =	sand.u32 $0x1, s0;
	s3 =	smin.u32 s11, $0xD;
	s7 =	smul.u32 $0x2800, s11  }
0x6: {  	[smem:$0x7FF] =	sst s4;
	s4 =	sadd.s32 $0x16A00, s12;
	s5 =	smul.u32 $0x28000, s0  }
0x7: {  	p0 =	seq.s32 s0, $0x0;
	s0 =	ssub.s32 $0x2, s0;
	s2 =	sadd.s32 $0x7D, s1  }
0x8: {  	s10 =	sshrl.u32 s0, $0x1;
	s2 =	smov.u32 @p0 s1;
	s5 =	sadd.s32 s7, s5  }
0x9: {  	s0 =	ssub.s32 s0, s10;
	p0 =	slt.u32 s11, $0xD;
	s10 =	simm.s32 $0x7  }
0xa: {  	s3 =	sadd.s32 s3, s2;
	s2 =	rddreg [dreg:$0x1];
	_ =	strace $0x8000004A  }
0xb: {  	s5 =	sshrl.u32 s5, $0x3;
	s10 =	simm.s32 @!p0 $0x6;
	s0 =	smax.u32 s0, $0x1  }
0xc: {  	s6 =	smul.u32 $0x5, s3;
	s1 =	sadd.s32 s5, s12;
	[dreg:$0x3] =	wrdreg s10  }
0xd: {  	s5 =	simm.s32 $0x8;
	[dreg:$0xb] =	wrdreg s0;
	s21 =	smul.u32 $0x1400, s3  }
0xe: {  	s3 =	simm.s32 $0x9000;
	s10 =	simm.s32 $0x0;
	s8 =	smin.u32 s6, $0x4BA  }
0xf: {  	s5 =	simm.s32 @!p0 $0x7;
	s1 =	sadd.s32 $0x1BA00, s1;
	s9 =	sshll.u32 s8, $0x5  }
0x10: {  	[dreg:$0xa] =	wrdreg s1;
	s13 =	ssub.s32 s6, s8;
	s9 =	sadd.s32 s9, s12  }
0x11: {  	s14 =	sshll.u32 s13, $0xA;
	s15 =	sadd.s32 $0x3000, s9;
	s9 =	sadd.s32 $0xCC40, s9  }
0x12: {  	s6 =	sadd.s32 s7, s2;
	[dreg:$0x5] =	wrdreg s9;
	s9 =	sshra.s32 s14, $0x2  }
0x13: {  	s23 =	sshll.u32 s8, $0xA;
	[dreg:$0x4] =	wrdreg s15;
	s16 =	sadd.s32 $0x100, s9  }
0x14: {  	s7 =	simm.s32 $0x2;
	s17 =	sadd.s32 $0x200, s9;
	[dreg:$0x6] =	wrdreg s16  }
0x15: {  	s8 =	simm.s32 $0x1;
	s18 =	sadd.s32 $0x300, s9;
	[dreg:$0x7] =	wrdreg s17  }
0x16: {  	s20 =	sadd.s32 $0x1400, s14;
	s19 =	sadd.s32 $0x400, s9;
	[dreg:$0x8] =	wrdreg s18  }
0x17: {  	s26 =	sadd.s32 $0x2800, s9;
	[dreg:$0x9] =	wrdreg s19;
	s16 =	sshra.s32 s20, $0x2  }
0x18: {  	s0 =	ssub.s32 s21, s23;
	[dreg:$0x10] =	wrdreg s26;
	s1 =	sadd.s32 $0x100, s16  }
0x19: {  	s0 =	sadd.s32 $0xC400, s0;
	s22 =	sadd.s32 $0x200, s16;
	[dreg:$0xc] =	wrdreg s1  }
0x1a: {  	s13 =	sshra.s32 s0, $0x2;
	s24 =	sadd.s32 $0x300, s16;
	[dreg:$0xd] =	wrdreg s22  }
0x1b: {  	s0 =	simm.s32 $0x6000;
	s25 =	sadd.s32 $0x400, s16;
	[dreg:$0xe] =	wrdreg s24  }
0x1c: {  	s23 =	sadd.s32 $0x2A00, s9;
	s26 =	sadd.s32 $0x2C00, s9;
	[dreg:$0xf] =	wrdreg s25  }
0x1d: {  	v0 =	vimm.f32 $0.0e+00;
	s22 =	sadd.s32 $0x2900, s9;
	s24 =	sadd.s32 $0x2B00, s9;
	s1 =	simm.s32 $0x5000  }
.LBB2_1:
0x1e: {  	s11 =	simm.s32 $0x40;
	s12 =	simm.s32 $0x0  }
.LBB2_2:
0x1f: {  	p0 =	sne.s32 s11, $0x9FC0;
	[tilespmem:s12+$0xF000] =	vst v0;
	s12 =	smov.u32 s11;
	s11 =	sadd.s32 $0x40, s11  }
.Ltmp0:
0x20: {  	(pc) =	sbr.rel @p0 .LBB2_2-.Ltmp0, $2  }
0x21: {  	_ =	sdelay $0x2  }
0x22: {  	s12 =	sshra.s32 s12, $0x2  }
0x23: {  	[tilespmem:s12+$0xF000] =	vst v0;
	s11 =	simm.s32 $0xF000  }
0x24: {  	[spmem:s6] =	stream.linear.scatter [tilespmem:s11], [sflag:$0x3], $0x2800, $0x38;
	[tilespmem:$0x14000] =	vst v63  }
0x25: {  	_ =	swait.ge [sflag:s29], $0x2800  }
0x26: {  	[sflag:s29] =	ssyncset.done $0x0  }
0x27: {  	[sflag:s29] =	ssyncadd.s32 $0xFFFFD800  }
0x28: {  	[bflag:$0x0] =	sbarrier.arrive $0xFFFF  }
0x29: {  	s20 =	simm.s32 $0x0;
	s21 =	rddreg [dreg:$0x4]  }
0x2a: {  	[tilespmem:s20], [sflag:$0x3] =	stream.linear.gather [hbm4b:s21+s20], $0x2800, $0x38;
	[tilespmem:$0x14000] =	vst v63  }
0x2b: {  	_ =	swait.ge [sflag:s29], $0x2800  }
0x2c: {  	[sflag:s29] =	ssyncset.done $0x0  }
0x2d: {  	s14 =	simm.s32 $0x2800;
	s25 =	rddreg [dreg:$0x5];
	[sflag:s29] =	ssyncadd.s32 $0xFFFFD800  }
0x2e: {  	[tilespmem:s14], [sflag:$0x3] =	stream.linear.gather [hbm4b:s25+s20], $0x2800, $0x38;
	[tilespmem:$0x14000] =	vst v63  }
0x2f: {  	_ =	swait.ge [sflag:s29], $0x2800  }
0x30: {  	[sflag:s29] =	ssyncset.done $0x0  }
0x31: {  	[sflag:s29] =	ssyncadd.s32 $0xFFFFD800  }
0x32: {  	[tilespmem:s1], [sflag:$0x1] =	stream.indirect.gather [hbm4b:s4+s31], $0x10, s9, s31, $0xb8;
	[tilespmem:$0x14000] =	vst v63  }
0x33: {  	s15 =	rddreg [dreg:$0x6]  }
0x34: {  	[tilespmem:s0], [sflag:$0x1] =	stream.indirect.gather [hbm4b:s4+s31], $0x10, s15, s31, $0xb8;
	[tilespmem:$0x14000] =	vst v63  }
0x35: {  	s17 =	rddreg [dreg:$0x7]  }
0x36: {  	[tilespmem:s28], [sflag:$0x1] =	stream.indirect.gather [hbm4b:s4+s31], $0x10, s17, s31, $0xb8;
	[tilespmem:$0x14000] =	vst v63  }
0x37: {  	s18 =	rddreg [dreg:$0x8]  }
0x38: {  	[tilespmem:s30], [sflag:$0x1] =	stream.indirect.gather [hbm4b:s4+s31], $0x10, s18, s31, $0xb8;
	[tilespmem:$0x14000] =	vst v63  }
0x39: {  	s19 =	rddreg [dreg:$0x9]  }
0x3a: {  	[tilespmem:s3], [sflag:$0x1] =	stream.indirect.gather [hbm4b:s4+s31], $0x10, s19, s31, $0xb8;
	[tilespmem:$0x14000] =	vst v63  }
0x3b: {  	s20 =	simm.s32 $0xA000  }
0x3c: {  	[tilespmem:s20], [sflag:$0x1] =	stream.indirect.gather [hbm4b:s4+s31], $0x10, s16, s31, $0xb8;
	[tilespmem:$0x14000] =	vst v63  }
0x3d: {  	s25 =	simm.s32 $0xB000;
	s21 =	rddreg [dreg:$0xc]  }
0x3e: {  	[tilespmem:s25], [sflag:$0x1] =	stream.indirect.gather [hbm4b:s4+s31], $0x10, s21, s31, $0xb8;
	[tilespmem:$0x14000] =	vst v63  }
0x3f: {  	s14 =	rddreg [dreg:$0xd];
	s15 =	simm.s32 $0xC000  }
0x40: {  	[tilespmem:s15], [sflag:$0x1] =	stream.indirect.gather [hbm4b:s4+s31], $0x10, s14, s31, $0xb8;
	[tilespmem:$0x14000] =	vst v63  }
0x41: {  	s17 =	rddreg [dreg:$0xe];
	s18 =	simm.s32 $0xD000  }
0x42: {  	[tilespmem:s18], [sflag:$0x1] =	stream.indirect.gather [hbm4b:s4+s31], $0x10, s17, s31, $0xb8;
	[tilespmem:$0x14000] =	vst v63  }
0x43: {  	s19 =	rddreg [dreg:$0xf];
	s20 =	simm.s32 $0xE000;
	s21 =	simm.s32 $0x1  }
0x44: {  	[tilespmem:s20], [sflag:$0x1] =	stream.indirect.gather [hbm4b:s4+s31], $0x10, s19, s31, $0xb8;
	[tilespmem:$0x14000] =	vst v63  }
0x45: {  	_ =	swait.ge [sflag:s21], $0x5000  }
0x46: {  	[sflag:s21] =	ssyncset.done $0x0  }
0x47: {  	s25 =	rddreg [dreg:$0x10];
	[sflag:s21] =	ssyncadd.s32 $0xFFFFB000  }
0x48: {  	[spmem:s2] =	stream.indirect.scatter.add.f32 [tilespmem:s1], [sflag:$0x2], $0x10, s25, s31, $0xb8;
	[tilespmem:$0x14000] =	vst v63  }
0x49: {  	_ = 	snop  }
0x4a: {  	[spmem:s2] =	stream.indirect.scatter.add.f32 [tilespmem:s0], [sflag:$0x2], $0x10, s22, s31, $0xb8;
	[tilespmem:$0x14000] =	vst v63  }
0x4b: {  	_ = 	snop  }
0x4c: {  	[spmem:s2] =	stream.indirect.scatter.add.f32 [tilespmem:s28], [sflag:$0x2], $0x10, s23, s31, $0xb8;
	[tilespmem:$0x14000] =	vst v63  }
0x4d: {  	_ = 	snop  }
0x4e: {  	[spmem:s2] =	stream.indirect.scatter.add.f32 [tilespmem:s30], [sflag:$0x2], $0x10, s24, s31, $0xb8;
	[tilespmem:$0x14000] =	vst v63  }
0x4f: {  	_ = 	snop  }
0x50: {  	[spmem:s2] =	stream.indirect.scatter.add.f32 [tilespmem:s3], [sflag:$0x2], $0x10, s26, s31, $0xb8;
	[tilespmem:$0x14000] =	vst v63  }
0x51: {  	_ =	swait.ge [sflag:s7], $0x5000  }
0x52: {  	s14 =	rddreg [dreg:$0x3]  }
0x53: {  	s11 =	sand.u32 $0x1, s21;
	p0 =	sle.u32 s14, $0x1  }
0x54: {  	s12 =	sxor.u32 @!p0 $0x1, s11  }
0x55: {  	s12 =	smul.u32 @!p0 $0x14000, s12  }
0x56: {  	[sflag:s7] =	ssyncset.done $0x0  }
0x57: {  	[sflag:s7] =	ssyncadd.s32 $0xFFFFB000;
	s12 =	sshrl.u32 @!p0 s12, $0x2  }
0x58: {  	s14 =	sadd.s32 @!p0 $0xFFFFD900, s13;
	s25 =	simm.s32 @!p0 $0x100;
	s15 =	sadd.s32 @!p0 $0x5000, s12  }
0x59: {  	[tilespmem:s15], [sflag:$0x1] =	stream.indirect.gather @!p0 [hbm4b:s4+s25], $0x10, s14, s25, $0xb8;
	[tilespmem:$0x14000] =	vst v63  }
0x5a: {  	s14 =	sadd.s32 @!p0 $0x6000, s12;
	s15 =	sadd.s32 @!p0 $0xFFFFDA00, s13  }
0x5b: {  	[tilespmem:s14], [sflag:$0x1] =	stream.indirect.gather @!p0 [hbm4b:s4+s25], $0x10, s15, s25, $0xb8;
	[tilespmem:$0x14000] =	vst v63  }
0x5c: {  	s14 =	sadd.s32 @!p0 $0x7000, s12;
	s15 =	sadd.s32 @!p0 $0xFFFFDB00, s13  }
0x5d: {  	[tilespmem:s14], [sflag:$0x1] =	stream.indirect.gather @!p0 [hbm4b:s4+s25], $0x10, s15, s25, $0xb8;
	[tilespmem:$0x14000] =	vst v63  }
0x5e: {  	s14 =	sor.u32 @!p0 $0x8000, s12;
	s15 =	sadd.s32 @!p0 $0xFFFFDC00, s13  }
0x5f: {  	[tilespmem:s14], [sflag:$0x1] =	stream.indirect.gather @!p0 [hbm4b:s4+s25], $0x10, s15, s25, $0xb8;
	[tilespmem:$0x14000] =	vst v63  }
0x60: {  	s11 =	smul.u32 $0x14000, s11;
	s12 =	sadd.s32 @!p0 $0x9000, s12;
	s14 =	sadd.s32 @!p0 $0xFFFFDD00, s13  }
0x61: {  	[tilespmem:s12], [sflag:$0x1] =	stream.indirect.gather @!p0 [hbm4b:s4+s25], $0x10, s14, s25, $0xb8;
	[tilespmem:$0x14000] =	vst v63  }
0x62: {  	_ =	swait.ge [sflag:s8], $0x5000  }
0x63: {  	s12 =	sshrl.u32 s11, $0x2;
	[sflag:s8] =	ssyncset.done $0x0  }
0x64: {  	s15 =	sadd.s32 $0xFFFFFC00, s13;
	s11 =	sadd.s32 $0x5000, s12;
	[sflag:s8] =	ssyncadd.s32 $0xFFFFB000  }
0x65: {  	[spmem:s2] =	stream.indirect.scatter.add.f32 [tilespmem:s11], [sflag:$0x2], $0x10, s15, s31, $0xb8;
	[tilespmem:$0x14000] =	vst v63  }
0x66: {  	s18 =	sadd.s32 $0xFFFFFD00, s13;
	p0 =	sne.s32 s5, $0x2;
	s17 =	sadd.s32 $0x6000, s12  }
0x67: {  	[spmem:s2] =	stream.indirect.scatter.add.f32 [tilespmem:s17], [sflag:$0x2], $0x10, s18, s31, $0xb8;
	[tilespmem:$0x14000] =	vst v63  }
.Ltmp1:
0x68: {  	s20 =	sadd.s32 $0xFFFFFE00, s13;
	s19 =	sadd.s32 $0x7000, s12;
	(pc) =	sbr.rel @!p0 .LBB2_5-.Ltmp1, $4  }
0x69: {  	[spmem:s2] =	stream.indirect.scatter.add.f32 [tilespmem:s19], [sflag:$0x2], $0x10, s20, s31, $0xb8;
	[tilespmem:$0x14000] =	vst v63  }
0x6a: {  	s25 =	sadd.s32 $0xFFFFFF00, s13;
	s21 =	sor.u32 $0x8000, s12;
	s14 =	sadd.s32 $0x9000, s12  }
0x6b: {  	[spmem:s2] =	stream.indirect.scatter.add.f32 [tilespmem:s21], [sflag:$0x2], $0x10, s25, s31, $0xb8;
	[tilespmem:$0x14000] =	vst v63  }
0x6c: {  	s12 =	sadd.s32 $0x500, s13;
	s11 =	simm.s32 $0x2;
	s25 =	smov.u32 s13  }
.LBB2_4:
0x6d: {  	[spmem:s2] =	stream.indirect.scatter.add.f32 [tilespmem:s14], [sflag:$0x2], $0x10, s25, s31, $0xb8;
	[tilespmem:$0x14000] =	vst v63  }
0x6e: {  	_ =	swait.ge [sflag:s7], $0x5000  }
0x6f: {  	s20 =	smov.u32 s11;
	s15 =	rddreg [dreg:$0x3]  }
0x70: {  	s17 =	sand.u32 $0x1, s20;
	p1 =	sge.u32 s20, s15  }
0x71: {  	s14 =	sxor.u32 @!p1 $0x1, s17  }
0x72: {  	s14 =	smul.u32 @!p1 $0x14000, s14  }
0x73: {  	[sflag:s7] =	ssyncset.done $0x0  }
0x74: {  	s21 =	smul.u32 $0x14000, s17;
	[sflag:s7] =	ssyncadd.s32 $0xFFFFB000;
	s14 =	sshrl.u32 @!p1 s14, $0x2  }
0x75: {  	s17 =	sadd.s32 @!p1 $0xFFFFD900, s12;
	s18 =	simm.s32 @!p1 $0x100;
	s19 =	sadd.s32 @!p1 $0x5000, s14  }
0x76: {  	[tilespmem:s19], [sflag:$0x1] =	stream.indirect.gather @!p1 [hbm4b:s4+s18], $0x10, s17, s18, $0xb8;
	[tilespmem:$0x14000] =	vst v63  }
0x77: {  	s20 =	sadd.s32 @!p1 $0x6000, s14;
	s17 =	sadd.s32 @!p1 $0xFFFFDA00, s12  }
0x78: {  	[tilespmem:s20], [sflag:$0x1] =	stream.indirect.gather @!p1 [hbm4b:s4+s18], $0x10, s17, s18, $0xb8;
	[tilespmem:$0x14000] =	vst v63  }
0x79: {  	s19 =	sadd.s32 @!p1 $0x7000, s14;
	s17 =	sadd.s32 @!p1 $0xFFFFDB00, s12  }
0x7a: {  	[tilespmem:s19], [sflag:$0x1] =	stream.indirect.gather @!p1 [hbm4b:s4+s18], $0x10, s17, s18, $0xb8;
	[tilespmem:$0x14000] =	vst v63  }
0x7b: {  	s15 =	sshrl.u32 s21, $0x2;
	s21 =	sor.u32 @!p1 $0x8000, s14;
	s17 =	sadd.s32 @!p1 $0xFFFFDC00, s12  }
0x7c: {  	[tilespmem:s21], [sflag:$0x1] =	stream.indirect.gather @!p1 [hbm4b:s4+s18], $0x10, s17, s18, $0xb8;
	[tilespmem:$0x14000] =	vst v63  }
0x7d: {  	s14 =	sadd.s32 @!p1 $0x9000, s14;
	s17 =	sadd.s32 @!p1 $0xFFFFDD00, s12  }
0x7e: {  	[tilespmem:s14], [sflag:$0x1] =	stream.indirect.gather @!p1 [hbm4b:s4+s18], $0x10, s17, s18, $0xb8;
	[tilespmem:$0x14000] =	vst v63  }
0x7f: {  	_ =	swait.ge [sflag:s8], $0x5000  }
0x80: {  	s11 =	sadd.s32 $0x1, s11;
	[sflag:s8] =	ssyncset.done $0x0  }
0x81: {  	s19 =	sadd.s32 $0xFFFFFC00, s12;
	s18 =	sadd.s32 $0x5000, s15;
	[sflag:s8] =	ssyncadd.s32 $0xFFFFB000  }
0x82: {  	[spmem:s2] =	stream.indirect.scatter.add.f32 [tilespmem:s18], [sflag:$0x2], $0x10, s19, s31, $0xb8;
	[tilespmem:$0x14000] =	vst v63  }
0x83: {  	p0 =	sne.s32 s5, s11;
	s20 =	sadd.s32 $0x6000, s15;
	s21 =	sadd.s32 $0xFFFFFD00, s12  }
0x84: {  	[spmem:s2] =	stream.indirect.scatter.add.f32 [tilespmem:s20], [sflag:$0x2], $0x10, s21, s31, $0xb8;
	[tilespmem:$0x14000] =	vst v63  }
.Ltmp2:
0x85: {  	s25 =	smov.u32 s12;
	(pc) =	sbr.rel @p0 .LBB2_4-.Ltmp2, $4  }
0x86: {  	s14 =	sadd.s32 $0x9000, s15;
	s18 =	sadd.s32 $0x7000, s15;
	s19 =	sadd.s32 $0xFFFFFE00, s12  }
0x87: {  	[spmem:s2] =	stream.indirect.scatter.add.f32 [tilespmem:s18], [sflag:$0x2], $0x10, s19, s31, $0xb8;
	[tilespmem:$0x14000] =	vst v63  }
0x88: {  	s20 =	sor.u32 $0x8000, s15;
	s21 =	sadd.s32 $0xFFFFFF00, s12;
	s12 =	sadd.s32 $0x500, s12  }
0x89: {  	[spmem:s2] =	stream.indirect.scatter.add.f32 [tilespmem:s20], [sflag:$0x2], $0x10, s21, s31, $0xb8;
	[tilespmem:$0x14000] =	vst v63  }
.LBB2_5:
0x8a: {  	[spmem:s2] =	stream.indirect.scatter.add.f32 [tilespmem:s14], [sflag:$0x2], $0x10, s25, s31, $0xb8;
	[tilespmem:$0x14000] =	vst v63  }
0x8b: {  	_ =	swait.ge [sflag:s7], $0x5000  }
0x8c: {  	[sflag:s7] =	ssyncset.done $0x0  }
0x8d: {  	s11 =	stileid.u32;
	[sflag:s7] =	ssyncadd.s32 $0xFFFFB000  }
0x8e: {  	s11 =	sshll.u32 s11, $0x6;
	[bflag:$0x0] =	sbarrier.arrive $0xFFFF  }
0x8f: {  	s12 =	sshrl.u32 s6, $0x3;
	s11 =	sor.u32 $0x1C03, s11;
	s21 =	rddreg [dreg:$0xa]  }
0x90: {  	[hbm:s21], [sflag:s11] =	dma.local [spmem:s12], $0x500  }
0x91: {  	_ =	swait.ge [sflag:s29], $0x500  }
0x92: {  	s10 =	sadd.s32 $0x1, s10;
	s25 =	rddreg [dreg:$0xb]  }
0x93: {  	p0 =	sne.s32 s10, s25  }
.Ltmp3:
0x94: {  	_ = 	snop;
	(pc) =	sbr.rel @p0 .LBB2_1-.Ltmp3, $3  }
0x95: {  	_ =	sdelay $0x1  }
0x96: {  	[sflag:s29] =	ssyncset.done $0x0  }
0x97: {  	[sflag:s29] =	ssyncadd.s32 $0xFFFFFB00  }
0x98: {  	_ =	sfence.sel $0x180000  }
0x99: {  	[bflag:$0x0] =	sbarrier.arrive $0xFFFF  }
0x9a: {  	_ =	strace $0x9000004A  }
0x9b: {  	s0 =	stileid.u32;
	[bflag:$0x2] =	sbarrier.arrive $0xFFFF  }
0x9c: {  	p0 =	sne.s32 s0, $0x0;
	s0 =	rddreg [dreg:$0x2]  }
0x9d: {  	s0 =	sadd.s32 @!p0 $0x100000, s0  }
0x9e: {  	[sflag:s0] =	ssyncadd.tile.s32 @!p0 $0x1;
	_ =	shalt  }
.Lfunc_end2:
_tile_overlayer_lowered:
.L_overlay_start_2:
0x9f: {  	(tag) =	ssettag $0x2  }
0xa0: {  	s0 =	rddreg [dreg:$0x0];
	s2 =	stileid.u32  }
0xa1: {  	s1 =	rddreg [dreg:$0x1];
	p0 =	sne.s32 s2, $0x0  }
0xa2: {  	s3 =	rddreg [dreg:$0x2];
	[bflag:$0x3] =	sbarrier.arrive $0xFFFF;
	s2 =	simm.s32 @!p0 $0x1C03  }
0xa3: {  	[timem:s3], [sflag:s2] =	dma.local @!p0 [hbm:s0], s1  }
0xa4: {  	s0 =	simm.s32 @!p0 $0x3  }
0xa5: {  	_ =	swait.ge @!p0 [sflag:s0], s1  }
0xa6: {  	s1 =	ssub.s32 @!p0 $0x0, s1;
	[sflag:s0] =	ssyncset.done @!p0 $0x0  }
0xa7: {  	[sflag:s0] =	ssyncadd.s32 @!p0 s1  }
0xa8: {  	[bflag:$0x3] =	sbarrier.arrive $0xFFFF  }
0xa9: {  	_ =	shalt  }

// kernel: kernel.14.cloned.1.call-start
scs
__scs_entry_jumppad:
0x0: {  	(pc) =	sbr.rel $0x88, $3  }
0x1: {  	(tag) =	ssettag $0x0;
	lr =	simm.s32 $0x1  }
0x2: {  	[smem:$0x3F96] =	sst lr;
	_ =	strace $0xD0000000  }
0x3: {  	_ = 	snop  }
0x4: {  	_ = 	snop  }
0x5: {  	_ = 	snop  }
0x6: {  	_ = 	snop  }
0x7: {  	_ = 	snop  }
__scs_overlays_trampoline_lowered:
0x8: {  	[smem:$0x3FA5] =	sst s0  }
0x9: {  	[smem:$0x3FA6] =	sst s1  }
0xa: {  	[smem:$0x3FA7] =	sst s2  }
0xb: {  	[smem:$0x3FA8] =	sst s3  }
0xc: {  	[smem:$0x3FA9] =	sst s4  }
0xd: {  	[smem:$0x3FAA] =	sst s5  }
0xe: {  	[smem:$0x3FAB] =	sst s6  }
0xf: {  	[smem:$0x3FAC] =	sst s7  }
0x10: {  	[smem:$0x3FAD] =	sst s8  }
0x11: {  	[smem:$0x3FAE] =	sst s9;
	s0 =	simm.s32 @!p0 $0x0  }
0x12: {  	s1 =	sld [smem:$0x3F94];
	s0 =	simm.s32 @p0 $0x1  }
0x13: {  	[smem:$0x3FAF] =	sst s0;
	s0 =	simm.s32 @!p1 $0x0  }
0x14: {  	s2 =	sld [smem:$0x3F93];
	s0 =	simm.s32 @p1 $0x1  }
0x15: {  	[smem:$0x3FB0] =	sst s0;
	s0 =	simm.s32 @!p2 $0x0  }
0x16: {  	s3 =	sld [smem:$0x3FDB];
	s0 =	simm.s32 @p2 $0x1  }
0x17: {  	s4 =	simm.s32 $0x1BF5;
	[smem:$0x3FB2] =	sst s0  }
0x18: {  	s0 =	sld [smem:$0x3F95];
	_ =	swait.ge [sflag:s4], $0x0  }
0x19: {  	s7 =	sld [smem:$0x3F96]  }
0x1a: {  	s8 =	sadd.s32 $0xFFFFE003, lr  }
0x1b: {  	s9 =	sadd.s32 $0xFFFFFEF7, lr;
	s5 =	simm.s32 $0xFFFFFFFF;
	p2 =	slt.u32 s8, $0xFFFFF086  }
0x1c: {  	p1 =	slt.u32 s9, $0xF7A;
	s5 =	simm.s32 @!p2 $0x0  }
0x1d: {  	s5 =	simm.s32 @p1 $0x1;
	p0 =	seq.s32 s7, s2  }
0x1e: {  	s7 =	smul.u32 @!p0 $0xF7A, s2;
	p2 =	seq.s32 @!p0 s5, $0x0  }
0x1f: {  	s9 =	smul.u32 $0xF7A, s1;
	s8 =	simm.s32 @!p0 $0x1BF5;
	p2 =	por !p2, p0  }
0x20: {  	[sflag:s8] =	ssyncset.s32 @!p0 $0xFFFFF086;
	s6 =	sadd.s32 @!p0 s3, s7;
	s7 =	simm.s32 @!p0 $0x108  }
0x21: {  	s3 =	sadd.s32 s3, s9;
	s6 =	sadd.s32 @!p0 $0x88, s6;
	s7 =	simm.s32 @p2 $0x1082  }
0x22: {  	[simem:s7], [sflag:s8] =	dma.local @!p0 [hbm:s6], $0xF7A  }
0x23: {  	s9 =	sor.u32 $0xD0000000, s2;
	s6 =	simm.s32 $0x108;
	_ =	swait.ge @!p0 [sflag:s8], $0x0  }
0x24: {  	s3 =	sadd.s32 $0x88, s3;
	s6 =	simm.s32 @!p1 $0x1082;
	[sflag:s4] =	ssyncset.s32 $0xFFFFF086  }
0x25: {  	[simem:s6], [sflag:s4] =	dma.local [hbm:s3], $0xF7A  }
0x26: {  	[smem:$0x3F96] =	sst s1;
	(tag) =	ssettag s2;
	_ =	strace s9  }
0x27: {  	s1 =	sld [smem:$0x3FA6]  }
0x28: {  	s2 =	sld [smem:$0x3FA7]  }
0x29: {  	s4 =	sld [smem:$0x3FA9]  }
0x2a: {  	p0 =	seq.s32 s5, $0x0;
	s5 =	sld [smem:$0x3FAA]  }
0x2b: {  	s6 =	sld [smem:$0x3FAB]  }
0x2c: {  	s7 =	sld [smem:$0x3FAC]  }
0x2d: {  	s3 =	simm.s32 $0x108;
	s8 =	sld [smem:$0x3FAD]  }
0x2e: {  	s3 =	simm.s32 @!p0 $0x1082;
	s9 =	sld [smem:$0x3FAE]  }
0x2f: {  	lr =	sadd.s32 s0, s3;
	s0 =	sld [smem:$0x3FA5]  }
0x30: {  	s3 =	sld [smem:$0x3FA8]  }
0x31: {  	[smem:$0x3FB1] =	sst s10  }
0x32: {  	s10 =	sld [smem:$0x3FAF];
	_ =	sdelay $0x3  }
0x33: {  	p0 =	seq.s32 s10, $0x1;
	s10 =	sld [smem:$0x3FB1];
	_ =	sdelay $0x3  }
0x34: {  	[smem:$0x3FB1] =	sst s10  }
0x35: {  	s10 =	sld [smem:$0x3FB0];
	_ =	sdelay $0x3  }
0x36: {  	p1 =	seq.s32 s10, $0x1;
	s10 =	sld [smem:$0x3FB1];
	_ =	sdelay $0x3  }
0x37: {  	[smem:$0x3FB1] =	sst s10  }
0x38: {  	s10 =	sld [smem:$0x3FB2]  }
0x39: {  	_ = 	snop;
	(pc) =	sbr.ind lr, $3  }
0x3a: {  	_ = 	snop  }
0x3b: {  	_ = 	snop  }
0x3c: {  	p2 =	seq.s32 s10, $0x1;
	s10 =	sld [smem:$0x3FB1]  }
0x3d: {  	_ =	shalt  }
0x3e: {  	_ =	shalt  }
0x3f: {  	_ =	shalt  }
0x40: {  	_ =	shalt  }
0x41: {  	_ =	shalt  }
0x42: {  	_ =	shalt  }
0x43: {  	_ =	shalt  }
0x44: {  	_ =	shalt  }
0x45: {  	_ =	shalt  }
0x46: {  	_ =	shalt  }
0x47: {  	_ =	shalt  }
0x48: {  	_ =	shalt  }
0x49: {  	_ =	shalt  }
0x4a: {  	_ =	shalt  }
0x4b: {  	_ =	shalt  }
0x4c: {  	_ =	shalt  }
0x4d: {  	_ =	shalt  }
0x4e: {  	_ =	shalt  }
0x4f: {  	_ =	shalt  }
0x50: {  	_ =	shalt  }
0x51: {  	_ =	shalt  }
0x52: {  	_ =	shalt  }
0x53: {  	_ =	shalt  }
0x54: {  	_ =	shalt  }
0x55: {  	_ =	shalt  }
0x56: {  	_ =	shalt  }
0x57: {  	_ =	shalt  }
0x58: {  	_ =	shalt  }
0x59: {  	_ =	shalt  }
0x5a: {  	_ =	shalt  }
0x5b: {  	_ =	shalt  }
0x5c: {  	_ =	shalt  }
0x5d: {  	_ =	shalt  }
0x5e: {  	_ =	shalt  }
0x5f: {  	_ =	shalt  }
0x60: {  	_ =	shalt  }
0x61: {  	_ =	shalt  }
0x62: {  	_ =	shalt  }
0x63: {  	_ =	shalt  }
0x64: {  	_ =	shalt  }
0x65: {  	_ =	shalt  }
0x66: {  	_ =	shalt  }
0x67: {  	_ =	shalt  }
0x68: {  	_ =	shalt  }
0x69: {  	_ =	shalt  }
0x6a: {  	_ =	shalt  }
0x6b: {  	_ =	shalt  }
0x6c: {  	_ =	shalt  }
0x6d: {  	_ =	shalt  }
0x6e: {  	_ =	shalt  }
0x6f: {  	_ =	shalt  }
0x70: {  	_ =	shalt  }
0x71: {  	_ =	shalt  }
0x72: {  	_ =	shalt  }
0x73: {  	_ =	shalt  }
0x74: {  	_ =	shalt  }
0x75: {  	_ =	shalt  }
0x76: {  	_ =	shalt  }
0x77: {  	_ =	shalt  }
0x78: {  	_ =	shalt  }
0x79: {  	_ =	shalt  }
0x7a: {  	_ =	shalt  }
0x7b: {  	_ =	shalt  }
0x7c: {  	_ =	shalt  }
0x7d: {  	_ =	shalt  }
0x7e: {  	_ =	shalt  }
0x7f: {  	_ =	shalt  }
0x80: {  	_ =	shalt  }
0x81: {  	_ =	shalt  }
0x82: {  	_ =	shalt  }
0x83: {  	_ =	shalt  }
0x84: {  	_ =	shalt  }
0x85: {  	_ =	shalt  }
0x86: {  	_ =	shalt  }
0x87: {  	_ =	shalt  }
.Lfunc_end0:
.L_simem_size_0:
called_computation.2_lowered:
.L_overlay_start_0:
0x88: {  	s2 =	sld [smem:$0x3FD9]  }
0x89: {  	s3 =	sld [smem:$0x3FFE];
	_ =	sdelay $0x1  }
0x8a: {  	s1 =	srdreg.scid  }
0x8b: {  	s0 =	sand.u32 $0x1, s1  }
0x8c: {  	s16 =	sshll.u32 s0, $0xA;
	s2 =	sadd.s32 s3, s2  }
0x8d: {  	s2 =	sadd.s32 s2, s16  }
0x8e: {  	[smem:$0x3FBD] =	sst s2  }
0x8f: {  	_ = 	snop  }
0x90: {  	(tm) =	ssettm $0x1  }
0x91: {  	s17 =	sld [smem:$0x3FFB];
	_ =	sdelay $0x3  }
0x92: {  	_ =	strace s17  }
0x93: {  	s2 =	sld [smem:$0x3FFC];
	_ =	sdelay $0x3  }
0x94: {  	_ =	strace s2  }
0x95: {  	s2 =	sld [smem:$0x3FFD];
	_ =	sdelay $0x3  }
0x96: {  	_ =	strace s2  }
0x97: {  	_ =	strace $0x8FFFFFFF  }
0x98: {  	s18 =	sld [smem:$0x3FDB];
	_ =	sdelay $0x1  }
0x99: {  	s19 =	simm.s32 $_scs_section_size  }
0x9a: {  	s4 =	simm.s32 $_size__tile_overlayer_lowered;
	s5 =	simm.s32 $_tile_overlayer_lowered  }
0x9b: {  	s22 =	simm.s32 $0x1BFF;
	s21 =	sshll.u32 s5, $0x1;
	s2 =	sadd.s32 s19, s18  }
0x9c: {  	s6 =	simm.s32 $0x0;
	s20 =	sshll.u32 s4, $0x1;
	s4 =	sadd.s32 s21, s2  }
0x9d: {  	[timem:s6], [sflag:s22] =	dma.local [hbm:s4], s20  }
0x9e: {  	_ =	swait.ge [sflag:s22], s20  }
0x9f: {  	s3 =	ssub.s32 $0x0, s20;
	[sflag:s22] =	ssyncset.done $0x0  }
0xa0: {  	[sflag:s22] =	ssyncadd.s32 s3;
	_ =	sdelay $0x1  }
0xa1: {  	s23 =	simm.s32 $0x1B8B  }
0xa2: {  	_ =	swait.ge [sflag:s23], $0x1  }
0xa3: {  	[sflag:s23] =	ssyncset.done $0x0  }
0xa4: {  	s25 =	simm.s32 $0x1B8E;
	s24 =	sld [smem:$0x3FFE];
	[sflag:s23] =	ssyncadd.s32 $0xFFFFFFFF  }
0xa5: {  	s26 =	simm.s32 $execute0_lowered;
	[smem:$0x3FD2] =	sst s25  }
0xa6: {  	s4 =	sshll.u32 s26, $0x1;
	_ =	strace $0x8000004C;
	[dreg:$0x1] =	wrdreg $0xFFFFFFFF  }
0xa7: {  	s28 =	simm.s32 $_size_execute0_lowered;
	s2 =	sadd.s32 s2, s4;
	[dreg:$0x0] =	wrdreg $0x0  }
0xa8: {  	s4 =	sshll.u32 s28, $0x1;
	[dreg:$0x2] =	wrdreg s2  }
0xa9: {  	[dreg:$0x3] =	wrdreg s4  }
0xaa: {  	[dreg:$0x4] =	wrdreg $0xC0  }
0xab: {  	_ =	task [dreg:s6], $0x5FFFF  }
0xac: {  	[dreg:$0x1] =	wrdreg $0xFFFFFFFF  }
0xad: {  	[dreg:$0x0] =	wrdreg $0x60  }
0xae: {  	[dreg:$0x2] =	wrdreg s24  }
0xaf: {  	[dreg:$0x3] =	wrdreg $0x118000  }
0xb0: {  	[dreg:$0x4] =	wrdreg $0x9  }
0xb1: {  	_ =	task.clear_ibuf [dreg:s6], $0x5FFFF;
	_ =	strace $0x9000004C  }
0xb2: {  	s29 =	simm.s32 $0x9;
	_ =	strace $0x8000004E  }
0xb3: {  	_ =	swait.ge [sflag:s29], $0x1  }
0xb4: {  	[sflag:s29] =	ssyncadd.s32 $0xFFFFFFFF  }
0xb5: {  	_ =	strace $0x9000004E  }
0xb6: {  	_ =	sfence  }
0xb7: {  	s30 =	sld [smem:$0x0];
	_ =	sdelay $0x2  }
0xb8: {  	s31 =	sshll.u32 s1, $0xD;
	s1 =	sshrl.u32 s1, $0x2  }
0xb9: {  	s3 =	sand.u32 $0x4000, s31;
	s1 =	sadd.s32 s1, s30  }
0xba: {  	s0 =	sor.u32 s3, s0;
	s1 =	sshll.u32 s1, $0x11  }
0xbb: {  	s0 =	sor.u32 s1, s0  }
0xbc: {  	s0 =	sadd.s32 $0x8F2B, s0  }
0xbd: {  	[sflag:s0] =	ssyncadd.remote.s32 $0x1  }
0xbe: {  	_ =	sfence.sel $0xFFFF  }
0xbf: {  	[dreg:$0x0] =	wrdreg $0xFFFFFFFF;
	(pc) =	sbr.abs _section_cstart, $3  }
0xc0: {  	[dreg:$0x1] =	wrdreg $0xFFFFFFFF  }
0xc1: {  	_ =	task.clear_ibuf [dreg:s6], $0x2FFFF;
	_ =	strace $0x9FFFFFFF  }
0xc2: {  	(tm) =	ssettm $0x7FFFFFFF  }
0xc3: {  	_ =	shalt  }
tec
execute0_lowered:
.L_overlay_start_1:
0x0: {  	(tag) =	ssettag $0x1  }
0x1: {  	s11 =	stileid.u32  }
0x2: {  	s0 =	srdreg.scid;
	s12 =	rddreg [dreg:$0x0]  }
0x3: {  	s4 =	simm.s32 $0x0;
	s29 =	simm.s32 $0x3;
	s31 =	simm.s32 $0x100  }
0x4: {  	s28 =	simm.s32 $0x7000;
	s30 =	simm.s32 $0x8000;
	s1 =	smul.u32 $0x7, s11  }
0x5: {  	s0 =	sand.u32 $0x1, s0;
	s3 =	smin.u32 s11, $0xD;
	s7 =	smul.u32 $0x2800, s11  }
0x6: {  	[smem:$0x7FF] =	sst s4;
	s4 =	sadd.s32 $0x16A00, s12;
	s5 =	smul.u32 $0x28000, s0  }
0x7: {  	p0 =	seq.s32 s0, $0x0;
	s0 =	ssub.s32 $0x2, s0;
	s2 =	sadd.s32 $0x7D, s1  }
0x8: {  	s10 =	sshrl.u32 s0, $0x1;
	s2 =	smov.u32 @p0 s1;
	s5 =	sadd.s32 s7, s5  }
0x9: {  	s0 =	ssub.s32 s0, s10;
	p0 =	slt.u32 s11, $0xD;
	s10 =	simm.s32 $0x7  }
0xa: {  	s3 =	sadd.s32 s3, s2;
	s2 =	rddreg [dreg:$0x1];
	_ =	strace $0x8000004D  }
0xb: {  	s5 =	sshrl.u32 s5, $0x3;
	s10 =	simm.s32 @!p0 $0x6;
	s0 =	smax.u32 s0, $0x1  }
0xc: {  	s6 =	smul.u32 $0x5, s3;
	s1 =	sadd.s32 s5, s12;
	[dreg:$0x3] =	wrdreg s10  }
0xd: {  	s5 =	simm.s32 $0x8;
	[dreg:$0xb] =	wrdreg s0;
	s21 =	smul.u32 $0x1400, s3  }
0xe: {  	s3 =	simm.s32 $0x9000;
	s10 =	simm.s32 $0x0;
	s8 =	smin.u32 s6, $0x4BA  }
0xf: {  	s5 =	simm.s32 @!p0 $0x7;
	s1 =	sadd.s32 $0x1BA00, s1;
	s9 =	sshll.u32 s8, $0x5  }
0x10: {  	[dreg:$0xa] =	wrdreg s1;
	s13 =	ssub.s32 s6, s8;
	s9 =	sadd.s32 s9, s12  }
0x11: {  	s14 =	sshll.u32 s13, $0xA;
	s15 =	sadd.s32 $0x3000, s9;
	s9 =	sadd.s32 $0xCC40, s9  }
0x12: {  	s6 =	sadd.s32 s7, s2;
	[dreg:$0x5] =	wrdreg s9;
	s9 =	sshra.s32 s14, $0x2  }
0x13: {  	s23 =	sshll.u32 s8, $0xA;
	[dreg:$0x4] =	wrdreg s15;
	s16 =	sadd.s32 $0x100, s9  }
0x14: {  	s7 =	simm.s32 $0x2;
	s17 =	sadd.s32 $0x200, s9;
	[dreg:$0x6] =	wrdreg s16  }
0x15: {  	s8 =	simm.s32 $0x1;
	s18 =	sadd.s32 $0x300, s9;
	[dreg:$0x7] =	wrdreg s17  }
0x16: {  	s20 =	sadd.s32 $0x1400, s14;
	s19 =	sadd.s32 $0x400, s9;
	[dreg:$0x8] =	wrdreg s18  }
0x17: {  	s26 =	sadd.s32 $0x2800, s9;
	[dreg:$0x9] =	wrdreg s19;
	s16 =	sshra.s32 s20, $0x2  }
0x18: {  	s0 =	ssub.s32 s21, s23;
	[dreg:$0x10] =	wrdreg s26;
	s1 =	sadd.s32 $0x100, s16  }
0x19: {  	s0 =	sadd.s32 $0xC400, s0;
	s22 =	sadd.s32 $0x200, s16;
	[dreg:$0xc] =	wrdreg s1  }
0x1a: {  	s13 =	sshra.s32 s0, $0x2;
	s24 =	sadd.s32 $0x300, s16;
	[dreg:$0xd] =	wrdreg s22  }
0x1b: {  	s0 =	simm.s32 $0x6000;
	s25 =	sadd.s32 $0x400, s16;
	[dreg:$0xe] =	wrdreg s24  }
0x1c: {  	s23 =	sadd.s32 $0x2A00, s9;
	s26 =	sadd.s32 $0x2C00, s9;
	[dreg:$0xf] =	wrdreg s25  }
0x1d: {  	v0 =	vimm.f32 $0.0e+00;
	s22 =	sadd.s32 $0x2900, s9;
	s24 =	sadd.s32 $0x2B00, s9;
	s1 =	simm.s32 $0x5000  }
.LBB2_1:
0x1e: {  	s11 =	simm.s32 $0x40;
	s12 =	simm.s32 $0x0  }
.LBB2_2:
0x1f: {  	p0 =	sne.s32 s11, $0x9FC0;
	[tilespmem:s12+$0xF000] =	vst v0;
	s12 =	smov.u32 s11;
	s11 =	sadd.s32 $0x40, s11  }
.Ltmp0:
0x20: {  	(pc) =	sbr.rel @p0 .LBB2_2-.Ltmp0, $2  }
0x21: {  	_ =	sdelay $0x2  }
0x22: {  	s12 =	sshra.s32 s12, $0x2  }
0x23: {  	[tilespmem:s12+$0xF000] =	vst v0;
	s11 =	simm.s32 $0xF000  }
0x24: {  	[spmem:s6] =	stream.linear.scatter [tilespmem:s11], [sflag:$0x3], $0x2800, $0x38;
	[tilespmem:$0x14000] =	vst v63  }
0x25: {  	_ =	swait.ge [sflag:s29], $0x2800  }
0x26: {  	[sflag:s29] =	ssyncset.done $0x0  }
0x27: {  	[sflag:s29] =	ssyncadd.s32 $0xFFFFD800  }
0x28: {  	[bflag:$0x0] =	sbarrier.arrive $0xFFFF  }
0x29: {  	s20 =	simm.s32 $0x0;
	s21 =	rddreg [dreg:$0x4]  }
0x2a: {  	[tilespmem:s20], [sflag:$0x3] =	stream.linear.gather [hbm4b:s21+s20], $0x2800, $0x38;
	[tilespmem:$0x14000] =	vst v63  }
0x2b: {  	_ =	swait.ge [sflag:s29], $0x2800  }
0x2c: {  	[sflag:s29] =	ssyncset.done $0x0  }
0x2d: {  	s14 =	simm.s32 $0x2800;
	s25 =	rddreg [dreg:$0x5];
	[sflag:s29] =	ssyncadd.s32 $0xFFFFD800  }
0x2e: {  	[tilespmem:s14], [sflag:$0x3] =	stream.linear.gather [hbm4b:s25+s20], $0x2800, $0x38;
	[tilespmem:$0x14000] =	vst v63  }
0x2f: {  	_ =	swait.ge [sflag:s29], $0x2800  }
0x30: {  	[sflag:s29] =	ssyncset.done $0x0  }
0x31: {  	[sflag:s29] =	ssyncadd.s32 $0xFFFFD800  }
0x32: {  	[tilespmem:s1], [sflag:$0x1] =	stream.indirect.gather [hbm4b:s4+s31], $0x10, s9, s31, $0xb8;
	[tilespmem:$0x14000] =	vst v63  }
0x33: {  	s15 =	rddreg [dreg:$0x6]  }
0x34: {  	[tilespmem:s0], [sflag:$0x1] =	stream.indirect.gather [hbm4b:s4+s31], $0x10, s15, s31, $0xb8;
	[tilespmem:$0x14000] =	vst v63  }
0x35: {  	s17 =	rddreg [dreg:$0x7]  }
0x36: {  	[tilespmem:s28], [sflag:$0x1] =	stream.indirect.gather [hbm4b:s4+s31], $0x10, s17, s31, $0xb8;
	[tilespmem:$0x14000] =	vst v63  }
0x37: {  	s18 =	rddreg [dreg:$0x8]  }
0x38: {  	[tilespmem:s30], [sflag:$0x1] =	stream.indirect.gather [hbm4b:s4+s31], $0x10, s18, s31, $0xb8;
	[tilespmem:$0x14000] =	vst v63  }
0x39: {  	s19 =	rddreg [dreg:$0x9]  }
0x3a: {  	[tilespmem:s3], [sflag:$0x1] =	stream.indirect.gather [hbm4b:s4+s31], $0x10, s19, s31, $0xb8;
	[tilespmem:$0x14000] =	vst v63  }
0x3b: {  	s20 =	simm.s32 $0xA000  }
0x3c: {  	[tilespmem:s20], [sflag:$0x1] =	stream.indirect.gather [hbm4b:s4+s31], $0x10, s16, s31, $0xb8;
	[tilespmem:$0x14000] =	vst v63  }
0x3d: {  	s25 =	simm.s32 $0xB000;
	s21 =	rddreg [dreg:$0xc]  }
0x3e: {  	[tilespmem:s25], [sflag:$0x1] =	stream.indirect.gather [hbm4b:s4+s31], $0x10, s21, s31, $0xb8;
	[tilespmem:$0x14000] =	vst v63  }
0x3f: {  	s14 =	rddreg [dreg:$0xd];
	s15 =	simm.s32 $0xC000  }
0x40: {  	[tilespmem:s15], [sflag:$0x1] =	stream.indirect.gather [hbm4b:s4+s31], $0x10, s14, s31, $0xb8;
	[tilespmem:$0x14000] =	vst v63  }
0x41: {  	s17 =	rddreg [dreg:$0xe];
	s18 =	simm.s32 $0xD000  }
0x42: {  	[tilespmem:s18], [sflag:$0x1] =	stream.indirect.gather [hbm4b:s4+s31], $0x10, s17, s31, $0xb8;
	[tilespmem:$0x14000] =	vst v63  }
0x43: {  	s19 =	rddreg [dreg:$0xf];
	s20 =	simm.s32 $0xE000;
	s21 =	simm.s32 $0x1  }
0x44: {  	[tilespmem:s20], [sflag:$0x1] =	stream.indirect.gather [hbm4b:s4+s31], $0x10, s19, s31, $0xb8;
	[tilespmem:$0x14000] =	vst v63  }
0x45: {  	_ =	swait.ge [sflag:s21], $0x5000  }
0x46: {  	[sflag:s21] =	ssyncset.done $0x0  }
0x47: {  	s25 =	rddreg [dreg:$0x10];
	[sflag:s21] =	ssyncadd.s32 $0xFFFFB000  }
0x48: {  	[spmem:s2] =	stream.indirect.scatter.add.f32 [tilespmem:s1], [sflag:$0x2], $0x10, s25, s31, $0xb8;
	[tilespmem:$0x14000] =	vst v63  }
0x49: {  	_ = 	snop  }
0x4a: {  	[spmem:s2] =	stream.indirect.scatter.add.f32 [tilespmem:s0], [sflag:$0x2], $0x10, s22, s31, $0xb8;
	[tilespmem:$0x14000] =	vst v63  }
0x4b: {  	_ = 	snop  }
0x4c: {  	[spmem:s2] =	stream.indirect.scatter.add.f32 [tilespmem:s28], [sflag:$0x2], $0x10, s23, s31, $0xb8;
	[tilespmem:$0x14000] =	vst v63  }
0x4d: {  	_ = 	snop  }
0x4e: {  	[spmem:s2] =	stream.indirect.scatter.add.f32 [tilespmem:s30], [sflag:$0x2], $0x10, s24, s31, $0xb8;
	[tilespmem:$0x14000] =	vst v63  }
0x4f: {  	_ = 	snop  }
0x50: {  	[spmem:s2] =	stream.indirect.scatter.add.f32 [tilespmem:s3], [sflag:$0x2], $0x10, s26, s31, $0xb8;
	[tilespmem:$0x14000] =	vst v63  }
0x51: {  	_ =	swait.ge [sflag:s7], $0x5000  }
0x52: {  	s14 =	rddreg [dreg:$0x3]  }
0x53: {  	s11 =	sand.u32 $0x1, s21;
	p0 =	sle.u32 s14, $0x1  }
0x54: {  	s12 =	sxor.u32 @!p0 $0x1, s11  }
0x55: {  	s12 =	smul.u32 @!p0 $0x14000, s12  }
0x56: {  	[sflag:s7] =	ssyncset.done $0x0  }
0x57: {  	[sflag:s7] =	ssyncadd.s32 $0xFFFFB000;
	s12 =	sshrl.u32 @!p0 s12, $0x2  }
0x58: {  	s14 =	sadd.s32 @!p0 $0xFFFFD900, s13;
	s25 =	simm.s32 @!p0 $0x100;
	s15 =	sadd.s32 @!p0 $0x5000, s12  }
0x59: {  	[tilespmem:s15], [sflag:$0x1] =	stream.indirect.gather @!p0 [hbm4b:s4+s25], $0x10, s14, s25, $0xb8;
	[tilespmem:$0x14000] =	vst v63  }
0x5a: {  	s14 =	sadd.s32 @!p0 $0x6000, s12;
	s15 =	sadd.s32 @!p0 $0xFFFFDA00, s13  }
0x5b: {  	[tilespmem:s14], [sflag:$0x1] =	stream.indirect.gather @!p0 [hbm4b:s4+s25], $0x10, s15, s25, $0xb8;
	[tilespmem:$0x14000] =	vst v63  }
0x5c: {  	s14 =	sadd.s32 @!p0 $0x7000, s12;
	s15 =	sadd.s32 @!p0 $0xFFFFDB00, s13  }
0x5d: {  	[tilespmem:s14], [sflag:$0x1] =	stream.indirect.gather @!p0 [hbm4b:s4+s25], $0x10, s15, s25, $0xb8;
	[tilespmem:$0x14000] =	vst v63  }
0x5e: {  	s14 =	sor.u32 @!p0 $0x8000, s12;
	s15 =	sadd.s32 @!p0 $0xFFFFDC00, s13  }
0x5f: {  	[tilespmem:s14], [sflag:$0x1] =	stream.indirect.gather @!p0 [hbm4b:s4+s25], $0x10, s15, s25, $0xb8;
	[tilespmem:$0x14000] =	vst v63  }
0x60: {  	s11 =	smul.u32 $0x14000, s11;
	s12 =	sadd.s32 @!p0 $0x9000, s12;
	s14 =	sadd.s32 @!p0 $0xFFFFDD00, s13  }
0x61: {  	[tilespmem:s12], [sflag:$0x1] =	stream.indirect.gather @!p0 [hbm4b:s4+s25], $0x10, s14, s25, $0xb8;
	[tilespmem:$0x14000] =	vst v63  }
0x62: {  	_ =	swait.ge [sflag:s8], $0x5000  }
0x63: {  	s12 =	sshrl.u32 s11, $0x2;
	[sflag:s8] =	ssyncset.done $0x0  }
0x64: {  	s15 =	sadd.s32 $0xFFFFFC00, s13;
	s11 =	sadd.s32 $0x5000, s12;
	[sflag:s8] =	ssyncadd.s32 $0xFFFFB000  }
0x65: {  	[spmem:s2] =	stream.indirect.scatter.add.f32 [tilespmem:s11], [sflag:$0x2], $0x10, s15, s31, $0xb8;
	[tilespmem:$0x14000] =	vst v63  }
0x66: {  	s18 =	sadd.s32 $0xFFFFFD00, s13;
	p0 =	sne.s32 s5, $0x2;
	s17 =	sadd.s32 $0x6000, s12  }
0x67: {  	[spmem:s2] =	stream.indirect.scatter.add.f32 [tilespmem:s17], [sflag:$0x2], $0x10, s18, s31, $0xb8;
	[tilespmem:$0x14000] =	vst v63  }
.Ltmp1:
0x68: {  	s20 =	sadd.s32 $0xFFFFFE00, s13;
	s19 =	sadd.s32 $0x7000, s12;
	(pc) =	sbr.rel @!p0 .LBB2_5-.Ltmp1, $4  }
0x69: {  	[spmem:s2] =	stream.indirect.scatter.add.f32 [tilespmem:s19], [sflag:$0x2], $0x10, s20, s31, $0xb8;
	[tilespmem:$0x14000] =	vst v63  }
0x6a: {  	s25 =	sadd.s32 $0xFFFFFF00, s13;
	s21 =	sor.u32 $0x8000, s12;
	s14 =	sadd.s32 $0x9000, s12  }
0x6b: {  	[spmem:s2] =	stream.indirect.scatter.add.f32 [tilespmem:s21], [sflag:$0x2], $0x10, s25, s31, $0xb8;
	[tilespmem:$0x14000] =	vst v63  }
0x6c: {  	s12 =	sadd.s32 $0x500, s13;
	s11 =	simm.s32 $0x2;
	s25 =	smov.u32 s13  }
.LBB2_4:
0x6d: {  	[spmem:s2] =	stream.indirect.scatter.add.f32 [tilespmem:s14], [sflag:$0x2], $0x10, s25, s31, $0xb8;
	[tilespmem:$0x14000] =	vst v63  }
0x6e: {  	_ =	swait.ge [sflag:s7], $0x5000  }
0x6f: {  	s20 =	smov.u32 s11;
	s15 =	rddreg [dreg:$0x3]  }
0x70: {  	s17 =	sand.u32 $0x1, s20;
	p1 =	sge.u32 s20, s15  }
0x71: {  	s14 =	sxor.u32 @!p1 $0x1, s17  }
0x72: {  	s14 =	smul.u32 @!p1 $0x14000, s14  }
0x73: {  	[sflag:s7] =	ssyncset.done $0x0  }
0x74: {  	s21 =	smul.u32 $0x14000, s17;
	[sflag:s7] =	ssyncadd.s32 $0xFFFFB000;
	s14 =	sshrl.u32 @!p1 s14, $0x2  }
0x75: {  	s17 =	sadd.s32 @!p1 $0xFFFFD900, s12;
	s18 =	simm.s32 @!p1 $0x100;
	s19 =	sadd.s32 @!p1 $0x5000, s14  }
0x76: {  	[tilespmem:s19], [sflag:$0x1] =	stream.indirect.gather @!p1 [hbm4b:s4+s18], $0x10, s17, s18, $0xb8;
	[tilespmem:$0x14000] =	vst v63  }
0x77: {  	s20 =	sadd.s32 @!p1 $0x6000, s14;
	s17 =	sadd.s32 @!p1 $0xFFFFDA00, s12  }
0x78: {  	[tilespmem:s20], [sflag:$0x1] =	stream.indirect.gather @!p1 [hbm4b:s4+s18], $0x10, s17, s18, $0xb8;
	[tilespmem:$0x14000] =	vst v63  }
0x79: {  	s19 =	sadd.s32 @!p1 $0x7000, s14;
	s17 =	sadd.s32 @!p1 $0xFFFFDB00, s12  }
0x7a: {  	[tilespmem:s19], [sflag:$0x1] =	stream.indirect.gather @!p1 [hbm4b:s4+s18], $0x10, s17, s18, $0xb8;
	[tilespmem:$0x14000] =	vst v63  }
0x7b: {  	s15 =	sshrl.u32 s21, $0x2;
	s21 =	sor.u32 @!p1 $0x8000, s14;
	s17 =	sadd.s32 @!p1 $0xFFFFDC00, s12  }
0x7c: {  	[tilespmem:s21], [sflag:$0x1] =	stream.indirect.gather @!p1 [hbm4b:s4+s18], $0x10, s17, s18, $0xb8;
	[tilespmem:$0x14000] =	vst v63  }
0x7d: {  	s14 =	sadd.s32 @!p1 $0x9000, s14;
	s17 =	sadd.s32 @!p1 $0xFFFFDD00, s12  }
0x7e: {  	[tilespmem:s14], [sflag:$0x1] =	stream.indirect.gather @!p1 [hbm4b:s4+s18], $0x10, s17, s18, $0xb8;
	[tilespmem:$0x14000] =	vst v63  }
0x7f: {  	_ =	swait.ge [sflag:s8], $0x5000  }
0x80: {  	s11 =	sadd.s32 $0x1, s11;
	[sflag:s8] =	ssyncset.done $0x0  }
0x81: {  	s19 =	sadd.s32 $0xFFFFFC00, s12;
	s18 =	sadd.s32 $0x5000, s15;
	[sflag:s8] =	ssyncadd.s32 $0xFFFFB000  }
0x82: {  	[spmem:s2] =	stream.indirect.scatter.add.f32 [tilespmem:s18], [sflag:$0x2], $0x10, s19, s31, $0xb8;
	[tilespmem:$0x14000] =	vst v63  }
0x83: {  	p0 =	sne.s32 s5, s11;
	s20 =	sadd.s32 $0x6000, s15;
	s21 =	sadd.s32 $0xFFFFFD00, s12  }
0x84: {  	[spmem:s2] =	stream.indirect.scatter.add.f32 [tilespmem:s20], [sflag:$0x2], $0x10, s21, s31, $0xb8;
	[tilespmem:$0x14000] =	vst v63  }
.Ltmp2:
0x85: {  	s25 =	smov.u32 s12;
	(pc) =	sbr.rel @p0 .LBB2_4-.Ltmp2, $4  }
0x86: {  	s14 =	sadd.s32 $0x9000, s15;
	s18 =	sadd.s32 $0x7000, s15;
	s19 =	sadd.s32 $0xFFFFFE00, s12  }
0x87: {  	[spmem:s2] =	stream.indirect.scatter.add.f32 [tilespmem:s18], [sflag:$0x2], $0x10, s19, s31, $0xb8;
	[tilespmem:$0x14000] =	vst v63  }
0x88: {  	s20 =	sor.u32 $0x8000, s15;
	s21 =	sadd.s32 $0xFFFFFF00, s12;
	s12 =	sadd.s32 $0x500, s12  }
0x89: {  	[spmem:s2] =	stream.indirect.scatter.add.f32 [tilespmem:s20], [sflag:$0x2], $0x10, s21, s31, $0xb8;
	[tilespmem:$0x14000] =	vst v63  }
.LBB2_5:
0x8a: {  	[spmem:s2] =	stream.indirect.scatter.add.f32 [tilespmem:s14], [sflag:$0x2], $0x10, s25, s31, $0xb8;
	[tilespmem:$0x14000] =	vst v63  }
0x8b: {  	_ =	swait.ge [sflag:s7], $0x5000  }
0x8c: {  	[sflag:s7] =	ssyncset.done $0x0  }
0x8d: {  	s11 =	stileid.u32;
	[sflag:s7] =	ssyncadd.s32 $0xFFFFB000  }
0x8e: {  	s11 =	sshll.u32 s11, $0x6;
	[bflag:$0x0] =	sbarrier.arrive $0xFFFF  }
0x8f: {  	s12 =	sshrl.u32 s6, $0x3;
	s11 =	sor.u32 $0x1C03, s11;
	s21 =	rddreg [dreg:$0xa]  }
0x90: {  	[hbm:s21], [sflag:s11] =	dma.local [spmem:s12], $0x500  }
0x91: {  	_ =	swait.ge [sflag:s29], $0x500  }
0x92: {  	s10 =	sadd.s32 $0x1, s10;
	s25 =	rddreg [dreg:$0xb]  }
0x93: {  	p0 =	sne.s32 s10, s25  }
.Ltmp3:
0x94: {  	_ = 	snop;
	(pc) =	sbr.rel @p0 .LBB2_1-.Ltmp3, $3  }
0x95: {  	_ =	sdelay $0x1  }
0x96: {  	[sflag:s29] =	ssyncset.done $0x0  }
0x97: {  	[sflag:s29] =	ssyncadd.s32 $0xFFFFFB00  }
0x98: {  	_ =	sfence.sel $0x180000  }
0x99: {  	[bflag:$0x0] =	sbarrier.arrive $0xFFFF  }
0x9a: {  	_ =	strace $0x9000004D  }
0x9b: {  	s0 =	stileid.u32;
	[bflag:$0x2] =	sbarrier.arrive $0xFFFF  }
0x9c: {  	p0 =	sne.s32 s0, $0x0;
	s0 =	rddreg [dreg:$0x2]  }
0x9d: {  	s0 =	sadd.s32 @!p0 $0x100000, s0  }
0x9e: {  	[sflag:s0] =	ssyncadd.tile.s32 @!p0 $0x1;
	_ =	shalt  }
.Lfunc_end2:
_tile_overlayer_lowered:
.L_overlay_start_2:
0x9f: {  	(tag) =	ssettag $0x2  }
0xa0: {  	s0 =	rddreg [dreg:$0x0];
	s2 =	stileid.u32  }
0xa1: {  	s1 =	rddreg [dreg:$0x1];
	p0 =	sne.s32 s2, $0x0  }
0xa2: {  	s3 =	rddreg [dreg:$0x2];
	[bflag:$0x3] =	sbarrier.arrive $0xFFFF;
	s2 =	simm.s32 @!p0 $0x1C03  }
0xa3: {  	[timem:s3], [sflag:s2] =	dma.local @!p0 [hbm:s0], s1  }
0xa4: {  	s0 =	simm.s32 @!p0 $0x3  }
0xa5: {  	_ =	swait.ge @!p0 [sflag:s0], s1  }
0xa6: {  	s1 =	ssub.s32 @!p0 $0x0, s1;
	[sflag:s0] =	ssyncset.done @!p0 $0x0  }
0xa7: {  	[sflag:s0] =	ssyncadd.s32 @!p0 s1  }
0xa8: {  	[bflag:$0x3] =	sbarrier.arrive $0xFFFF  }
0xa9: {  	_ =	shalt  }

// kernel: kernel.8.cloned.1.call-start
scs
__scs_entry_jumppad:
0x0: {  	(pc) =	sbr.rel $0x88, $3  }
0x1: {  	(tag) =	ssettag $0x0;
	lr =	simm.s32 $0x1  }
0x2: {  	[smem:$0x3F96] =	sst lr;
	_ =	strace $0xD0000000  }
0x3: {  	_ = 	snop  }
0x4: {  	_ = 	snop  }
0x5: {  	_ = 	snop  }
0x6: {  	_ = 	snop  }
0x7: {  	_ = 	snop  }
__scs_overlays_trampoline_lowered:
0x8: {  	[smem:$0x3FA5] =	sst s0  }
0x9: {  	[smem:$0x3FA6] =	sst s1  }
0xa: {  	[smem:$0x3FA7] =	sst s2  }
0xb: {  	[smem:$0x3FA8] =	sst s3  }
0xc: {  	[smem:$0x3FA9] =	sst s4  }
0xd: {  	[smem:$0x3FAA] =	sst s5  }
0xe: {  	[smem:$0x3FAB] =	sst s6  }
0xf: {  	[smem:$0x3FAC] =	sst s7  }
0x10: {  	[smem:$0x3FAD] =	sst s8  }
0x11: {  	[smem:$0x3FAE] =	sst s9;
	s0 =	simm.s32 @!p0 $0x0  }
0x12: {  	s1 =	sld [smem:$0x3F94];
	s0 =	simm.s32 @p0 $0x1  }
0x13: {  	[smem:$0x3FAF] =	sst s0;
	s0 =	simm.s32 @!p1 $0x0  }
0x14: {  	s2 =	sld [smem:$0x3F93];
	s0 =	simm.s32 @p1 $0x1  }
0x15: {  	[smem:$0x3FB0] =	sst s0;
	s0 =	simm.s32 @!p2 $0x0  }
0x16: {  	s3 =	sld [smem:$0x3FDB];
	s0 =	simm.s32 @p2 $0x1  }
0x17: {  	s4 =	simm.s32 $0x1BF5;
	[smem:$0x3FB2] =	sst s0  }
0x18: {  	s0 =	sld [smem:$0x3F95];
	_ =	swait.ge [sflag:s4], $0x0  }
0x19: {  	s7 =	sld [smem:$0x3F96]  }
0x1a: {  	s8 =	sadd.s32 $0xFFFFE003, lr  }
0x1b: {  	s9 =	sadd.s32 $0xFFFFFEF7, lr;
	s5 =	simm.s32 $0xFFFFFFFF;
	p2 =	slt.u32 s8, $0xFFFFF086  }
0x1c: {  	p1 =	slt.u32 s9, $0xF7A;
	s5 =	simm.s32 @!p2 $0x0  }
0x1d: {  	s5 =	simm.s32 @p1 $0x1;
	p0 =	seq.s32 s7, s2  }
0x1e: {  	s7 =	smul.u32 @!p0 $0xF7A, s2;
	p2 =	seq.s32 @!p0 s5, $0x0  }
0x1f: {  	s9 =	smul.u32 $0xF7A, s1;
	s8 =	simm.s32 @!p0 $0x1BF5;
	p2 =	por !p2, p0  }
0x20: {  	[sflag:s8] =	ssyncset.s32 @!p0 $0xFFFFF086;
	s6 =	sadd.s32 @!p0 s3, s7;
	s7 =	simm.s32 @!p0 $0x108  }
0x21: {  	s3 =	sadd.s32 s3, s9;
	s6 =	sadd.s32 @!p0 $0x88, s6;
	s7 =	simm.s32 @p2 $0x1082  }
0x22: {  	[simem:s7], [sflag:s8] =	dma.local @!p0 [hbm:s6], $0xF7A  }
0x23: {  	s9 =	sor.u32 $0xD0000000, s2;
	s6 =	simm.s32 $0x108;
	_ =	swait.ge @!p0 [sflag:s8], $0x0  }
0x24: {  	s3 =	sadd.s32 $0x88, s3;
	s6 =	simm.s32 @!p1 $0x1082;
	[sflag:s4] =	ssyncset.s32 $0xFFFFF086  }
0x25: {  	[simem:s6], [sflag:s4] =	dma.local [hbm:s3], $0xF7A  }
0x26: {  	[smem:$0x3F96] =	sst s1;
	(tag) =	ssettag s2;
	_ =	strace s9  }
0x27: {  	s1 =	sld [smem:$0x3FA6]  }
0x28: {  	s2 =	sld [smem:$0x3FA7]  }
0x29: {  	s4 =	sld [smem:$0x3FA9]  }
0x2a: {  	p0 =	seq.s32 s5, $0x0;
	s5 =	sld [smem:$0x3FAA]  }
0x2b: {  	s6 =	sld [smem:$0x3FAB]  }
0x2c: {  	s7 =	sld [smem:$0x3FAC]  }
0x2d: {  	s3 =	simm.s32 $0x108;
	s8 =	sld [smem:$0x3FAD]  }
0x2e: {  	s3 =	simm.s32 @!p0 $0x1082;
	s9 =	sld [smem:$0x3FAE]  }
0x2f: {  	lr =	sadd.s32 s0, s3;
	s0 =	sld [smem:$0x3FA5]  }
0x30: {  	s3 =	sld [smem:$0x3FA8]  }
0x31: {  	[smem:$0x3FB1] =	sst s10  }
0x32: {  	s10 =	sld [smem:$0x3FAF];
	_ =	sdelay $0x3  }
0x33: {  	p0 =	seq.s32 s10, $0x1;
	s10 =	sld [smem:$0x3FB1];
	_ =	sdelay $0x3  }
0x34: {  	[smem:$0x3FB1] =	sst s10  }
0x35: {  	s10 =	sld [smem:$0x3FB0];
	_ =	sdelay $0x3  }
0x36: {  	p1 =	seq.s32 s10, $0x1;
	s10 =	sld [smem:$0x3FB1];
	_ =	sdelay $0x3  }
0x37: {  	[smem:$0x3FB1] =	sst s10  }
0x38: {  	s10 =	sld [smem:$0x3FB2]  }
0x39: {  	_ = 	snop;
	(pc) =	sbr.ind lr, $3  }
0x3a: {  	_ = 	snop  }
0x3b: {  	_ = 	snop  }
0x3c: {  	p2 =	seq.s32 s10, $0x1;
	s10 =	sld [smem:$0x3FB1]  }
0x3d: {  	_ =	shalt  }
0x3e: {  	_ =	shalt  }
0x3f: {  	_ =	shalt  }
0x40: {  	_ =	shalt  }
0x41: {  	_ =	shalt  }
0x42: {  	_ =	shalt  }
0x43: {  	_ =	shalt  }
0x44: {  	_ =	shalt  }
0x45: {  	_ =	shalt  }
0x46: {  	_ =	shalt  }
0x47: {  	_ =	shalt  }
0x48: {  	_ =	shalt  }
0x49: {  	_ =	shalt  }
0x4a: {  	_ =	shalt  }
0x4b: {  	_ =	shalt  }
0x4c: {  	_ =	shalt  }
0x4d: {  	_ =	shalt  }
0x4e: {  	_ =	shalt  }
0x4f: {  	_ =	shalt  }
0x50: {  	_ =	shalt  }
0x51: {  	_ =	shalt  }
0x52: {  	_ =	shalt  }
0x53: {  	_ =	shalt  }
0x54: {  	_ =	shalt  }
0x55: {  	_ =	shalt  }
0x56: {  	_ =	shalt  }
0x57: {  	_ =	shalt  }
0x58: {  	_ =	shalt  }
0x59: {  	_ =	shalt  }
0x5a: {  	_ =	shalt  }
0x5b: {  	_ =	shalt  }
0x5c: {  	_ =	shalt  }
0x5d: {  	_ =	shalt  }
0x5e: {  	_ =	shalt  }
0x5f: {  	_ =	shalt  }
0x60: {  	_ =	shalt  }
0x61: {  	_ =	shalt  }
0x62: {  	_ =	shalt  }
0x63: {  	_ =	shalt  }
0x64: {  	_ =	shalt  }
0x65: {  	_ =	shalt  }
0x66: {  	_ =	shalt  }
0x67: {  	_ =	shalt  }
0x68: {  	_ =	shalt  }
0x69: {  	_ =	shalt  }
0x6a: {  	_ =	shalt  }
0x6b: {  	_ =	shalt  }
0x6c: {  	_ =	shalt  }
0x6d: {  	_ =	shalt  }
0x6e: {  	_ =	shalt  }
0x6f: {  	_ =	shalt  }
0x70: {  	_ =	shalt  }
0x71: {  	_ =	shalt  }
0x72: {  	_ =	shalt  }
0x73: {  	_ =	shalt  }
0x74: {  	_ =	shalt  }
0x75: {  	_ =	shalt  }
0x76: {  	_ =	shalt  }
0x77: {  	_ =	shalt  }
0x78: {  	_ =	shalt  }
0x79: {  	_ =	shalt  }
0x7a: {  	_ =	shalt  }
0x7b: {  	_ =	shalt  }
0x7c: {  	_ =	shalt  }
0x7d: {  	_ =	shalt  }
0x7e: {  	_ =	shalt  }
0x7f: {  	_ =	shalt  }
0x80: {  	_ =	shalt  }
0x81: {  	_ =	shalt  }
0x82: {  	_ =	shalt  }
0x83: {  	_ =	shalt  }
0x84: {  	_ =	shalt  }
0x85: {  	_ =	shalt  }
0x86: {  	_ =	shalt  }
0x87: {  	_ =	shalt  }
.Lfunc_end0:
.L_simem_size_0:
called_computation_lowered:
.L_overlay_start_0:
0x88: {  	s2 =	sld [smem:$0x3FD9]  }
0x89: {  	s3 =	sld [smem:$0x3FFE];
	_ =	sdelay $0x1  }
0x8a: {  	s1 =	srdreg.scid  }
0x8b: {  	s0 =	sand.u32 $0x1, s1  }
0x8c: {  	s16 =	sshll.u32 s0, $0xA;
	s2 =	sadd.s32 s3, s2  }
0x8d: {  	s2 =	sadd.s32 s2, s16  }
0x8e: {  	[smem:$0x3FBD] =	sst s2  }
0x8f: {  	_ = 	snop  }
0x90: {  	(tm) =	ssettm $0x1  }
0x91: {  	s17 =	sld [smem:$0x3FFB];
	_ =	sdelay $0x3  }
0x92: {  	_ =	strace s17  }
0x93: {  	s2 =	sld [smem:$0x3FFC];
	_ =	sdelay $0x3  }
0x94: {  	_ =	strace s2  }
0x95: {  	s2 =	sld [smem:$0x3FFD];
	_ =	sdelay $0x3  }
0x96: {  	_ =	strace s2  }
0x97: {  	_ =	strace $0x8FFFFFFF  }
0x98: {  	s18 =	sld [smem:$0x3FDB];
	_ =	sdelay $0x1  }
0x99: {  	s19 =	simm.s32 $_scs_section_size  }
0x9a: {  	s4 =	simm.s32 $_size__tile_overlayer_lowered;
	s5 =	simm.s32 $_tile_overlayer_lowered  }
0x9b: {  	s22 =	simm.s32 $0x1BFF;
	s21 =	sshll.u32 s5, $0x1;
	s2 =	sadd.s32 s19, s18  }
0x9c: {  	s6 =	simm.s32 $0x0;
	s20 =	sshll.u32 s4, $0x1;
	s4 =	sadd.s32 s21, s2  }
0x9d: {  	[timem:s6], [sflag:s22] =	dma.local [hbm:s4], s20  }
0x9e: {  	_ =	swait.ge [sflag:s22], s20  }
0x9f: {  	s3 =	ssub.s32 $0x0, s20;
	[sflag:s22] =	ssyncset.done $0x0  }
0xa0: {  	[sflag:s22] =	ssyncadd.s32 s3;
	_ =	sdelay $0x1  }
0xa1: {  	s23 =	simm.s32 $0x1B8B  }
0xa2: {  	_ =	swait.ge [sflag:s23], $0x1  }
0xa3: {  	[sflag:s23] =	ssyncset.done $0x0  }
0xa4: {  	s25 =	simm.s32 $0x1B8E;
	s24 =	sld [smem:$0x3FFE];
	[sflag:s23] =	ssyncadd.s32 $0xFFFFFFFF  }
0xa5: {  	s26 =	simm.s32 $execute0_lowered;
	[smem:$0x3FD2] =	sst s25  }
0xa6: {  	s4 =	sshll.u32 s26, $0x1;
	_ =	strace $0x80000046;
	[dreg:$0x1] =	wrdreg $0xFFFFFFFF  }
0xa7: {  	s28 =	simm.s32 $_size_execute0_lowered;
	s2 =	sadd.s32 s2, s4;
	[dreg:$0x0] =	wrdreg $0x0  }
0xa8: {  	s4 =	sshll.u32 s28, $0x1;
	[dreg:$0x2] =	wrdreg s2  }
0xa9: {  	[dreg:$0x3] =	wrdreg s4  }
0xaa: {  	[dreg:$0x4] =	wrdreg $0xC0  }
0xab: {  	_ =	task [dreg:s6], $0x5FFFF  }
0xac: {  	[dreg:$0x1] =	wrdreg $0xFFFFFFFF  }
0xad: {  	[dreg:$0x0] =	wrdreg $0x60  }
0xae: {  	[dreg:$0x2] =	wrdreg s24  }
0xaf: {  	[dreg:$0x3] =	wrdreg $0x2B800  }
0xb0: {  	[dreg:$0x4] =	wrdreg $0x9  }
0xb1: {  	_ =	task.clear_ibuf [dreg:s6], $0x5FFFF;
	_ =	strace $0x90000046  }
0xb2: {  	s29 =	simm.s32 $0x9;
	_ =	strace $0x80000048  }
0xb3: {  	_ =	swait.ge [sflag:s29], $0x1  }
0xb4: {  	[sflag:s29] =	ssyncadd.s32 $0xFFFFFFFF  }
0xb5: {  	_ =	strace $0x90000048  }
0xb6: {  	_ =	sfence  }
0xb7: {  	s30 =	sld [smem:$0x0];
	_ =	sdelay $0x2  }
0xb8: {  	s31 =	sshll.u32 s1, $0xD;
	s1 =	sshrl.u32 s1, $0x2  }
0xb9: {  	s3 =	sand.u32 $0x4000, s31;
	s1 =	sadd.s32 s1, s30  }
0xba: {  	s0 =	sor.u32 s3, s0;
	s1 =	sshll.u32 s1, $0x11  }
0xbb: {  	s0 =	sor.u32 s1, s0  }
0xbc: {  	s0 =	sadd.s32 $0x8F2B, s0  }
0xbd: {  	[sflag:s0] =	ssyncadd.remote.s32 $0x1  }
0xbe: {  	_ =	sfence.sel $0xFFFF  }
0xbf: {  	[dreg:$0x0] =	wrdreg $0xFFFFFFFF;
	(pc) =	sbr.abs _section_cstart, $3  }
0xc0: {  	[dreg:$0x1] =	wrdreg $0xFFFFFFFF  }
0xc1: {  	_ =	task.clear_ibuf [dreg:s6], $0x2FFFF;
	_ =	strace $0x9FFFFFFF  }
0xc2: {  	(tm) =	ssettm $0x7FFFFFFF  }
0xc3: {  	_ =	shalt  }
tec
execute0_lowered:
.L_overlay_start_1:
0x0: {  	(tag) =	ssettag $0x1  }
0x1: {  	s0 =	stileid.u32  }
0x2: {  	s1 =	srdreg.scid;
	s5 =	rddreg [dreg:$0x0];
	s15 =	simm.s32 $0x2900  }
0x3: {  	s16 =	simm.s32 $0x2;
	s17 =	simm.s32 $0x100;
	s18 =	simm.s32 $0x2800  }
0x4: {  	s19 =	simm.s32 $0x1;
	s22 =	simm.s32 $0x0;
	s2 =	smul.u32 $0x7, s0  }
0x5: {  	s4 =	sand.u32 $0x1, s1;
	s3 =	smin.u32 s0, $0xD;
	s8 =	smul.u32 $0x280, s0  }
0x6: {  	s20 =	sshll.u32 s0, $0x6;
	p0 =	seq.s32 s4, $0x0;
	s9 =	smul.u32 $0x2800, s4  }
0x7: {  	s26 =	ssub.s32 $0x2, s4;
	s4 =	simm.s32 $0x7;
	s1 =	sadd.s32 $0x7D, s2  }
0x8: {  	s20 =	sor.u32 $0x1C02, s20;
	s12 =	sshrl.u32 s26, $0x1;
	s1 =	smov.u32 @p0 s2  }
0x9: {  	s2 =	rddreg [dreg:$0x1];
	s9 =	sadd.s32 s8, s9;
	p0 =	slt.u32 s0, $0xD  }
0xa: {  	s12 =	ssub.s32 s26, s12;
	s7 =	sadd.s32 s3, s1;
	s1 =	rddreg [dreg:$0x2]  }
0xb: {  	s3 =	simm.s32 $0x0;
	s9 =	sshrl.u32 s9, $0x3;
	s6 =	smul.u32 $0x5, s7  }
0xc: {  	s4 =	simm.s32 @!p0 $0x6;
	[smem:$0x7FF] =	sst s3;
	s9 =	sadd.s32 s9, s5  }
0xd: {  	s29 =	smul.u32 $0x1400, s7;
	_ =	strace $0x80000047;
	s10 =	smin.u32 s6, $0x4BA  }
0xe: {  	s7 =	sadd.s32 $0x16A00, s9;
	s11 =	sshll.u32 s10, $0x5;
	s28 =	ssub.s32 s6, s10  }
0xf: {  	s10 =	sshll.u32 s10, $0xA;
	s11 =	sadd.s32 s11, s5;
	s5 =	sadd.s32 s8, s2  }
0x10: {  	s30 =	sshll.u32 s28, $0xA;
	s8 =	smax.u32 s12, $0x1;
	s31 =	ssub.s32 s29, s10  }
0x11: {  	s6 =	sadd.s32 $0xCC40, s11;
	s9 =	sshra.s32 s30, $0x2;
	s14 =	sadd.s32 $0x2400, s31  }
0x12: {  	s21 =	sshrl.u32 s5, $0x3;
	s10 =	sadd.s32 $0x100, s9;
	s11 =	sadd.s32 $0x200, s9  }
0x13: {  	v0 =	vimm.f32 $1.000000000e+00;
	v1 =	vimm.f32 $0.0e+00;
	s12 =	sadd.s32 $0x300, s9;
	s13 =	sadd.s32 $0x400, s9;
	s14 =	sshra.s32 s14, $0x2  }
.LBB2_1:
0x14: {  	[tilespmem:$0x2800] =	vst v0  }
0x15: {  	[tilespmem:$0x2810] =	vst v0  }
0x16: {  	[tilespmem:$0x2820] =	vst v0  }
0x17: {  	[tilespmem:$0x2830] =	vst v0  }
0x18: {  	[tilespmem:$0x2840] =	vst v0  }
0x19: {  	[tilespmem:$0x2850] =	vst v0  }
0x1a: {  	[tilespmem:$0x2860] =	vst v0  }
0x1b: {  	[tilespmem:$0x2870] =	vst v0  }
0x1c: {  	[tilespmem:$0x2880] =	vst v0  }
0x1d: {  	[tilespmem:$0x2890] =	vst v0  }
0x1e: {  	[tilespmem:$0x28A0] =	vst v0  }
0x1f: {  	[tilespmem:$0x28B0] =	vst v0  }
0x20: {  	[tilespmem:$0x28C0] =	vst v0  }
0x21: {  	[tilespmem:$0x28D0] =	vst v0  }
0x22: {  	[tilespmem:$0x28E0] =	vst v0  }
0x23: {  	[tilespmem:$0x28F0] =	vst v0  }
0x24: {  	[tilespmem:$0x2900] =	vst v1  }
0x25: {  	[tilespmem:$0x2910] =	vst v1  }
0x26: {  	[tilespmem:$0x2920] =	vst v1  }
0x27: {  	[tilespmem:$0x2930] =	vst v1  }
0x28: {  	[tilespmem:$0x2940] =	vst v1  }
0x29: {  	[tilespmem:$0x2950] =	vst v1  }
0x2a: {  	[tilespmem:$0x2960] =	vst v1  }
0x2b: {  	[tilespmem:$0x2970] =	vst v1  }
0x2c: {  	[tilespmem:$0x2980] =	vst v1  }
0x2d: {  	[tilespmem:$0x2990] =	vst v1  }
0x2e: {  	[tilespmem:$0x29A0] =	vst v1  }
0x2f: {  	[tilespmem:$0x29B0] =	vst v1  }
0x30: {  	[tilespmem:$0x29C0] =	vst v1  }
0x31: {  	[tilespmem:$0x29D0] =	vst v1  }
0x32: {  	[tilespmem:$0x29E0] =	vst v1  }
0x33: {  	[tilespmem:$0x29F0] =	vst v1  }
0x34: {  	[tilespmem:$0x2A00] =	vst v1  }
0x35: {  	[tilespmem:$0x2A10] =	vst v1  }
0x36: {  	[tilespmem:$0x2A20] =	vst v1  }
0x37: {  	[tilespmem:$0x2A30] =	vst v1  }
0x38: {  	[tilespmem:$0x2A40] =	vst v1  }
0x39: {  	[tilespmem:$0x2A50] =	vst v1  }
0x3a: {  	[tilespmem:$0x2A60] =	vst v1  }
0x3b: {  	[tilespmem:$0x2A70] =	vst v1  }
0x3c: {  	[tilespmem:$0x2A80] =	vst v1  }
0x3d: {  	[tilespmem:$0x2A90] =	vst v1  }
0x3e: {  	[tilespmem:$0x2AA0] =	vst v1  }
0x3f: {  	[tilespmem:$0x2AB0] =	vst v1  }
0x40: {  	[tilespmem:$0x2AC0] =	vst v1  }
0x41: {  	[tilespmem:$0x2AD0] =	vst v1  }
0x42: {  	[tilespmem:$0x2AE0] =	vst v1  }
0x43: {  	[tilespmem:$0x2AF0] =	vst v1  }
0x44: {  	[tilespmem:$0x2B00] =	vst v1  }
0x45: {  	[tilespmem:$0x2B10] =	vst v1  }
0x46: {  	[tilespmem:$0x2B20] =	vst v1  }
0x47: {  	[tilespmem:$0x2B30] =	vst v1  }
0x48: {  	[tilespmem:$0x2B40] =	vst v1  }
0x49: {  	[tilespmem:$0x2B50] =	vst v1  }
0x4a: {  	[tilespmem:$0x2B60] =	vst v1  }
0x4b: {  	[tilespmem:$0x2B70] =	vst v1  }
0x4c: {  	[spmem:s5] =	stream.linear.scatter [tilespmem:s15], [sflag:$0x2], $0x280, $0x38;
	[tilespmem:$0x2E00] =	vst v63  }
0x4d: {  	_ =	swait.ge [sflag:s16], $0x280  }
0x4e: {  	[sflag:s16] =	ssyncset.done $0x0  }
0x4f: {  	[sflag:s16] =	ssyncadd.s32 $0xFFFFFD80  }
0x50: {  	[bflag:$0x0] =	sbarrier.arrive $0xFFFF  }
0x51: {  	[tilespmem:s3], [sflag:$0x2] =	stream.linear.gather [hbm4b:s6+s3], $0x2800, $0x38;
	[tilespmem:$0x2E00] =	vst v63  }
0x52: {  	_ =	swait.ge [sflag:s16], $0x2800  }
0x53: {  	[sflag:s16] =	ssyncset.done $0x0  }
0x54: {  	[sflag:s16] =	ssyncadd.s32 $0xFFFFD800  }
0x55: {  	[spmem:s2] =	stream.indirect.scatter.add.f32 [tilespmem:s18], [sflag:$0x1], $0x1, s9, s17, $0xb8;
	[tilespmem:$0x2E00] =	vst v63  }
0x56: {  	_ = 	snop  }
0x57: {  	[spmem:s2] =	stream.indirect.scatter.add.f32 [tilespmem:s18], [sflag:$0x1], $0x1, s10, s17, $0xb8;
	[tilespmem:$0x2E00] =	vst v63  }
0x58: {  	_ = 	snop  }
0x59: {  	[spmem:s2] =	stream.indirect.scatter.add.f32 [tilespmem:s18], [sflag:$0x1], $0x1, s11, s17, $0xb8;
	[tilespmem:$0x2E00] =	vst v63  }
0x5a: {  	_ = 	snop  }
0x5b: {  	[spmem:s2] =	stream.indirect.scatter.add.f32 [tilespmem:s18], [sflag:$0x1], $0x1, s12, s17, $0xb8;
	[tilespmem:$0x2E00] =	vst v63  }
0x5c: {  	_ = 	snop  }
0x5d: {  	[spmem:s2] =	stream.indirect.scatter.add.f32 [tilespmem:s18], [sflag:$0x1], $0x1, s13, s17, $0xb8;
	[tilespmem:$0x2E00] =	vst v63  }
0x5e: {  	_ =	swait.ge [sflag:s19], $0x500  }
0x5f: {  	[sflag:s19] =	ssyncset.done $0x0  }
0x60: {  	s23 =	sadd.s32 $0xFFFFFC00, s14;
	[sflag:s19] =	ssyncadd.s32 $0xFFFFFB00  }
0x61: {  	[spmem:s2] =	stream.indirect.scatter.add.f32 [tilespmem:s18], [sflag:$0x1], $0x1, s23, s17, $0xb8;
	[tilespmem:$0x2E00] =	vst v63  }
0x62: {  	s29 =	sadd.s32 $0xFFFFFD00, s14;
	p0 =	sne.s32 s4, $0x1  }
0x63: {  	[spmem:s2] =	stream.indirect.scatter.add.f32 [tilespmem:s18], [sflag:$0x1], $0x1, s29, s17, $0xb8;
	[tilespmem:$0x2E00] =	vst v63  }
.Ltmp0:
0x64: {  	_ = 	snop;
	(pc) =	sbr.rel @!p0 .LBB2_3-.Ltmp0, $4  }
0x65: {  	s30 =	sadd.s32 $0xFFFFFE00, s14;
	s31 =	sadd.s32 $0xFFFFFF00, s14  }
0x66: {  	[spmem:s2] =	stream.indirect.scatter.add.f32 [tilespmem:s18], [sflag:$0x1], $0x1, s30, s17, $0xb8;
	[tilespmem:$0x2E00] =	vst v63  }
0x67: {  	s24 =	sadd.s32 $0x500, s14;
	s25 =	smov.u32 s14;
	s23 =	sadd.s32 $0xFFFFFFFF, s4  }
0x68: {  	[spmem:s2] =	stream.indirect.scatter.add.f32 [tilespmem:s18], [sflag:$0x1], $0x1, s31, s17, $0xb8;
	[tilespmem:$0x2E00] =	vst v63  }
.LBB2_2:
0x69: {  	[spmem:s2] =	stream.indirect.scatter.add.f32 [tilespmem:s18], [sflag:$0x1], $0x1, s25, s17, $0xb8;
	[tilespmem:$0x2E00] =	vst v63  }
0x6a: {  	p0 =	sne.s32 s23, $0x1;
	s23 =	sadd.s32 $0xFFFFFFFF, s23;
	_ =	swait.ge [sflag:s19], $0x500  }
0x6b: {  	s25 =	smov.u32 s24;
	[sflag:s19] =	ssyncset.done $0x0  }
0x6c: {  	s26 =	sadd.s32 $0xFFFFFC00, s24;
	[sflag:s19] =	ssyncadd.s32 $0xFFFFFB00  }
0x6d: {  	[spmem:s2] =	stream.indirect.scatter.add.f32 [tilespmem:s18], [sflag:$0x1], $0x1, s26, s17, $0xb8;
	[tilespmem:$0x2E00] =	vst v63  }
0x6e: {  	s26 =	sadd.s32 $0xFFFFFD00, s24  }
0x6f: {  	[spmem:s2] =	stream.indirect.scatter.add.f32 [tilespmem:s18], [sflag:$0x1], $0x1, s26, s17, $0xb8;
	[tilespmem:$0x2E00] =	vst v63  }
.Ltmp1:
0x70: {  	s26 =	sadd.s32 $0xFFFFFE00, s24;
	(pc) =	sbr.rel @p0 .LBB2_2-.Ltmp1, $4  }
0x71: {  	[spmem:s2] =	stream.indirect.scatter.add.f32 [tilespmem:s18], [sflag:$0x1], $0x1, s26, s17, $0xb8;
	[tilespmem:$0x2E00] =	vst v63  }
0x72: {  	s26 =	sadd.s32 $0xFFFFFF00, s24  }
0x73: {  	[spmem:s2] =	stream.indirect.scatter.add.f32 [tilespmem:s18], [sflag:$0x1], $0x1, s26, s17, $0xb8;
	[tilespmem:$0x2E00] =	vst v63  }
0x74: {  	s24 =	sadd.s32 $0x500, s24  }
.LBB2_3:
0x75: {  	[spmem:s2] =	stream.indirect.scatter.add.f32 [tilespmem:s18], [sflag:$0x1], $0x1, s25, s17, $0xb8;
	[tilespmem:$0x2E00] =	vst v63  }
0x76: {  	_ =	swait.ge [sflag:s19], $0x500  }
0x77: {  	s22 =	sadd.s32 $0x1, s22;
	[sflag:s19] =	ssyncset.done $0x0  }
0x78: {  	p0 =	sne.s32 s22, s8;
	[sflag:s19] =	ssyncadd.s32 $0xFFFFFB00  }
.Ltmp2:
0x79: {  	[bflag:$0x0] =	sbarrier.arrive $0xFFFF;
	(pc) =	sbr.rel @p0 .LBB2_1-.Ltmp2, $4  }
0x7a: {  	[hbm:s7], [sflag:s20] =	dma.local [spmem:s21], $0x50  }
0x7b: {  	_ =	swait.ge [sflag:s16], $0x50  }
0x7c: {  	[sflag:s16] =	ssyncset.done $0x0  }
0x7d: {  	[sflag:s16] =	ssyncadd.s32 $0xFFFFFFB0  }
0x7e: {  	_ =	sfence.sel $0x180000  }
0x7f: {  	[bflag:$0x0] =	sbarrier.arrive $0xFFFF  }
0x80: {  	p0 =	sne.s32 s0, $0x0;
	_ =	strace $0x90000047  }
0x81: {  	s0 =	sadd.s32 @!p0 $0x100000, s1;
	[bflag:$0x2] =	sbarrier.arrive $0xFFFF  }
0x82: {  	[sflag:s0] =	ssyncadd.tile.s32 @!p0 $0x1;
	_ =	shalt  }
.Lfunc_end2:
_tile_overlayer_lowered:
.L_overlay_start_2:
0x83: {  	(tag) =	ssettag $0x2  }
0x84: {  	s0 =	rddreg [dreg:$0x0];
	s2 =	stileid.u32  }
0x85: {  	s1 =	rddreg [dreg:$0x1];
	p0 =	sne.s32 s2, $0x0  }
0x86: {  	s3 =	rddreg [dreg:$0x2];
	[bflag:$0x3] =	sbarrier.arrive $0xFFFF;
	s2 =	simm.s32 @!p0 $0x1C02  }
0x87: {  	[timem:s3], [sflag:s2] =	dma.local @!p0 [hbm:s0], s1  }
0x88: {  	s0 =	simm.s32 @!p0 $0x2  }
0x89: {  	_ =	swait.ge @!p0 [sflag:s0], s1  }
0x8a: {  	s1 =	ssub.s32 @!p0 $0x0, s1;
	[sflag:s0] =	ssyncset.done @!p0 $0x0  }
0x8b: {  	[sflag:s0] =	ssyncadd.s32 @!p0 s1  }
0x8c: {  	[bflag:$0x3] =	sbarrier.arrive $0xFFFF  }
0x8d: {  	_ =	shalt  }

</sc_bundles>
